<compile_context>
chip_gen: v7x
topology: tpu7x:2x2x1
jax: 0.10.2.dev20260603
libtpu: 0.0.44.dev20260713+nightly
codegen_flags: <defaults>
</compile_context>

<pallas_src>
import jax
import jax.numpy as jnp
from jax import lax
from jax.experimental import pallas as pl
from jax.experimental.pallas import tpu as pltpu
from jax.experimental.pallas import tpu_sc as plsc

_N = 100000
_E = 3200000
_Q = 9
_DT = 0.1

_NC = 2
_NS = 16
_NW = _NC * _NS
_SUB = 128
_NROWS = _E // _SUB
_QR = 4
_SLOT = _QR * _SUB
_PAIRS = 97
_MRPW = _PAIRS * 2 * _QR
_MROWS = _MRPW * _NW
_REMW = (_NROWS - _MROWS) // (2 * _QR)
_AW = 16
_RPT = 6256
_NPAD = _RPT * _NS


def _sc_body(fpad, src2, w1, zrows, out,
             si0, di0, wv0, rb0, si1, di1, wv1, rb1, acc,
             sem_g0, sem_g1, sem_s0, sem_s1):
    c = lax.axis_index("c")
    s = lax.axis_index("s")

    pltpu.sync_copy(zrows, rb0)
    nfull = _RPT // _SLOT
    rem = _RPT - nfull * _SLOT
    for t in range(nfull):
        pltpu.sync_copy(rb0, acc.at[pl.ds(s * _RPT + t * _SLOT, _SLOT)])
    if rem:
        pltpu.sync_copy(rb0.at[pl.ds(0, rem)],
                        acc.at[pl.ds(s * _RPT + nfull * _SLOT, rem)])
    plsc.subcore_barrier()

    wid = c * _NS + s
    base_row = wid * _MRPW
    npairs = _PAIRS + jnp.where(wid < _REMW, 1, 0)
    it = lax.broadcasted_iota(jnp.int32, (16,), 0)
    ones16 = jnp.ones((16,), jnp.float32)
    col10 = jnp.full((16,), _Q + 1, jnp.int32)
    slots = ((si0, di0, wv0, rb0, sem_g0, sem_s0),
             (si1, di1, wv1, rb1, sem_g1, sem_s1))

    def make_grp(rb, wv):
        def grp_body(g, carry2):
            ridx = it + g * 16
            wg = wv[pl.ds(g * 16, 16)]
            for q in range(_Q + 1):
                col = jnp.full((16,), q, jnp.int32)
                v = plsc.load_gather(rb, [ridx, col])
                plsc.store_scatter(rb, [ridx, col], v * wg)
            plsc.store_scatter(rb, [ridx, col10], ones16)
            return carry2
        return grp_body

    def _drain(rb, sem):
        pltpu.make_async_copy(fpad.at[pl.ds(0, _SLOT)], rb, sem).wait()

    def pair_body(p, carry):
        for b, (si, di, wv, rb, sg, ss) in enumerate(slots):
            row = jnp.where(p < _PAIRS, base_row + p * 2 * _QR,
                            _MROWS + 2 * _QR * wid) + b * _QR

            @pl.when(p > 0)
            def _():
                _drain(rb, ss)

            e0 = row * _SUB
            pltpu.sync_copy(src2.at[0, pl.ds(e0, _SLOT)], si)
            pltpu.sync_copy(src2.at[1, pl.ds(e0, _SLOT)], di)
            pltpu.sync_copy(w1.at[pl.ds(e0, _SLOT)], wv)
            for j in range(_QR):
                pltpu.async_copy(fpad.at[si.at[pl.ds(j * _SUB, _SUB)]],
                                 rb.at[pl.ds(j * _SUB, _SUB)], sg)
        for b, (si, di, wv, rb, sg, ss) in enumerate(slots):
            _drain(rb, sg)
            lax.fori_loop(0, _SLOT // 16, make_grp(rb, wv), 0)
            for j in range(_QR):
                pltpu.async_copy(rb.at[pl.ds(j * _SUB, _SUB)],
                                 acc.at[di.at[pl.ds(j * _SUB, _SUB)]],
                                 ss, add=True)
        return carry

    lax.fori_loop(0, npairs, pair_body, 0)
    for b, (si, di, wv, rb, sg, ss) in enumerate(slots):
        _drain(rb, ss)

    plsc.subcore_barrier()
    for t in range(nfull):
        r0 = s * _RPT + t * _SLOT
        pltpu.sync_copy(acc.at[pl.ds(r0, _SLOT)], rb0)
        pltpu.sync_copy(rb0, out.at[c, pl.ds(r0, _SLOT)])
    if rem:
        r0 = s * _RPT + nfull * _SLOT
        pltpu.sync_copy(acc.at[pl.ds(r0, rem)], rb0.at[pl.ds(0, rem)])
        pltpu.sync_copy(rb0.at[pl.ds(0, rem)], out.at[c, pl.ds(r0, rem)])


_sc_call = pl.kernel(
    _sc_body,
    out_type=jax.ShapeDtypeStruct((_NC, _NPAD, _AW), jnp.float32),
    mesh=plsc.VectorSubcoreMesh(core_axis_name="c", subcore_axis_name="s"),
    compiler_params=pltpu.CompilerParams(use_tc_tiling_on_sc=False,
                                         needs_layout_passes=False),
    scratch_types=[
        pltpu.VMEM((_SLOT,), jnp.int32),
        pltpu.VMEM((_SLOT,), jnp.int32),
        pltpu.VMEM((_SLOT,), jnp.float32),
        pltpu.VMEM((_SLOT, 16), jnp.float32),
        pltpu.VMEM((_SLOT,), jnp.int32),
        pltpu.VMEM((_SLOT,), jnp.int32),
        pltpu.VMEM((_SLOT,), jnp.float32),
        pltpu.VMEM((_SLOT, 16), jnp.float32),
        pltpu.VMEM_SHARED((_NPAD, _AW), jnp.float32),
        pltpu.SemaphoreType.DMA,
        pltpu.SemaphoreType.DMA,
        pltpu.SemaphoreType.DMA,
        pltpu.SemaphoreType.DMA,
    ],
)

_BN = 4000


def _tc_body(f_ref, a_ref, coll_ref, srct_ref, xi_ref, o_ref):
    a = a_ref[0] + a_ref[1]
    f = f_ref[...]
    ssum = a[:, :_Q]
    wsum = a[:, _Q:_Q + 1]
    deg = jnp.maximum(a[:, _Q + 1:_Q + 2], 1.0)
    transport = (ssum - f * wsum) / deg * xi_ref[...]
    o_ref[...] = f - _DT * (transport - coll_ref[...] + srct_ref[...])


_tc_call = pl.pallas_call(
    _tc_body,
    out_shape=jax.ShapeDtypeStruct((_N, _Q), jnp.float32),
    grid=(_N // _BN,),
    in_specs=[
        pl.BlockSpec((_BN, _Q), lambda i: (i, 0)),
        pl.BlockSpec((_NC, _BN, _AW), lambda i: (0, i, 0)),
        pl.BlockSpec((_BN, _Q), lambda i: (i, 0)),
        pl.BlockSpec((_BN, _Q), lambda i: (i, 0)),
        pl.BlockSpec((1, _Q), lambda i: (0, 0)),
    ],
    out_specs=pl.BlockSpec((_BN, _Q), lambda i: (i, 0)),
)


def kernel(f_distribution, edge_index, edge_weight, collision_term,
           source_term, xi_velocities):
    src2 = edge_index.astype(jnp.int32)
    w1 = edge_weight
    fpad = jnp.concatenate(
        [f_distribution, jnp.ones((_N, 1), jnp.float32),
         jnp.zeros((_N, 15 - _Q), jnp.float32)], axis=1)
    zrows = jnp.zeros((_SLOT, _AW), jnp.float32)
    a = _sc_call(fpad, src2, w1, zrows)
    xi2 = xi_velocities.reshape(1, _Q)
    return _tc_call(f_distribution, a, collision_term, source_term, xi2)

# --- scband reference (transcript-rebuilt; emitter-appended) ---
"""Pipeline reference for scband-boltzmann-updater-2370821947810 (READ-ONLY COPY).

The authoritative reference and input builder live on the scoring server;
editing this copy changes nothing except your own understanding.
"""

import jax, jax.numpy as jnp
import numpy as np

N = 100000
E = 3200000
Q = 9
DT = 0.1


def setup_inputs(seed: int = 0) -> dict:
    key = jax.random.key(seed)
    k1, k2, k3, k4, k5 = jax.random.split(key, 5)
    f_distribution = jax.random.normal(k1, (N, Q), dtype=jnp.float32)
    collision_term = jax.random.normal(k2, (N, Q), dtype=jnp.float32)
    source_term = jax.random.normal(k3, (N, Q), dtype=jnp.float32)
    edge_index = jax.random.randint(k4, (2, E), 0, N)
    edge_weight = jax.random.uniform(k5, (E,), dtype=jnp.float32)
    xi_velocities = jnp.array([0.0, 1.0, -1.0, 0.5, -0.5, 2.0, -2.0, 1.5, -1.5], dtype=jnp.float32)
    return {
        "f_distribution": f_distribution,
        "edge_index": edge_index,
        "edge_weight": edge_weight,
        "collision_term": collision_term,
        "source_term": source_term,
        "xi_velocities": xi_velocities,
    }


def reference(f_distribution, edge_index, edge_weight, collision_term, source_term, xi_velocities):
    src = edge_index[0]
    dst = edge_index[1]
    # in-degree of dst nodes, clamped to min 1 (DGL in_degrees().float().clamp(min=1.0))
    deg = jnp.bincount(dst, length=N).astype(jnp.float32)
    deg = jnp.clip(deg, 1.0, None)
    # message: q_ij * xi_k * (f_src - f_dst) * edge_weight, for every k simultaneously
    f_diff = jnp.take(f_distribution, src, axis=0) - jnp.take(f_distribution, dst, axis=0)  # [E, Q]
    msg = f_diff * edge_weight[:, None] / jnp.take(deg, dst)[:, None]  # [E, Q]
    # reduce: sum over incoming edges per dst node, then scale each column by xi_k
    transport = jax.ops.segment_sum(msg, dst, num_segments=N) * xi_velocities[None, :]  # [N, Q]
    f_new = f_distribution - DT * (transport - collision_term + source_term)
    return f_new

if __name__ == "__main__":
    import jax
    _d = setup_inputs()
    print(jax.jit(kernel)(*tuple(_d.values())))

</pallas_src>

<mosaic_0001>
#map = affine_map<(d0, d1) -> (0, 0)>
#map1 = affine_map<(d0, d1) -> (0)>
#map2 = affine_map<(d0, d1) -> (0, 0, 0)>
module attributes {stable_mosaic.version = 14 : i64} {
  func.func @_sc_body(%arg0: i32, %arg1: i32, %arg2: memref<100000x16xf32, #tpu.memory_space<hbm>>, %arg3: memref<2x3200000xi32, #tpu.memory_space<hbm>>, %arg4: memref<3200000xf32, #tpu.memory_space<hbm>>, %arg5: memref<512x16xf32, #tpu.memory_space<hbm>>, %arg6: memref<2x100096x16xf32, #tpu.memory_space<hbm>>, %arg7: memref<512xi32, #tpu.memory_space<vmem>>, %arg8: memref<512xi32, #tpu.memory_space<vmem>>, %arg9: memref<512xf32, #tpu.memory_space<vmem>>, %arg10: memref<512x16xf32, #tpu.memory_space<vmem>>, %arg11: memref<512xi32, #tpu.memory_space<vmem>>, %arg12: memref<512xi32, #tpu.memory_space<vmem>>, %arg13: memref<512xf32, #tpu.memory_space<vmem>>, %arg14: memref<512x16xf32, #tpu.memory_space<vmem>>, %arg15: memref<100096x16xf32, #tpu.memory_space<vmem_shared>>, %arg16: memref<!tpu.dma_semaphore, #tpu.memory_space<semaphore_mem>>, %arg17: memref<!tpu.dma_semaphore, #tpu.memory_space<semaphore_mem>>, %arg18: memref<!tpu.dma_semaphore, #tpu.memory_space<semaphore_mem>>, %arg19: memref<!tpu.dma_semaphore, #tpu.memory_space<semaphore_mem>>) attributes {dimension_semantics = [#tpu.dimension_semantics<core_parallel>, #tpu.dimension_semantics<subcore_parallel>], iteration_bounds = array<i64: 2, 16>, scalar_prefetch = 0 : i64, scratch_operands = 13 : i64, tpu.core_type = #tpu.core_type<sc_vector_subcore>, window_params = [{transform_indices = #map}, {transform_indices = #map}, {transform_indices = #map1}, {transform_indices = #map}, {transform_indices = #map2}]} {
    "tpu.region"() ({
      %run_scoped3A = tpu.sem_alloc : memref<!tpu.dma_semaphore, #tpu.memory_space<semaphore_mem>>
      tpu.enqueue_dma source(%arg5 : memref<512x16xf32, #tpu.memory_space<hbm>>) target(%arg10 : memref<512x16xf32, #tpu.memory_space<vmem>>) target_semaphore(%run_scoped3A : memref<!tpu.dma_semaphore, #tpu.memory_space<semaphore_mem>>)
      tpu.wait_dma2 semaphore(%run_scoped3A : memref<!tpu.dma_semaphore, #tpu.memory_space<semaphore_mem>>) src(%arg5 : memref<512x16xf32, #tpu.memory_space<hbm>>) dst(%arg10 : memref<512x16xf32, #tpu.memory_space<vmem>>)
      tpu.yield
    }) : () -> ()
    %mul3A = arith.constant 6256 : i32
    %mul3A_0 = arith.muli %arg1, %mul3A : i32
    %add3A = arith.constant 0 : i32
    %add3A_1 = arith.addi %mul3A_0, %add3A : i32
    "tpu.region"() ({
      %run_scoped3A = tpu.sem_alloc : memref<!tpu.dma_semaphore, #tpu.memory_space<semaphore_mem>>
      %dma_start3A = arith.constant 0 : i32
      %dma_start3A_135 = tpu.memref_slice %arg15[%add3A_1, %dma_start3A] : memref<100096x16xf32, #tpu.memory_space<vmem_shared>> -> memref<512x16xf32, #tpu.memory_space<vmem_shared>>
      %dma_start3A_136 = arith.constant 0 : i32
      %dma_start3A_137 = tpu.memref_slice %arg15[%add3A_1, %dma_start3A_136] : memref<100096x16xf32, #tpu.memory_space<vmem_shared>> -> memref<512x16xf32, #tpu.memory_space<vmem_shared>>
      tpu.enqueue_dma source(%arg10 : memref<512x16xf32, #tpu.memory_space<vmem>>) target(%dma_start3A_137 : memref<512x16xf32, #tpu.memory_space<vmem_shared>>) target_semaphore(%run_scoped3A : memref<!tpu.dma_semaphore, #tpu.memory_space<semaphore_mem>>)
      %dma_wait3A_138 = arith.constant 0 : i32
      %dma_wait3A_139 = tpu.memref_slice %arg15[%add3A_1, %dma_wait3A_138] : memref<100096x16xf32, #tpu.memory_space<vmem_shared>> -> memref<512x16xf32, #tpu.memory_space<vmem_shared>>
      %dma_wait3A_140 = arith.constant 0 : i32
      %dma_wait3A_141 = tpu.memref_slice %arg15[%add3A_1, %dma_wait3A_140] : memref<100096x16xf32, #tpu.memory_space<vmem_shared>> -> memref<512x16xf32, #tpu.memory_space<vmem_shared>>
      tpu.wait_dma2 semaphore(%run_scoped3A : memref<!tpu.dma_semaphore, #tpu.memory_space<semaphore_mem>>) src(%arg10 : memref<512x16xf32, #tpu.memory_space<vmem>>) dst(%dma_wait3A_141 : memref<512x16xf32, #tpu.memory_space<vmem_shared>>)
      tpu.yield
    }) : () -> ()
    %mul3A_2 = arith.constant 6256 : i32
    %mul3A_3 = arith.muli %arg1, %mul3A_2 : i32
    %add3A_4 = arith.constant 512 : i32
    %add3A_5 = arith.addi %mul3A_3, %add3A_4 : i32
    "tpu.region"() ({
      %run_scoped3A = tpu.sem_alloc : memref<!tpu.dma_semaphore, #tpu.memory_space<semaphore_mem>>
      %dma_start3A = arith.constant 0 : i32
      %dma_start3A_135 = tpu.memref_slice %arg15[%add3A_5, %dma_start3A] : memref<100096x16xf32, #tpu.memory_space<vmem_shared>> -> memref<512x16xf32, #tpu.memory_space<vmem_shared>>
      %dma_start3A_136 = arith.constant 0 : i32
      %dma_start3A_137 = tpu.memref_slice %arg15[%add3A_5, %dma_start3A_136] : memref<100096x16xf32, #tpu.memory_space<vmem_shared>> -> memref<512x16xf32, #tpu.memory_space<vmem_shared>>
      tpu.enqueue_dma source(%arg10 : memref<512x16xf32, #tpu.memory_space<vmem>>) target(%dma_start3A_137 : memref<512x16xf32, #tpu.memory_space<vmem_shared>>) target_semaphore(%run_scoped3A : memref<!tpu.dma_semaphore, #tpu.memory_space<semaphore_mem>>)
      %dma_wait3A_138 = arith.constant 0 : i32
      %dma_wait3A_139 = tpu.memref_slice %arg15[%add3A_5, %dma_wait3A_138] : memref<100096x16xf32, #tpu.memory_space<vmem_shared>> -> memref<512x16xf32, #tpu.memory_space<vmem_shared>>
      %dma_wait3A_140 = arith.constant 0 : i32
      %dma_wait3A_141 = tpu.memref_slice %arg15[%add3A_5, %dma_wait3A_140] : memref<100096x16xf32, #tpu.memory_space<vmem_shared>> -> memref<512x16xf32, #tpu.memory_space<vmem_shared>>
      tpu.wait_dma2 semaphore(%run_scoped3A : memref<!tpu.dma_semaphore, #tpu.memory_space<semaphore_mem>>) src(%arg10 : memref<512x16xf32, #tpu.memory_space<vmem>>) dst(%dma_wait3A_141 : memref<512x16xf32, #tpu.memory_space<vmem_shared>>)
      tpu.yield
    }) : () -> ()
    %mul3A_6 = arith.constant 6256 : i32
    %mul3A_7 = arith.muli %arg1, %mul3A_6 : i32
    %add3A_8 = arith.constant 1024 : i32
    %add3A_9 = arith.addi %mul3A_7, %add3A_8 : i32
    "tpu.region"() ({
      %run_scoped3A = tpu.sem_alloc : memref<!tpu.dma_semaphore, #tpu.memory_space<semaphore_mem>>
      %dma_start3A = arith.constant 0 : i32
      %dma_start3A_135 = tpu.memref_slice %arg15[%add3A_9, %dma_start3A] : memref<100096x16xf32, #tpu.memory_space<vmem_shared>> -> memref<512x16xf32, #tpu.memory_space<vmem_shared>>
      %dma_start3A_136 = arith.constant 0 : i32
      %dma_start3A_137 = tpu.memref_slice %arg15[%add3A_9, %dma_start3A_136] : memref<100096x16xf32, #tpu.memory_space<vmem_shared>> -> memref<512x16xf32, #tpu.memory_space<vmem_shared>>
      tpu.enqueue_dma source(%arg10 : memref<512x16xf32, #tpu.memory_space<vmem>>) target(%dma_start3A_137 : memref<512x16xf32, #tpu.memory_space<vmem_shared>>) target_semaphore(%run_scoped3A : memref<!tpu.dma_semaphore, #tpu.memory_space<semaphore_mem>>)
      %dma_wait3A_138 = arith.constant 0 : i32
      %dma_wait3A_139 = tpu.memref_slice %arg15[%add3A_9, %dma_wait3A_138] : memref<100096x16xf32, #tpu.memory_space<vmem_shared>> -> memref<512x16xf32, #tpu.memory_space<vmem_shared>>
      %dma_wait3A_140 = arith.constant 0 : i32
      %dma_wait3A_141 = tpu.memref_slice %arg15[%add3A_9, %dma_wait3A_140] : memref<100096x16xf32, #tpu.memory_space<vmem_shared>> -> memref<512x16xf32, #tpu.memory_space<vmem_shared>>
      tpu.wait_dma2 semaphore(%run_scoped3A : memref<!tpu.dma_semaphore, #tpu.memory_space<semaphore_mem>>) src(%arg10 : memref<512x16xf32, #tpu.memory_space<vmem>>) dst(%dma_wait3A_141 : memref<512x16xf32, #tpu.memory_space<vmem_shared>>)
      tpu.yield
    }) : () -> ()
    %mul3A_10 = arith.constant 6256 : i32
    %mul3A_11 = arith.muli %arg1, %mul3A_10 : i32
    %add3A_12 = arith.constant 1536 : i32
    %add3A_13 = arith.addi %mul3A_11, %add3A_12 : i32
    "tpu.region"() ({
      %run_scoped3A = tpu.sem_alloc : memref<!tpu.dma_semaphore, #tpu.memory_space<semaphore_mem>>
      %dma_start3A = arith.constant 0 : i32
      %dma_start3A_135 = tpu.memref_slice %arg15[%add3A_13, %dma_start3A] : memref<100096x16xf32, #tpu.memory_space<vmem_shared>> -> memref<512x16xf32, #tpu.memory_space<vmem_shared>>
      %dma_start3A_136 = arith.constant 0 : i32
      %dma_start3A_137 = tpu.memref_slice %arg15[%add3A_13, %dma_start3A_136] : memref<100096x16xf32, #tpu.memory_space<vmem_shared>> -> memref<512x16xf32, #tpu.memory_space<vmem_shared>>
      tpu.enqueue_dma source(%arg10 : memref<512x16xf32, #tpu.memory_space<vmem>>) target(%dma_start3A_137 : memref<512x16xf32, #tpu.memory_space<vmem_shared>>) target_semaphore(%run_scoped3A : memref<!tpu.dma_semaphore, #tpu.memory_space<semaphore_mem>>)
      %dma_wait3A_138 = arith.constant 0 : i32
      %dma_wait3A_139 = tpu.memref_slice %arg15[%add3A_13, %dma_wait3A_138] : memref<100096x16xf32, #tpu.memory_space<vmem_shared>> -> memref<512x16xf32, #tpu.memory_space<vmem_shared>>
      %dma_wait3A_140 = arith.constant 0 : i32
      %dma_wait3A_141 = tpu.memref_slice %arg15[%add3A_13, %dma_wait3A_140] : memref<100096x16xf32, #tpu.memory_space<vmem_shared>> -> memref<512x16xf32, #tpu.memory_space<vmem_shared>>
      tpu.wait_dma2 semaphore(%run_scoped3A : memref<!tpu.dma_semaphore, #tpu.memory_space<semaphore_mem>>) src(%arg10 : memref<512x16xf32, #tpu.memory_space<vmem>>) dst(%dma_wait3A_141 : memref<512x16xf32, #tpu.memory_space<vmem_shared>>)
      tpu.yield
    }) : () -> ()
    %mul3A_14 = arith.constant 6256 : i32
    %mul3A_15 = arith.muli %arg1, %mul3A_14 : i32
    %add3A_16 = arith.constant 2048 : i32
    %add3A_17 = arith.addi %mul3A_15, %add3A_16 : i32
    "tpu.region"() ({
      %run_scoped3A = tpu.sem_alloc : memref<!tpu.dma_semaphore, #tpu.memory_space<semaphore_mem>>
      %dma_start3A = arith.constant 0 : i32
      %dma_start3A_135 = tpu.memref_slice %arg15[%add3A_17, %dma_start3A] : memref<100096x16xf32, #tpu.memory_space<vmem_shared>> -> memref<512x16xf32, #tpu.memory_space<vmem_shared>>
      %dma_start3A_136 = arith.constant 0 : i32
      %dma_start3A_137 = tpu.memref_slice %arg15[%add3A_17, %dma_start3A_136] : memref<100096x16xf32, #tpu.memory_space<vmem_shared>> -> memref<512x16xf32, #tpu.memory_space<vmem_shared>>
      tpu.enqueue_dma source(%arg10 : memref<512x16xf32, #tpu.memory_space<vmem>>) target(%dma_start3A_137 : memref<512x16xf32, #tpu.memory_space<vmem_shared>>) target_semaphore(%run_scoped3A : memref<!tpu.dma_semaphore, #tpu.memory_space<semaphore_mem>>)
      %dma_wait3A_138 = arith.constant 0 : i32
      %dma_wait3A_139 = tpu.memref_slice %arg15[%add3A_17, %dma_wait3A_138] : memref<100096x16xf32, #tpu.memory_space<vmem_shared>> -> memref<512x16xf32, #tpu.memory_space<vmem_shared>>
      %dma_wait3A_140 = arith.constant 0 : i32
      %dma_wait3A_141 = tpu.memref_slice %arg15[%add3A_17, %dma_wait3A_140] : memref<100096x16xf32, #tpu.memory_space<vmem_shared>> -> memref<512x16xf32, #tpu.memory_space<vmem_shared>>
      tpu.wait_dma2 semaphore(%run_scoped3A : memref<!tpu.dma_semaphore, #tpu.memory_space<semaphore_mem>>) src(%arg10 : memref<512x16xf32, #tpu.memory_space<vmem>>) dst(%dma_wait3A_141 : memref<512x16xf32, #tpu.memory_space<vmem_shared>>)
      tpu.yield
    }) : () -> ()
    %mul3A_18 = arith.constant 6256 : i32
    %mul3A_19 = arith.muli %arg1, %mul3A_18 : i32
    %add3A_20 = arith.constant 2560 : i32
    %add3A_21 = arith.addi %mul3A_19, %add3A_20 : i32
    "tpu.region"() ({
      %run_scoped3A = tpu.sem_alloc : memref<!tpu.dma_semaphore, #tpu.memory_space<semaphore_mem>>
      %dma_start3A = arith.constant 0 : i32
      %dma_start3A_135 = tpu.memref_slice %arg15[%add3A_21, %dma_start3A] : memref<100096x16xf32, #tpu.memory_space<vmem_shared>> -> memref<512x16xf32, #tpu.memory_space<vmem_shared>>
      %dma_start3A_136 = arith.constant 0 : i32
      %dma_start3A_137 = tpu.memref_slice %arg15[%add3A_21, %dma_start3A_136] : memref<100096x16xf32, #tpu.memory_space<vmem_shared>> -> memref<512x16xf32, #tpu.memory_space<vmem_shared>>
      tpu.enqueue_dma source(%arg10 : memref<512x16xf32, #tpu.memory_space<vmem>>) target(%dma_start3A_137 : memref<512x16xf32, #tpu.memory_space<vmem_shared>>) target_semaphore(%run_scoped3A : memref<!tpu.dma_semaphore, #tpu.memory_space<semaphore_mem>>)
      %dma_wait3A_138 = arith.constant 0 : i32
      %dma_wait3A_139 = tpu.memref_slice %arg15[%add3A_21, %dma_wait3A_138] : memref<100096x16xf32, #tpu.memory_space<vmem_shared>> -> memref<512x16xf32, #tpu.memory_space<vmem_shared>>
      %dma_wait3A_140 = arith.constant 0 : i32
      %dma_wait3A_141 = tpu.memref_slice %arg15[%add3A_21, %dma_wait3A_140] : memref<100096x16xf32, #tpu.memory_space<vmem_shared>> -> memref<512x16xf32, #tpu.memory_space<vmem_shared>>
      tpu.wait_dma2 semaphore(%run_scoped3A : memref<!tpu.dma_semaphore, #tpu.memory_space<semaphore_mem>>) src(%arg10 : memref<512x16xf32, #tpu.memory_space<vmem>>) dst(%dma_wait3A_141 : memref<512x16xf32, #tpu.memory_space<vmem_shared>>)
      tpu.yield
    }) : () -> ()
    %mul3A_22 = arith.constant 6256 : i32
    %mul3A_23 = arith.muli %arg1, %mul3A_22 : i32
    %add3A_24 = arith.constant 3072 : i32
    %add3A_25 = arith.addi %mul3A_23, %add3A_24 : i32
    "tpu.region"() ({
      %run_scoped3A = tpu.sem_alloc : memref<!tpu.dma_semaphore, #tpu.memory_space<semaphore_mem>>
      %dma_start3A = arith.constant 0 : i32
      %dma_start3A_135 = tpu.memref_slice %arg15[%add3A_25, %dma_start3A] : memref<100096x16xf32, #tpu.memory_space<vmem_shared>> -> memref<512x16xf32, #tpu.memory_space<vmem_shared>>
      %dma_start3A_136 = arith.constant 0 : i32
      %dma_start3A_137 = tpu.memref_slice %arg15[%add3A_25, %dma_start3A_136] : memref<100096x16xf32, #tpu.memory_space<vmem_shared>> -> memref<512x16xf32, #tpu.memory_space<vmem_shared>>
      tpu.enqueue_dma source(%arg10 : memref<512x16xf32, #tpu.memory_space<vmem>>) target(%dma_start3A_137 : memref<512x16xf32, #tpu.memory_space<vmem_shared>>) target_semaphore(%run_scoped3A : memref<!tpu.dma_semaphore, #tpu.memory_space<semaphore_mem>>)
      %dma_wait3A_138 = arith.constant 0 : i32
      %dma_wait3A_139 = tpu.memref_slice %arg15[%add3A_25, %dma_wait3A_138] : memref<100096x16xf32, #tpu.memory_space<vmem_shared>> -> memref<512x16xf32, #tpu.memory_space<vmem_shared>>
      %dma_wait3A_140 = arith.constant 0 : i32
      %dma_wait3A_141 = tpu.memref_slice %arg15[%add3A_25, %dma_wait3A_140] : memref<100096x16xf32, #tpu.memory_space<vmem_shared>> -> memref<512x16xf32, #tpu.memory_space<vmem_shared>>
      tpu.wait_dma2 semaphore(%run_scoped3A : memref<!tpu.dma_semaphore, #tpu.memory_space<semaphore_mem>>) src(%arg10 : memref<512x16xf32, #tpu.memory_space<vmem>>) dst(%dma_wait3A_141 : memref<512x16xf32, #tpu.memory_space<vmem_shared>>)
      tpu.yield
    }) : () -> ()
    %mul3A_26 = arith.constant 6256 : i32
    %mul3A_27 = arith.muli %arg1, %mul3A_26 : i32
    %add3A_28 = arith.constant 3584 : i32
    %add3A_29 = arith.addi %mul3A_27, %add3A_28 : i32
    "tpu.region"() ({
      %run_scoped3A = tpu.sem_alloc : memref<!tpu.dma_semaphore, #tpu.memory_space<semaphore_mem>>
      %dma_start3A = arith.constant 0 : i32
      %dma_start3A_135 = tpu.memref_slice %arg15[%add3A_29, %dma_start3A] : memref<100096x16xf32, #tpu.memory_space<vmem_shared>> -> memref<512x16xf32, #tpu.memory_space<vmem_shared>>
      %dma_start3A_136 = arith.constant 0 : i32
      %dma_start3A_137 = tpu.memref_slice %arg15[%add3A_29, %dma_start3A_136] : memref<100096x16xf32, #tpu.memory_space<vmem_shared>> -> memref<512x16xf32, #tpu.memory_space<vmem_shared>>
      tpu.enqueue_dma source(%arg10 : memref<512x16xf32, #tpu.memory_space<vmem>>) target(%dma_start3A_137 : memref<512x16xf32, #tpu.memory_space<vmem_shared>>) target_semaphore(%run_scoped3A : memref<!tpu.dma_semaphore, #tpu.memory_space<semaphore_mem>>)
      %dma_wait3A_138 = arith.constant 0 : i32
      %dma_wait3A_139 = tpu.memref_slice %arg15[%add3A_29, %dma_wait3A_138] : memref<100096x16xf32, #tpu.memory_space<vmem_shared>> -> memref<512x16xf32, #tpu.memory_space<vmem_shared>>
      %dma_wait3A_140 = arith.constant 0 : i32
      %dma_wait3A_141 = tpu.memref_slice %arg15[%add3A_29, %dma_wait3A_140] : memref<100096x16xf32, #tpu.memory_space<vmem_shared>> -> memref<512x16xf32, #tpu.memory_space<vmem_shared>>
      tpu.wait_dma2 semaphore(%run_scoped3A : memref<!tpu.dma_semaphore, #tpu.memory_space<semaphore_mem>>) src(%arg10 : memref<512x16xf32, #tpu.memory_space<vmem>>) dst(%dma_wait3A_141 : memref<512x16xf32, #tpu.memory_space<vmem_shared>>)
      tpu.yield
    }) : () -> ()
    %mul3A_30 = arith.constant 6256 : i32
    %mul3A_31 = arith.muli %arg1, %mul3A_30 : i32
    %add3A_32 = arith.constant 4096 : i32
    %add3A_33 = arith.addi %mul3A_31, %add3A_32 : i32
    "tpu.region"() ({
      %run_scoped3A = tpu.sem_alloc : memref<!tpu.dma_semaphore, #tpu.memory_space<semaphore_mem>>
      %dma_start3A = arith.constant 0 : i32
      %dma_start3A_135 = tpu.memref_slice %arg15[%add3A_33, %dma_start3A] : memref<100096x16xf32, #tpu.memory_space<vmem_shared>> -> memref<512x16xf32, #tpu.memory_space<vmem_shared>>
      %dma_start3A_136 = arith.constant 0 : i32
      %dma_start3A_137 = tpu.memref_slice %arg15[%add3A_33, %dma_start3A_136] : memref<100096x16xf32, #tpu.memory_space<vmem_shared>> -> memref<512x16xf32, #tpu.memory_space<vmem_shared>>
      tpu.enqueue_dma source(%arg10 : memref<512x16xf32, #tpu.memory_space<vmem>>) target(%dma_start3A_137 : memref<512x16xf32, #tpu.memory_space<vmem_shared>>) target_semaphore(%run_scoped3A : memref<!tpu.dma_semaphore, #tpu.memory_space<semaphore_mem>>)
      %dma_wait3A_138 = arith.constant 0 : i32
      %dma_wait3A_139 = tpu.memref_slice %arg15[%add3A_33, %dma_wait3A_138] : memref<100096x16xf32, #tpu.memory_space<vmem_shared>> -> memref<512x16xf32, #tpu.memory_space<vmem_shared>>
      %dma_wait3A_140 = arith.constant 0 : i32
      %dma_wait3A_141 = tpu.memref_slice %arg15[%add3A_33, %dma_wait3A_140] : memref<100096x16xf32, #tpu.memory_space<vmem_shared>> -> memref<512x16xf32, #tpu.memory_space<vmem_shared>>
      tpu.wait_dma2 semaphore(%run_scoped3A : memref<!tpu.dma_semaphore, #tpu.memory_space<semaphore_mem>>) src(%arg10 : memref<512x16xf32, #tpu.memory_space<vmem>>) dst(%dma_wait3A_141 : memref<512x16xf32, #tpu.memory_space<vmem_shared>>)
      tpu.yield
    }) : () -> ()
    %mul3A_34 = arith.constant 6256 : i32
    %mul3A_35 = arith.muli %arg1, %mul3A_34 : i32
    %add3A_36 = arith.constant 4608 : i32
    %add3A_37 = arith.addi %mul3A_35, %add3A_36 : i32
    "tpu.region"() ({
      %run_scoped3A = tpu.sem_alloc : memref<!tpu.dma_semaphore, #tpu.memory_space<semaphore_mem>>
      %dma_start3A = arith.constant 0 : i32
      %dma_start3A_135 = tpu.memref_slice %arg15[%add3A_37, %dma_start3A] : memref<100096x16xf32, #tpu.memory_space<vmem_shared>> -> memref<512x16xf32, #tpu.memory_space<vmem_shared>>
      %dma_start3A_136 = arith.constant 0 : i32
      %dma_start3A_137 = tpu.memref_slice %arg15[%add3A_37, %dma_start3A_136] : memref<100096x16xf32, #tpu.memory_space<vmem_shared>> -> memref<512x16xf32, #tpu.memory_space<vmem_shared>>
      tpu.enqueue_dma source(%arg10 : memref<512x16xf32, #tpu.memory_space<vmem>>) target(%dma_start3A_137 : memref<512x16xf32, #tpu.memory_space<vmem_shared>>) target_semaphore(%run_scoped3A : memref<!tpu.dma_semaphore, #tpu.memory_space<semaphore_mem>>)
      %dma_wait3A_138 = arith.constant 0 : i32
      %dma_wait3A_139 = tpu.memref_slice %arg15[%add3A_37, %dma_wait3A_138] : memref<100096x16xf32, #tpu.memory_space<vmem_shared>> -> memref<512x16xf32, #tpu.memory_space<vmem_shared>>
      %dma_wait3A_140 = arith.constant 0 : i32
      %dma_wait3A_141 = tpu.memref_slice %arg15[%add3A_37, %dma_wait3A_140] : memref<100096x16xf32, #tpu.memory_space<vmem_shared>> -> memref<512x16xf32, #tpu.memory_space<vmem_shared>>
      tpu.wait_dma2 semaphore(%run_scoped3A : memref<!tpu.dma_semaphore, #tpu.memory_space<semaphore_mem>>) src(%arg10 : memref<512x16xf32, #tpu.memory_space<vmem>>) dst(%dma_wait3A_141 : memref<512x16xf32, #tpu.memory_space<vmem_shared>>)
      tpu.yield
    }) : () -> ()
    %mul3A_38 = arith.constant 6256 : i32
    %mul3A_39 = arith.muli %arg1, %mul3A_38 : i32
    %add3A_40 = arith.constant 5120 : i32
    %add3A_41 = arith.addi %mul3A_39, %add3A_40 : i32
    "tpu.region"() ({
      %run_scoped3A = tpu.sem_alloc : memref<!tpu.dma_semaphore, #tpu.memory_space<semaphore_mem>>
      %dma_start3A = arith.constant 0 : i32
      %dma_start3A_135 = tpu.memref_slice %arg15[%add3A_41, %dma_start3A] : memref<100096x16xf32, #tpu.memory_space<vmem_shared>> -> memref<512x16xf32, #tpu.memory_space<vmem_shared>>
      %dma_start3A_136 = arith.constant 0 : i32
      %dma_start3A_137 = tpu.memref_slice %arg15[%add3A_41, %dma_start3A_136] : memref<100096x16xf32, #tpu.memory_space<vmem_shared>> -> memref<512x16xf32, #tpu.memory_space<vmem_shared>>
      tpu.enqueue_dma source(%arg10 : memref<512x16xf32, #tpu.memory_space<vmem>>) target(%dma_start3A_137 : memref<512x16xf32, #tpu.memory_space<vmem_shared>>) target_semaphore(%run_scoped3A : memref<!tpu.dma_semaphore, #tpu.memory_space<semaphore_mem>>)
      %dma_wait3A_138 = arith.constant 0 : i32
      %dma_wait3A_139 = tpu.memref_slice %arg15[%add3A_41, %dma_wait3A_138] : memref<100096x16xf32, #tpu.memory_space<vmem_shared>> -> memref<512x16xf32, #tpu.memory_space<vmem_shared>>
      %dma_wait3A_140 = arith.constant 0 : i32
      %dma_wait3A_141 = tpu.memref_slice %arg15[%add3A_41, %dma_wait3A_140] : memref<100096x16xf32, #tpu.memory_space<vmem_shared>> -> memref<512x16xf32, #tpu.memory_space<vmem_shared>>
      tpu.wait_dma2 semaphore(%run_scoped3A : memref<!tpu.dma_semaphore, #tpu.memory_space<semaphore_mem>>) src(%arg10 : memref<512x16xf32, #tpu.memory_space<vmem>>) dst(%dma_wait3A_141 : memref<512x16xf32, #tpu.memory_space<vmem_shared>>)
      tpu.yield
    }) : () -> ()
    %mul3A_42 = arith.constant 6256 : i32
    %mul3A_43 = arith.muli %arg1, %mul3A_42 : i32
    %add3A_44 = arith.constant 5632 : i32
    %add3A_45 = arith.addi %mul3A_43, %add3A_44 : i32
    "tpu.region"() ({
      %run_scoped3A = tpu.sem_alloc : memref<!tpu.dma_semaphore, #tpu.memory_space<semaphore_mem>>
      %dma_start3A = arith.constant 0 : i32
      %dma_start3A_135 = tpu.memref_slice %arg15[%add3A_45, %dma_start3A] : memref<100096x16xf32, #tpu.memory_space<vmem_shared>> -> memref<512x16xf32, #tpu.memory_space<vmem_shared>>
      %dma_start3A_136 = arith.constant 0 : i32
      %dma_start3A_137 = tpu.memref_slice %arg15[%add3A_45, %dma_start3A_136] : memref<100096x16xf32, #tpu.memory_space<vmem_shared>> -> memref<512x16xf32, #tpu.memory_space<vmem_shared>>
      tpu.enqueue_dma source(%arg10 : memref<512x16xf32, #tpu.memory_space<vmem>>) target(%dma_start3A_137 : memref<512x16xf32, #tpu.memory_space<vmem_shared>>) target_semaphore(%run_scoped3A : memref<!tpu.dma_semaphore, #tpu.memory_space<semaphore_mem>>)
      %dma_wait3A_138 = arith.constant 0 : i32
      %dma_wait3A_139 = tpu.memref_slice %arg15[%add3A_45, %dma_wait3A_138] : memref<100096x16xf32, #tpu.memory_space<vmem_shared>> -> memref<512x16xf32, #tpu.memory_space<vmem_shared>>
      %dma_wait3A_140 = arith.constant 0 : i32
      %dma_wait3A_141 = tpu.memref_slice %arg15[%add3A_45, %dma_wait3A_140] : memref<100096x16xf32, #tpu.memory_space<vmem_shared>> -> memref<512x16xf32, #tpu.memory_space<vmem_shared>>
      tpu.wait_dma2 semaphore(%run_scoped3A : memref<!tpu.dma_semaphore, #tpu.memory_space<semaphore_mem>>) src(%arg10 : memref<512x16xf32, #tpu.memory_space<vmem>>) dst(%dma_wait3A_141 : memref<512x16xf32, #tpu.memory_space<vmem_shared>>)
      tpu.yield
    }) : () -> ()
    %mul3A_46 = arith.constant 6256 : i32
    %mul3A_47 = arith.muli %arg1, %mul3A_46 : i32
    %add3A_48 = arith.constant 6144 : i32
    %add3A_49 = arith.addi %mul3A_47, %add3A_48 : i32
    "tpu.region"() ({
      %run_scoped3A = tpu.sem_alloc : memref<!tpu.dma_semaphore, #tpu.memory_space<semaphore_mem>>
      %dma_start3A = arith.constant 0 : i32
      %dma_start3A_135 = arith.constant 0 : i32
      %dma_start3A_136 = tpu.memref_slice %arg10[%dma_start3A, %dma_start3A_135] : memref<512x16xf32, #tpu.memory_space<vmem>> -> memref<112x16xf32, #tpu.memory_space<vmem>>
      %dma_start3A_137 = arith.constant 0 : i32
      %dma_start3A_138 = tpu.memref_slice %arg15[%add3A_49, %dma_start3A_137] : memref<100096x16xf32, #tpu.memory_space<vmem_shared>> -> memref<112x16xf32, #tpu.memory_space<vmem_shared>>
      %dma_start3A_139 = arith.constant 0 : i32
      %dma_start3A_140 = tpu.memref_slice %arg15[%add3A_49, %dma_start3A_139] : memref<100096x16xf32, #tpu.memory_space<vmem_shared>> -> memref<112x16xf32, #tpu.memory_space<vmem_shared>>
      %dma_start3A_141 = arith.constant 0 : i32
      %dma_start3A_142 = arith.constant 0 : i32
      %dma_start3A_143 = tpu.memref_slice %arg10[%dma_start3A_141, %dma_start3A_142] : memref<512x16xf32, #tpu.memory_space<vmem>> -> memref<112x16xf32, #tpu.memory_space<vmem>>
      tpu.enqueue_dma source(%dma_start3A_143 : memref<112x16xf32, #tpu.memory_space<vmem>>) target(%dma_start3A_140 : memref<112x16xf32, #tpu.memory_space<vmem_shared>>) target_semaphore(%run_scoped3A : memref<!tpu.dma_semaphore, #tpu.memory_space<semaphore_mem>>)
      %dma_wait3A_144 = arith.constant 0 : i32
      %dma_wait3A_145 = arith.constant 0 : i32
      %dma_wait3A_146 = tpu.memref_slice %arg10[%dma_wait3A_144, %dma_wait3A_145] : memref<512x16xf32, #tpu.memory_space<vmem>> -> memref<112x16xf32, #tpu.memory_space<vmem>>
      %dma_wait3A_147 = arith.constant 0 : i32
      %dma_wait3A_148 = tpu.memref_slice %arg15[%add3A_49, %dma_wait3A_147] : memref<100096x16xf32, #tpu.memory_space<vmem_shared>> -> memref<112x16xf32, #tpu.memory_space<vmem_shared>>
      %dma_wait3A_149 = arith.constant 0 : i32
      %dma_wait3A_150 = tpu.memref_slice %arg15[%add3A_49, %dma_wait3A_149] : memref<100096x16xf32, #tpu.memory_space<vmem_shared>> -> memref<112x16xf32, #tpu.memory_space<vmem_shared>>
      %dma_wait3A_151 = arith.constant 0 : i32
      %dma_wait3A_152 = arith.constant 0 : i32
      %dma_wait3A_153 = tpu.memref_slice %arg10[%dma_wait3A_151, %dma_wait3A_152] : memref<512x16xf32, #tpu.memory_space<vmem>> -> memref<112x16xf32, #tpu.memory_space<vmem>>
      tpu.wait_dma2 semaphore(%run_scoped3A : memref<!tpu.dma_semaphore, #tpu.memory_space<semaphore_mem>>) src(%dma_wait3A_153 : memref<112x16xf32, #tpu.memory_space<vmem>>) dst(%dma_wait3A_150 : memref<112x16xf32, #tpu.memory_space<vmem_shared>>)
      tpu.yield
    }) : () -> ()
    %barrier3A = arith.constant 0 : index
    tpu.barrier barrier_id(%barrier3A)
    %mul3A_50 = arith.constant 16 : i32
    %mul3A_51 = arith.muli %arg0, %mul3A_50 : i32
    %add3A_52 = arith.addi %mul3A_51, %arg1 : i32
    %mul3A_53 = arith.constant 776 : i32
    %mul3A_54 = arith.muli %add3A_52, %mul3A_53 : i32
    %lt3A = arith.constant 21 : i32
    %lt3A_55 = arith.cmpi slt, %add3A_52, %lt3A : i32
    %jit3A = arith.constant 1 : i32
    %jit3A_56 = arith.constant 0 : i32
    %select_n3A = arith.select %lt3A_55, %jit3A, %jit3A_56 : i32
    %add3A_57 = arith.constant 97 : i32
    %add3A_58 = arith.addi %add3A_57, %select_n3A : i32
    %iota3A = tpu.iota {dimensions = array<i32: 0>} : vector<16xi32>
    %broadcast_in_dim3A = arith.constant 1.000000e+00 : f32
    %broadcast_in_dim3A_59 = vector.broadcast %broadcast_in_dim3A : f32 to vector<16xf32>
    %broadcast_in_dim3A_60 = arith.constant 10 : i32
    %broadcast_in_dim3A_61 = vector.broadcast %broadcast_in_dim3A_60 : i32 to vector<16xi32>
    %while3A = arith.constant 0 : i32
    %while3A_62 = arith.constant 0 : i32
    %while3A_63 = arith.subi %add3A_58, %while3A_62 : i32
    %while3A_64 = arith.addi %while3A_62, %while3A_63 : i32
    %while3A_65 = arith.constant 1 : i32
    %while3A_66 = arith.divsi %while3A_63, %while3A_65 : i32
    %while3A_67 = arith.muli %while3A_66, %while3A_65 : i32
    %while3A_68 = arith.addi %while3A_62, %while3A_67 : i32
    %while3A_69 = arith.constant 1 : i32
    scf.for %while3A_135 = %while3A_62 to %while3A_68 step %while3A_69  : i32 {
      %lt3A_136 = arith.constant 97 : i32
      %lt3A_137 = arith.cmpi slt, %while3A_135, %lt3A_136 : i32
      %mul3A_138 = arith.constant 2 : i32
      %mul3A_139 = arith.muli %while3A_135, %mul3A_138 : i32
      %mul3A_140 = arith.constant 4 : i32
      %mul3A_141 = arith.muli %mul3A_139, %mul3A_140 : i32
      %add3A_142 = arith.addi %mul3A_54, %mul3A_141 : i32
      %mul3A_143 = arith.constant 8 : i32
      %mul3A_144 = arith.muli %mul3A_143, %add3A_52 : i32
      %add3A_145 = arith.constant 24832 : i32
      %add3A_146 = arith.addi %add3A_145, %mul3A_144 : i32
      %select_n3A_147 = arith.select %lt3A_137, %add3A_142, %add3A_146 : i32
      %add3A_148 = arith.constant 0 : i32
      %add3A_149 = arith.addi %select_n3A_147, %add3A_148 : i32
      %gt3A = arith.constant 0 : i32
      %gt3A_150 = arith.cmpi sgt, %while3A_135, %gt3A : i32
      %convert_element_type3A = arith.extui %gt3A_150 : i1 to i32
      %cond3A = arith.constant 0 : i32
      %cond3A_151 = arith.cmpi ne, %convert_element_type3A, %cond3A : i32
      scf.if %cond3A_151 {
        %dma_wait3A_328 = arith.constant 0 : i32
        %dma_wait3A_329 = arith.constant 0 : i32
        %dma_wait3A_330 = tpu.memref_slice %arg2[%dma_wait3A_328, %dma_wait3A_329] : memref<100000x16xf32, #tpu.memory_space<hbm>> -> memref<512x16xf32, #tpu.memory_space<hbm>>
        %dma_wait3A_331 = arith.constant 0 : i32
        %dma_wait3A_332 = arith.constant 0 : i32
        %dma_wait3A_333 = tpu.memref_slice %arg2[%dma_wait3A_331, %dma_wait3A_332] : memref<100000x16xf32, #tpu.memory_space<hbm>> -> memref<512x16xf32, #tpu.memory_space<hbm>>
        tpu.wait_dma2 semaphore(%arg18 : memref<!tpu.dma_semaphore, #tpu.memory_space<semaphore_mem>>) src(%dma_wait3A_333 : memref<512x16xf32, #tpu.memory_space<hbm>>) dst(%arg10 : memref<512x16xf32, #tpu.memory_space<vmem>>)
      } else {
      }
      %mul3A_152 = arith.constant 128 : i32
      %mul3A_153 = arith.muli %add3A_149, %mul3A_152 : i32
      %run_scoped3A = arith.constant 0 : i32
      "tpu.region"() ({
        %run_scoped3A_328 = tpu.sem_alloc : memref<!tpu.dma_semaphore, #tpu.memory_space<semaphore_mem>>
        %dma_start3A_329 = tpu.memref_slice %arg3[%run_scoped3A, %mul3A_153] : memref<2x3200000xi32, #tpu.memory_space<hbm>> -> memref<1x512xi32, #tpu.memory_space<hbm>>
        %dma_start3A_330 = tpu.memref_squeeze %dma_start3A_329 : memref<1x512xi32, #tpu.memory_space<hbm>> -> memref<512xi32, #tpu.memory_space<hbm>>
        %dma_start3A_331 = tpu.memref_slice %arg3[%run_scoped3A, %mul3A_153] : memref<2x3200000xi32, #tpu.memory_space<hbm>> -> memref<1x512xi32, #tpu.memory_space<hbm>>
        %dma_start3A_332 = tpu.memref_squeeze %dma_start3A_331 : memref<1x512xi32, #tpu.memory_space<hbm>> -> memref<512xi32, #tpu.memory_space<hbm>>
        tpu.enqueue_dma source(%dma_start3A_332 : memref<512xi32, #tpu.memory_space<hbm>>) target(%arg7 : memref<512xi32, #tpu.memory_space<vmem>>) target_semaphore(%run_scoped3A_328 : memref<!tpu.dma_semaphore, #tpu.memory_space<semaphore_mem>>)
        %dma_wait3A_333 = tpu.memref_slice %arg3[%run_scoped3A, %mul3A_153] : memref<2x3200000xi32, #tpu.memory_space<hbm>> -> memref<1x512xi32, #tpu.memory_space<hbm>>
        %dma_wait3A_334 = tpu.memref_squeeze %dma_wait3A_333 : memref<1x512xi32, #tpu.memory_space<hbm>> -> memref<512xi32, #tpu.memory_space<hbm>>
        %dma_wait3A_335 = tpu.memref_slice %arg3[%run_scoped3A, %mul3A_153] : memref<2x3200000xi32, #tpu.memory_space<hbm>> -> memref<1x512xi32, #tpu.memory_space<hbm>>
        %dma_wait3A_336 = tpu.memref_squeeze %dma_wait3A_335 : memref<1x512xi32, #tpu.memory_space<hbm>> -> memref<512xi32, #tpu.memory_space<hbm>>
        tpu.wait_dma2 semaphore(%run_scoped3A_328 : memref<!tpu.dma_semaphore, #tpu.memory_space<semaphore_mem>>) src(%dma_wait3A_336 : memref<512xi32, #tpu.memory_space<hbm>>) dst(%arg7 : memref<512xi32, #tpu.memory_space<vmem>>)
        tpu.yield
      }) : () -> ()
      %run_scoped3A_154 = arith.constant 1 : i32
      "tpu.region"() ({
        %run_scoped3A_328 = tpu.sem_alloc : memref<!tpu.dma_semaphore, #tpu.memory_space<semaphore_mem>>
        %dma_start3A_329 = tpu.memref_slice %arg3[%run_scoped3A_154, %mul3A_153] : memref<2x3200000xi32, #tpu.memory_space<hbm>> -> memref<1x512xi32, #tpu.memory_space<hbm>>
        %dma_start3A_330 = tpu.memref_squeeze %dma_start3A_329 : memref<1x512xi32, #tpu.memory_space<hbm>> -> memref<512xi32, #tpu.memory_space<hbm>>
        %dma_start3A_331 = tpu.memref_slice %arg3[%run_scoped3A_154, %mul3A_153] : memref<2x3200000xi32, #tpu.memory_space<hbm>> -> memref<1x512xi32, #tpu.memory_space<hbm>>
        %dma_start3A_332 = tpu.memref_squeeze %dma_start3A_331 : memref<1x512xi32, #tpu.memory_space<hbm>> -> memref<512xi32, #tpu.memory_space<hbm>>
        tpu.enqueue_dma source(%dma_start3A_332 : memref<512xi32, #tpu.memory_space<hbm>>) target(%arg8 : memref<512xi32, #tpu.memory_space<vmem>>) target_semaphore(%run_scoped3A_328 : memref<!tpu.dma_semaphore, #tpu.memory_space<semaphore_mem>>)
        %dma_wait3A_333 = tpu.memref_slice %arg3[%run_scoped3A_154, %mul3A_153] : memref<2x3200000xi32, #tpu.memory_space<hbm>> -> memref<1x512xi32, #tpu.memory_space<hbm>>
        %dma_wait3A_334 = tpu.memref_squeeze %dma_wait3A_333 : memref<1x512xi32, #tpu.memory_space<hbm>> -> memref<512xi32, #tpu.memory_space<hbm>>
        %dma_wait3A_335 = tpu.memref_slice %arg3[%run_scoped3A_154, %mul3A_153] : memref<2x3200000xi32, #tpu.memory_space<hbm>> -> memref<1x512xi32, #tpu.memory_space<hbm>>
        %dma_wait3A_336 = tpu.memref_squeeze %dma_wait3A_335 : memref<1x512xi32, #tpu.memory_space<hbm>> -> memref<512xi32, #tpu.memory_space<hbm>>
        tpu.wait_dma2 semaphore(%run_scoped3A_328 : memref<!tpu.dma_semaphore, #tpu.memory_space<semaphore_mem>>) src(%dma_wait3A_336 : memref<512xi32, #tpu.memory_space<hbm>>) dst(%arg8 : memref<512xi32, #tpu.memory_space<vmem>>)
        tpu.yield
      }) : () -> ()
      "tpu.region"() ({
        %run_scoped3A_328 = tpu.sem_alloc : memref<!tpu.dma_semaphore, #tpu.memory_space<semaphore_mem>>
        %dma_start3A_329 = tpu.memref_slice %arg4[%mul3A_153] : memref<3200000xf32, #tpu.memory_space<hbm>> -> memref<512xf32, #tpu.memory_space<hbm>>
        %dma_start3A_330 = tpu.memref_slice %arg4[%mul3A_153] : memref<3200000xf32, #tpu.memory_space<hbm>> -> memref<512xf32, #tpu.memory_space<hbm>>
        tpu.enqueue_dma source(%dma_start3A_330 : memref<512xf32, #tpu.memory_space<hbm>>) target(%arg9 : memref<512xf32, #tpu.memory_space<vmem>>) target_semaphore(%run_scoped3A_328 : memref<!tpu.dma_semaphore, #tpu.memory_space<semaphore_mem>>)
        %dma_wait3A_331 = tpu.memref_slice %arg4[%mul3A_153] : memref<3200000xf32, #tpu.memory_space<hbm>> -> memref<512xf32, #tpu.memory_space<hbm>>
        %dma_wait3A_332 = tpu.memref_slice %arg4[%mul3A_153] : memref<3200000xf32, #tpu.memory_space<hbm>> -> memref<512xf32, #tpu.memory_space<hbm>>
        tpu.wait_dma2 semaphore(%run_scoped3A_328 : memref<!tpu.dma_semaphore, #tpu.memory_space<semaphore_mem>>) src(%dma_wait3A_332 : memref<512xf32, #tpu.memory_space<hbm>>) dst(%arg9 : memref<512xf32, #tpu.memory_space<vmem>>)
        tpu.yield
      }) : () -> ()
      %dma_start3A = arith.constant 0 : i32
      %dma_start3A_155 = arith.constant 0 : i32
      %dma_start3A_156 = tpu.memref_slice %arg10[%dma_start3A, %dma_start3A_155] : memref<512x16xf32, #tpu.memory_space<vmem>> -> memref<128x16xf32, #tpu.memory_space<vmem>>
      %dma_start3A_157 = arith.constant 0 : i32
      %dma_start3A_158 = tpu.memref_slice %arg7[%dma_start3A_157] : memref<512xi32, #tpu.memory_space<vmem>> -> memref<128xi32, #tpu.memory_space<vmem>>
      %dma_start3A_159 = arith.constant 0 : i32
      %dma_start3A_160 = arith.constant 0 : i32
      %dma_start3A_161 = tpu.memref_slice %arg2[%dma_start3A_159, %dma_start3A_160] : memref<100000x16xf32, #tpu.memory_space<hbm>> -> memref<100000x16xf32, #tpu.memory_space<hbm>>
      tpu.enqueue_indirect_dma source(%dma_start3A_161 : memref<100000x16xf32, #tpu.memory_space<hbm>>) target(%dma_start3A_156 : memref<128x16xf32, #tpu.memory_space<vmem>>) offsets(%dma_start3A_158 : memref<128xi32, #tpu.memory_space<vmem>>) semaphore(%arg16 : memref<!tpu.dma_semaphore, #tpu.memory_space<semaphore_mem>>)
      %dma_start3A_162 = arith.constant 128 : i32
      %dma_start3A_163 = arith.constant 0 : i32
      %dma_start3A_164 = tpu.memref_slice %arg10[%dma_start3A_162, %dma_start3A_163] : memref<512x16xf32, #tpu.memory_space<vmem>> -> memref<128x16xf32, #tpu.memory_space<vmem>>
      %dma_start3A_165 = arith.constant 128 : i32
      %dma_start3A_166 = tpu.memref_slice %arg7[%dma_start3A_165] : memref<512xi32, #tpu.memory_space<vmem>> -> memref<128xi32, #tpu.memory_space<vmem>>
      %dma_start3A_167 = arith.constant 0 : i32
      %dma_start3A_168 = arith.constant 0 : i32
      %dma_start3A_169 = tpu.memref_slice %arg2[%dma_start3A_167, %dma_start3A_168] : memref<100000x16xf32, #tpu.memory_space<hbm>> -> memref<100000x16xf32, #tpu.memory_space<hbm>>
      tpu.enqueue_indirect_dma source(%dma_start3A_169 : memref<100000x16xf32, #tpu.memory_space<hbm>>) target(%dma_start3A_164 : memref<128x16xf32, #tpu.memory_space<vmem>>) offsets(%dma_start3A_166 : memref<128xi32, #tpu.memory_space<vmem>>) semaphore(%arg16 : memref<!tpu.dma_semaphore, #tpu.memory_space<semaphore_mem>>)
      %dma_start3A_170 = arith.constant 256 : i32
      %dma_start3A_171 = arith.constant 0 : i32
      %dma_start3A_172 = tpu.memref_slice %arg10[%dma_start3A_170, %dma_start3A_171] : memref<512x16xf32, #tpu.memory_space<vmem>> -> memref<128x16xf32, #tpu.memory_space<vmem>>
      %dma_start3A_173 = arith.constant 256 : i32
      %dma_start3A_174 = tpu.memref_slice %arg7[%dma_start3A_173] : memref<512xi32, #tpu.memory_space<vmem>> -> memref<128xi32, #tpu.memory_space<vmem>>
      %dma_start3A_175 = arith.constant 0 : i32
      %dma_start3A_176 = arith.constant 0 : i32
      %dma_start3A_177 = tpu.memref_slice %arg2[%dma_start3A_175, %dma_start3A_176] : memref<100000x16xf32, #tpu.memory_space<hbm>> -> memref<100000x16xf32, #tpu.memory_space<hbm>>
      tpu.enqueue_indirect_dma source(%dma_start3A_177 : memref<100000x16xf32, #tpu.memory_space<hbm>>) target(%dma_start3A_172 : memref<128x16xf32, #tpu.memory_space<vmem>>) offsets(%dma_start3A_174 : memref<128xi32, #tpu.memory_space<vmem>>) semaphore(%arg16 : memref<!tpu.dma_semaphore, #tpu.memory_space<semaphore_mem>>)
      %dma_start3A_178 = arith.constant 384 : i32
      %dma_start3A_179 = arith.constant 0 : i32
      %dma_start3A_180 = tpu.memref_slice %arg10[%dma_start3A_178, %dma_start3A_179] : memref<512x16xf32, #tpu.memory_space<vmem>> -> memref<128x16xf32, #tpu.memory_space<vmem>>
      %dma_start3A_181 = arith.constant 384 : i32
      %dma_start3A_182 = tpu.memref_slice %arg7[%dma_start3A_181] : memref<512xi32, #tpu.memory_space<vmem>> -> memref<128xi32, #tpu.memory_space<vmem>>
      %dma_start3A_183 = arith.constant 0 : i32
      %dma_start3A_184 = arith.constant 0 : i32
      %dma_start3A_185 = tpu.memref_slice %arg2[%dma_start3A_183, %dma_start3A_184] : memref<100000x16xf32, #tpu.memory_space<hbm>> -> memref<100000x16xf32, #tpu.memory_space<hbm>>
      tpu.enqueue_indirect_dma source(%dma_start3A_185 : memref<100000x16xf32, #tpu.memory_space<hbm>>) target(%dma_start3A_180 : memref<128x16xf32, #tpu.memory_space<vmem>>) offsets(%dma_start3A_182 : memref<128xi32, #tpu.memory_space<vmem>>) semaphore(%arg16 : memref<!tpu.dma_semaphore, #tpu.memory_space<semaphore_mem>>)
      %lt3A_186 = arith.constant 97 : i32
      %lt3A_187 = arith.cmpi slt, %while3A_135, %lt3A_186 : i32
      %mul3A_188 = arith.constant 2 : i32
      %mul3A_189 = arith.muli %while3A_135, %mul3A_188 : i32
      %mul3A_190 = arith.constant 4 : i32
      %mul3A_191 = arith.muli %mul3A_189, %mul3A_190 : i32
      %add3A_192 = arith.addi %mul3A_54, %mul3A_191 : i32
      %mul3A_193 = arith.constant 8 : i32
      %mul3A_194 = arith.muli %mul3A_193, %add3A_52 : i32
      %add3A_195 = arith.constant 24832 : i32
      %add3A_196 = arith.addi %add3A_195, %mul3A_194 : i32
      %select_n3A_197 = arith.select %lt3A_187, %add3A_192, %add3A_196 : i32
      %add3A_198 = arith.constant 4 : i32
      %add3A_199 = arith.addi %select_n3A_197, %add3A_198 : i32
      %gt3A_200 = arith.constant 0 : i32
      %gt3A_201 = arith.cmpi sgt, %while3A_135, %gt3A_200 : i32
      %convert_element_type3A_202 = arith.extui %gt3A_201 : i1 to i32
      %cond3A_203 = arith.constant 0 : i32
      %cond3A_204 = arith.cmpi ne, %convert_element_type3A_202, %cond3A_203 : i32
      scf.if %cond3A_204 {
        %dma_wait3A_328 = arith.constant 0 : i32
        %dma_wait3A_329 = arith.constant 0 : i32
        %dma_wait3A_330 = tpu.memref_slice %arg2[%dma_wait3A_328, %dma_wait3A_329] : memref<100000x16xf32, #tpu.memory_space<hbm>> -> memref<512x16xf32, #tpu.memory_space<hbm>>
        %dma_wait3A_331 = arith.constant 0 : i32
        %dma_wait3A_332 = arith.constant 0 : i32
        %dma_wait3A_333 = tpu.memref_slice %arg2[%dma_wait3A_331, %dma_wait3A_332] : memref<100000x16xf32, #tpu.memory_space<hbm>> -> memref<512x16xf32, #tpu.memory_space<hbm>>
        tpu.wait_dma2 semaphore(%arg19 : memref<!tpu.dma_semaphore, #tpu.memory_space<semaphore_mem>>) src(%dma_wait3A_333 : memref<512x16xf32, #tpu.memory_space<hbm>>) dst(%arg14 : memref<512x16xf32, #tpu.memory_space<vmem>>)
      } else {
      }
      %mul3A_205 = arith.constant 128 : i32
      %mul3A_206 = arith.muli %add3A_199, %mul3A_205 : i32
      %run_scoped3A_207 = arith.constant 0 : i32
      "tpu.region"() ({
        %run_scoped3A_328 = tpu.sem_alloc : memref<!tpu.dma_semaphore, #tpu.memory_space<semaphore_mem>>
        %dma_start3A_329 = tpu.memref_slice %arg3[%run_scoped3A_207, %mul3A_206] : memref<2x3200000xi32, #tpu.memory_space<hbm>> -> memref<1x512xi32, #tpu.memory_space<hbm>>
        %dma_start3A_330 = tpu.memref_squeeze %dma_start3A_329 : memref<1x512xi32, #tpu.memory_space<hbm>> -> memref<512xi32, #tpu.memory_space<hbm>>
        %dma_start3A_331 = tpu.memref_slice %arg3[%run_scoped3A_207, %mul3A_206] : memref<2x3200000xi32, #tpu.memory_space<hbm>> -> memref<1x512xi32, #tpu.memory_space<hbm>>
        %dma_start3A_332 = tpu.memref_squeeze %dma_start3A_331 : memref<1x512xi32, #tpu.memory_space<hbm>> -> memref<512xi32, #tpu.memory_space<hbm>>
        tpu.enqueue_dma source(%dma_start3A_332 : memref<512xi32, #tpu.memory_space<hbm>>) target(%arg11 : memref<512xi32, #tpu.memory_space<vmem>>) target_semaphore(%run_scoped3A_328 : memref<!tpu.dma_semaphore, #tpu.memory_space<semaphore_mem>>)
        %dma_wait3A_333 = tpu.memref_slice %arg3[%run_scoped3A_207, %mul3A_206] : memref<2x3200000xi32, #tpu.memory_space<hbm>> -> memref<1x512xi32, #tpu.memory_space<hbm>>
        %dma_wait3A_334 = tpu.memref_squeeze %dma_wait3A_333 : memref<1x512xi32, #tpu.memory_space<hbm>> -> memref<512xi32, #tpu.memory_space<hbm>>
        %dma_wait3A_335 = tpu.memref_slice %arg3[%run_scoped3A_207, %mul3A_206] : memref<2x3200000xi32, #tpu.memory_space<hbm>> -> memref<1x512xi32, #tpu.memory_space<hbm>>
        %dma_wait3A_336 = tpu.memref_squeeze %dma_wait3A_335 : memref<1x512xi32, #tpu.memory_space<hbm>> -> memref<512xi32, #tpu.memory_space<hbm>>
        tpu.wait_dma2 semaphore(%run_scoped3A_328 : memref<!tpu.dma_semaphore, #tpu.memory_space<semaphore_mem>>) src(%dma_wait3A_336 : memref<512xi32, #tpu.memory_space<hbm>>) dst(%arg11 : memref<512xi32, #tpu.memory_space<vmem>>)
        tpu.yield
      }) : () -> ()
      %run_scoped3A_208 = arith.constant 1 : i32
      "tpu.region"() ({
        %run_scoped3A_328 = tpu.sem_alloc : memref<!tpu.dma_semaphore, #tpu.memory_space<semaphore_mem>>
        %dma_start3A_329 = tpu.memref_slice %arg3[%run_scoped3A_208, %mul3A_206] : memref<2x3200000xi32, #tpu.memory_space<hbm>> -> memref<1x512xi32, #tpu.memory_space<hbm>>
        %dma_start3A_330 = tpu.memref_squeeze %dma_start3A_329 : memref<1x512xi32, #tpu.memory_space<hbm>> -> memref<512xi32, #tpu.memory_space<hbm>>
        %dma_start3A_331 = tpu.memref_slice %arg3[%run_scoped3A_208, %mul3A_206] : memref<2x3200000xi32, #tpu.memory_space<hbm>> -> memref<1x512xi32, #tpu.memory_space<hbm>>
        %dma_start3A_332 = tpu.memref_squeeze %dma_start3A_331 : memref<1x512xi32, #tpu.memory_space<hbm>> -> memref<512xi32, #tpu.memory_space<hbm>>
        tpu.enqueue_dma source(%dma_start3A_332 : memref<512xi32, #tpu.memory_space<hbm>>) target(%arg12 : memref<512xi32, #tpu.memory_space<vmem>>) target_semaphore(%run_scoped3A_328 : memref<!tpu.dma_semaphore, #tpu.memory_space<semaphore_mem>>)
        %dma_wait3A_333 = tpu.memref_slice %arg3[%run_scoped3A_208, %mul3A_206] : memref<2x3200000xi32, #tpu.memory_space<hbm>> -> memref<1x512xi32, #tpu.memory_space<hbm>>
        %dma_wait3A_334 = tpu.memref_squeeze %dma_wait3A_333 : memref<1x512xi32, #tpu.memory_space<hbm>> -> memref<512xi32, #tpu.memory_space<hbm>>
        %dma_wait3A_335 = tpu.memref_slice %arg3[%run_scoped3A_208, %mul3A_206] : memref<2x3200000xi32, #tpu.memory_space<hbm>> -> memref<1x512xi32, #tpu.memory_space<hbm>>
        %dma_wait3A_336 = tpu.memref_squeeze %dma_wait3A_335 : memref<1x512xi32, #tpu.memory_space<hbm>> -> memref<512xi32, #tpu.memory_space<hbm>>
        tpu.wait_dma2 semaphore(%run_scoped3A_328 : memref<!tpu.dma_semaphore, #tpu.memory_space<semaphore_mem>>) src(%dma_wait3A_336 : memref<512xi32, #tpu.memory_space<hbm>>) dst(%arg12 : memref<512xi32, #tpu.memory_space<vmem>>)
        tpu.yield
      }) : () -> ()
      "tpu.region"() ({
        %run_scoped3A_328 = tpu.sem_alloc : memref<!tpu.dma_semaphore, #tpu.memory_space<semaphore_mem>>
        %dma_start3A_329 = tpu.memref_slice %arg4[%mul3A_206] : memref<3200000xf32, #tpu.memory_space<hbm>> -> memref<512xf32, #tpu.memory_space<hbm>>
        %dma_start3A_330 = tpu.memref_slice %arg4[%mul3A_206] : memref<3200000xf32, #tpu.memory_space<hbm>> -> memref<512xf32, #tpu.memory_space<hbm>>
        tpu.enqueue_dma source(%dma_start3A_330 : memref<512xf32, #tpu.memory_space<hbm>>) target(%arg13 : memref<512xf32, #tpu.memory_space<vmem>>) target_semaphore(%run_scoped3A_328 : memref<!tpu.dma_semaphore, #tpu.memory_space<semaphore_mem>>)
        %dma_wait3A_331 = tpu.memref_slice %arg4[%mul3A_206] : memref<3200000xf32, #tpu.memory_space<hbm>> -> memref<512xf32, #tpu.memory_space<hbm>>
        %dma_wait3A_332 = tpu.memref_slice %arg4[%mul3A_206] : memref<3200000xf32, #tpu.memory_space<hbm>> -> memref<512xf32, #tpu.memory_space<hbm>>
        tpu.wait_dma2 semaphore(%run_scoped3A_328 : memref<!tpu.dma_semaphore, #tpu.memory_space<semaphore_mem>>) src(%dma_wait3A_332 : memref<512xf32, #tpu.memory_space<hbm>>) dst(%arg13 : memref<512xf32, #tpu.memory_space<vmem>>)
        tpu.yield
      }) : () -> ()
      %dma_start3A_209 = arith.constant 0 : i32
      %dma_start3A_210 = arith.constant 0 : i32
      %dma_start3A_211 = tpu.memref_slice %arg14[%dma_start3A_209, %dma_start3A_210] : memref<512x16xf32, #tpu.memory_space<vmem>> -> memref<128x16xf32, #tpu.memory_space<vmem>>
      %dma_start3A_212 = arith.constant 0 : i32
      %dma_start3A_213 = tpu.memref_slice %arg11[%dma_start3A_212] : memref<512xi32, #tpu.memory_space<vmem>> -> memref<128xi32, #tpu.memory_space<vmem>>
      %dma_start3A_214 = arith.constant 0 : i32
      %dma_start3A_215 = arith.constant 0 : i32
      %dma_start3A_216 = tpu.memref_slice %arg2[%dma_start3A_214, %dma_start3A_215] : memref<100000x16xf32, #tpu.memory_space<hbm>> -> memref<100000x16xf32, #tpu.memory_space<hbm>>
      tpu.enqueue_indirect_dma source(%dma_start3A_216 : memref<100000x16xf32, #tpu.memory_space<hbm>>) target(%dma_start3A_211 : memref<128x16xf32, #tpu.memory_space<vmem>>) offsets(%dma_start3A_213 : memref<128xi32, #tpu.memory_space<vmem>>) semaphore(%arg17 : memref<!tpu.dma_semaphore, #tpu.memory_space<semaphore_mem>>)
      %dma_start3A_217 = arith.constant 128 : i32
      %dma_start3A_218 = arith.constant 0 : i32
      %dma_start3A_219 = tpu.memref_slice %arg14[%dma_start3A_217, %dma_start3A_218] : memref<512x16xf32, #tpu.memory_space<vmem>> -> memref<128x16xf32, #tpu.memory_space<vmem>>
      %dma_start3A_220 = arith.constant 128 : i32
      %dma_start3A_221 = tpu.memref_slice %arg11[%dma_start3A_220] : memref<512xi32, #tpu.memory_space<vmem>> -> memref<128xi32, #tpu.memory_space<vmem>>
      %dma_start3A_222 = arith.constant 0 : i32
      %dma_start3A_223 = arith.constant 0 : i32
      %dma_start3A_224 = tpu.memref_slice %arg2[%dma_start3A_222, %dma_start3A_223] : memref<100000x16xf32, #tpu.memory_space<hbm>> -> memref<100000x16xf32, #tpu.memory_space<hbm>>
      tpu.enqueue_indirect_dma source(%dma_start3A_224 : memref<100000x16xf32, #tpu.memory_space<hbm>>) target(%dma_start3A_219 : memref<128x16xf32, #tpu.memory_space<vmem>>) offsets(%dma_start3A_221 : memref<128xi32, #tpu.memory_space<vmem>>) semaphore(%arg17 : memref<!tpu.dma_semaphore, #tpu.memory_space<semaphore_mem>>)
      %dma_start3A_225 = arith.constant 256 : i32
      %dma_start3A_226 = arith.constant 0 : i32
      %dma_start3A_227 = tpu.memref_slice %arg14[%dma_start3A_225, %dma_start3A_226] : memref<512x16xf32, #tpu.memory_space<vmem>> -> memref<128x16xf32, #tpu.memory_space<vmem>>
      %dma_start3A_228 = arith.constant 256 : i32
      %dma_start3A_229 = tpu.memref_slice %arg11[%dma_start3A_228] : memref<512xi32, #tpu.memory_space<vmem>> -> memref<128xi32, #tpu.memory_space<vmem>>
      %dma_start3A_230 = arith.constant 0 : i32
      %dma_start3A_231 = arith.constant 0 : i32
      %dma_start3A_232 = tpu.memref_slice %arg2[%dma_start3A_230, %dma_start3A_231] : memref<100000x16xf32, #tpu.memory_space<hbm>> -> memref<100000x16xf32, #tpu.memory_space<hbm>>
      tpu.enqueue_indirect_dma source(%dma_start3A_232 : memref<100000x16xf32, #tpu.memory_space<hbm>>) target(%dma_start3A_227 : memref<128x16xf32, #tpu.memory_space<vmem>>) offsets(%dma_start3A_229 : memref<128xi32, #tpu.memory_space<vmem>>) semaphore(%arg17 : memref<!tpu.dma_semaphore, #tpu.memory_space<semaphore_mem>>)
      %dma_start3A_233 = arith.constant 384 : i32
      %dma_start3A_234 = arith.constant 0 : i32
      %dma_start3A_235 = tpu.memref_slice %arg14[%dma_start3A_233, %dma_start3A_234] : memref<512x16xf32, #tpu.memory_space<vmem>> -> memref<128x16xf32, #tpu.memory_space<vmem>>
      %dma_start3A_236 = arith.constant 384 : i32
      %dma_start3A_237 = tpu.memref_slice %arg11[%dma_start3A_236] : memref<512xi32, #tpu.memory_space<vmem>> -> memref<128xi32, #tpu.memory_space<vmem>>
      %dma_start3A_238 = arith.constant 0 : i32
      %dma_start3A_239 = arith.constant 0 : i32
      %dma_start3A_240 = tpu.memref_slice %arg2[%dma_start3A_238, %dma_start3A_239] : memref<100000x16xf32, #tpu.memory_space<hbm>> -> memref<100000x16xf32, #tpu.memory_space<hbm>>
      tpu.enqueue_indirect_dma source(%dma_start3A_240 : memref<100000x16xf32, #tpu.memory_space<hbm>>) target(%dma_start3A_235 : memref<128x16xf32, #tpu.memory_space<vmem>>) offsets(%dma_start3A_237 : memref<128xi32, #tpu.memory_space<vmem>>) semaphore(%arg17 : memref<!tpu.dma_semaphore, #tpu.memory_space<semaphore_mem>>)
      %dma_wait3A_241 = arith.constant 0 : i32
      %dma_wait3A_242 = arith.constant 0 : i32
      %dma_wait3A_243 = tpu.memref_slice %arg2[%dma_wait3A_241, %dma_wait3A_242] : memref<100000x16xf32, #tpu.memory_space<hbm>> -> memref<512x16xf32, #tpu.memory_space<hbm>>
      %dma_wait3A_244 = arith.constant 0 : i32
      %dma_wait3A_245 = arith.constant 0 : i32
      %dma_wait3A_246 = tpu.memref_slice %arg2[%dma_wait3A_244, %dma_wait3A_245] : memref<100000x16xf32, #tpu.memory_space<hbm>> -> memref<512x16xf32, #tpu.memory_space<hbm>>
      tpu.wait_dma2 semaphore(%arg16 : memref<!tpu.dma_semaphore, #tpu.memory_space<semaphore_mem>>) src(%dma_wait3A_246 : memref<512x16xf32, #tpu.memory_space<hbm>>) dst(%arg10 : memref<512x16xf32, #tpu.memory_space<vmem>>)
      %scan3A = arith.constant 0 : i32
      %scan3A_247 = arith.constant 0 : i32
      %scan3A_248 = arith.constant 32 : i32
      %scan3A_249 = arith.addi %scan3A_247, %scan3A_248 : i32
      %scan3A_250 = arith.constant 1 : i32
      scf.for %scan3A_328 = %scan3A_247 to %scan3A_249 step %scan3A_250  : i32 {
        %mul3A_329 = arith.constant 16 : i32
        %mul3A_330 = arith.muli %scan3A_328, %mul3A_329 : i32
        %add3A_331 = vector.broadcast %mul3A_330 : i32 to vector<16xi32>
        %add3A_332 = arith.addi %iota3A, %add3A_331 : vector<16xi32>
        %mul3A_333 = arith.constant 16 : i32
        %mul3A_334 = arith.muli %scan3A_328, %mul3A_333 : i32
        %get3A = arith.index_cast %mul3A_334 : i32 to index
        %get3A_335 = tpu.vector_load %arg9[%get3A] {strides = array<i32>} : memref<512xf32, #tpu.memory_space<vmem>>, vector<16xf32>,
        %broadcast_in_dim3A_336 = arith.constant 0 : i32
        %broadcast_in_dim3A_337 = vector.broadcast %broadcast_in_dim3A_336 : i32 to vector<16xi32>
        %gather3A = tpu.vector_load_idx %arg10[%add3A_332, %broadcast_in_dim3A_337] : memref<512x16xf32, #tpu.memory_space<vmem>>[vector<16xi32>, vector<16xi32>], vector<16xf32>,
        %mul3A_338 = arith.mulf %gather3A, %get3A_335 : vector<16xf32>
        tpu.vector_store_idx %arg10[%add3A_332, %broadcast_in_dim3A_337], %mul3A_338 : memref<512x16xf32, #tpu.memory_space<vmem>>[vector<16xi32>, vector<16xi32>], vector<16xf32>,
        %broadcast_in_dim3A_339 = arith.constant 1 : i32
        %broadcast_in_dim3A_340 = vector.broadcast %broadcast_in_dim3A_339 : i32 to vector<16xi32>
        %gather3A_341 = tpu.vector_load_idx %arg10[%add3A_332, %broadcast_in_dim3A_340] : memref<512x16xf32, #tpu.memory_space<vmem>>[vector<16xi32>, vector<16xi32>], vector<16xf32>,
        %mul3A_342 = arith.mulf %gather3A_341, %get3A_335 : vector<16xf32>
        tpu.vector_store_idx %arg10[%add3A_332, %broadcast_in_dim3A_340], %mul3A_342 : memref<512x16xf32, #tpu.memory_space<vmem>>[vector<16xi32>, vector<16xi32>], vector<16xf32>,
        %broadcast_in_dim3A_343 = arith.constant 2 : i32
        %broadcast_in_dim3A_344 = vector.broadcast %broadcast_in_dim3A_343 : i32 to vector<16xi32>
        %gather3A_345 = tpu.vector_load_idx %arg10[%add3A_332, %broadcast_in_dim3A_344] : memref<512x16xf32, #tpu.memory_space<vmem>>[vector<16xi32>, vector<16xi32>], vector<16xf32>,
        %mul3A_346 = arith.mulf %gather3A_345, %get3A_335 : vector<16xf32>
        tpu.vector_store_idx %arg10[%add3A_332, %broadcast_in_dim3A_344], %mul3A_346 : memref<512x16xf32, #tpu.memory_space<vmem>>[vector<16xi32>, vector<16xi32>], vector<16xf32>,
        %broadcast_in_dim3A_347 = arith.constant 3 : i32
        %broadcast_in_dim3A_348 = vector.broadcast %broadcast_in_dim3A_347 : i32 to vector<16xi32>
        %gather3A_349 = tpu.vector_load_idx %arg10[%add3A_332, %broadcast_in_dim3A_348] : memref<512x16xf32, #tpu.memory_space<vmem>>[vector<16xi32>, vector<16xi32>], vector<16xf32>,
        %mul3A_350 = arith.mulf %gather3A_349, %get3A_335 : vector<16xf32>
        tpu.vector_store_idx %arg10[%add3A_332, %broadcast_in_dim3A_348], %mul3A_350 : memref<512x16xf32, #tpu.memory_space<vmem>>[vector<16xi32>, vector<16xi32>], vector<16xf32>,
        %broadcast_in_dim3A_351 = arith.constant 4 : i32
        %broadcast_in_dim3A_352 = vector.broadcast %broadcast_in_dim3A_351 : i32 to vector<16xi32>
        %gather3A_353 = tpu.vector_load_idx %arg10[%add3A_332, %broadcast_in_dim3A_352] : memref<512x16xf32, #tpu.memory_space<vmem>>[vector<16xi32>, vector<16xi32>], vector<16xf32>,
        %mul3A_354 = arith.mulf %gather3A_353, %get3A_335 : vector<16xf32>
        tpu.vector_store_idx %arg10[%add3A_332, %broadcast_in_dim3A_352], %mul3A_354 : memref<512x16xf32, #tpu.memory_space<vmem>>[vector<16xi32>, vector<16xi32>], vector<16xf32>,
        %broadcast_in_dim3A_355 = arith.constant 5 : i32
        %broadcast_in_dim3A_356 = vector.broadcast %broadcast_in_dim3A_355 : i32 to vector<16xi32>
        %gather3A_357 = tpu.vector_load_idx %arg10[%add3A_332, %broadcast_in_dim3A_356] : memref<512x16xf32, #tpu.memory_space<vmem>>[vector<16xi32>, vector<16xi32>], vector<16xf32>,
        %mul3A_358 = arith.mulf %gather3A_357, %get3A_335 : vector<16xf32>
        tpu.vector_store_idx %arg10[%add3A_332, %broadcast_in_dim3A_356], %mul3A_358 : memref<512x16xf32, #tpu.memory_space<vmem>>[vector<16xi32>, vector<16xi32>], vector<16xf32>,
        %broadcast_in_dim3A_359 = arith.constant 6 : i32
        %broadcast_in_dim3A_360 = vector.broadcast %broadcast_in_dim3A_359 : i32 to vector<16xi32>
        %gather3A_361 = tpu.vector_load_idx %arg10[%add3A_332, %broadcast_in_dim3A_360] : memref<512x16xf32, #tpu.memory_space<vmem>>[vector<16xi32>, vector<16xi32>], vector<16xf32>,
        %mul3A_362 = arith.mulf %gather3A_361, %get3A_335 : vector<16xf32>
        tpu.vector_store_idx %arg10[%add3A_332, %broadcast_in_dim3A_360], %mul3A_362 : memref<512x16xf32, #tpu.memory_space<vmem>>[vector<16xi32>, vector<16xi32>], vector<16xf32>,
        %broadcast_in_dim3A_363 = arith.constant 7 : i32
        %broadcast_in_dim3A_364 = vector.broadcast %broadcast_in_dim3A_363 : i32 to vector<16xi32>
        %gather3A_365 = tpu.vector_load_idx %arg10[%add3A_332, %broadcast_in_dim3A_364] : memref<512x16xf32, #tpu.memory_space<vmem>>[vector<16xi32>, vector<16xi32>], vector<16xf32>,
        %mul3A_366 = arith.mulf %gather3A_365, %get3A_335 : vector<16xf32>
        tpu.vector_store_idx %arg10[%add3A_332, %broadcast_in_dim3A_364], %mul3A_366 : memref<512x16xf32, #tpu.memory_space<vmem>>[vector<16xi32>, vector<16xi32>], vector<16xf32>,
        %broadcast_in_dim3A_367 = arith.constant 8 : i32
        %broadcast_in_dim3A_368 = vector.broadcast %broadcast_in_dim3A_367 : i32 to vector<16xi32>
        %gather3A_369 = tpu.vector_load_idx %arg10[%add3A_332, %broadcast_in_dim3A_368] : memref<512x16xf32, #tpu.memory_space<vmem>>[vector<16xi32>, vector<16xi32>], vector<16xf32>,
        %mul3A_370 = arith.mulf %gather3A_369, %get3A_335 : vector<16xf32>
        tpu.vector_store_idx %arg10[%add3A_332, %broadcast_in_dim3A_368], %mul3A_370 : memref<512x16xf32, #tpu.memory_space<vmem>>[vector<16xi32>, vector<16xi32>], vector<16xf32>,
        %broadcast_in_dim3A_371 = arith.constant 9 : i32
        %broadcast_in_dim3A_372 = vector.broadcast %broadcast_in_dim3A_371 : i32 to vector<16xi32>
        %gather3A_373 = tpu.vector_load_idx %arg10[%add3A_332, %broadcast_in_dim3A_372] : memref<512x16xf32, #tpu.memory_space<vmem>>[vector<16xi32>, vector<16xi32>], vector<16xf32>,
        %mul3A_374 = arith.mulf %gather3A_373, %get3A_335 : vector<16xf32>
        tpu.vector_store_idx %arg10[%add3A_332, %broadcast_in_dim3A_372], %mul3A_374 : memref<512x16xf32, #tpu.memory_space<vmem>>[vector<16xi32>, vector<16xi32>], vector<16xf32>,
        tpu.vector_store_idx %arg10[%add3A_332, %broadcast_in_dim3A_61], %broadcast_in_dim3A_59 : memref<512x16xf32, #tpu.memory_space<vmem>>[vector<16xi32>, vector<16xi32>], vector<16xf32>,
      }
      %scan3A_251 = arith.constant 32 : i32
      %dma_start3A_252 = arith.constant 0 : i32
      %dma_start3A_253 = arith.constant 0 : i32
      %dma_start3A_254 = tpu.memref_slice %arg10[%dma_start3A_252, %dma_start3A_253] : memref<512x16xf32, #tpu.memory_space<vmem>> -> memref<128x16xf32, #tpu.memory_space<vmem>>
      %dma_start3A_255 = arith.constant 0 : i32
      %dma_start3A_256 = tpu.memref_slice %arg8[%dma_start3A_255] : memref<512xi32, #tpu.memory_space<vmem>> -> memref<128xi32, #tpu.memory_space<vmem>>
      %dma_start3A_257 = arith.constant 0 : i32
      %dma_start3A_258 = arith.constant 0 : i32
      %dma_start3A_259 = tpu.memref_slice %arg15[%dma_start3A_257, %dma_start3A_258] : memref<100096x16xf32, #tpu.memory_space<vmem_shared>> -> memref<100096x16xf32, #tpu.memory_space<vmem_shared>>
      tpu.enqueue_indirect_dma source(%dma_start3A_254 : memref<128x16xf32, #tpu.memory_space<vmem>>) target(%dma_start3A_259 : memref<100096x16xf32, #tpu.memory_space<vmem_shared>>) offsets(%dma_start3A_256 : memref<128xi32, #tpu.memory_space<vmem>>) semaphore(%arg18 : memref<!tpu.dma_semaphore, #tpu.memory_space<semaphore_mem>>) {add = true}
      %dma_start3A_260 = arith.constant 128 : i32
      %dma_start3A_261 = arith.constant 0 : i32
      %dma_start3A_262 = tpu.memref_slice %arg10[%dma_start3A_260, %dma_start3A_261] : memref<512x16xf32, #tpu.memory_space<vmem>> -> memref<128x16xf32, #tpu.memory_space<vmem>>
      %dma_start3A_263 = arith.constant 128 : i32
      %dma_start3A_264 = tpu.memref_slice %arg8[%dma_start3A_263] : memref<512xi32, #tpu.memory_space<vmem>> -> memref<128xi32, #tpu.memory_space<vmem>>
      %dma_start3A_265 = arith.constant 0 : i32
      %dma_start3A_266 = arith.constant 0 : i32
      %dma_start3A_267 = tpu.memref_slice %arg15[%dma_start3A_265, %dma_start3A_266] : memref<100096x16xf32, #tpu.memory_space<vmem_shared>> -> memref<100096x16xf32, #tpu.memory_space<vmem_shared>>
      tpu.enqueue_indirect_dma source(%dma_start3A_262 : memref<128x16xf32, #tpu.memory_space<vmem>>) target(%dma_start3A_267 : memref<100096x16xf32, #tpu.memory_space<vmem_shared>>) offsets(%dma_start3A_264 : memref<128xi32, #tpu.memory_space<vmem>>) semaphore(%arg18 : memref<!tpu.dma_semaphore, #tpu.memory_space<semaphore_mem>>) {add = true}
      %dma_start3A_268 = arith.constant 256 : i32
      %dma_start3A_269 = arith.constant 0 : i32
      %dma_start3A_270 = tpu.memref_slice %arg10[%dma_start3A_268, %dma_start3A_269] : memref<512x16xf32, #tpu.memory_space<vmem>> -> memref<128x16xf32, #tpu.memory_space<vmem>>
      %dma_start3A_271 = arith.constant 256 : i32
      %dma_start3A_272 = tpu.memref_slice %arg8[%dma_start3A_271] : memref<512xi32, #tpu.memory_space<vmem>> -> memref<128xi32, #tpu.memory_space<vmem>>
      %dma_start3A_273 = arith.constant 0 : i32
      %dma_start3A_274 = arith.constant 0 : i32
      %dma_start3A_275 = tpu.memref_slice %arg15[%dma_start3A_273, %dma_start3A_274] : memref<100096x16xf32, #tpu.memory_space<vmem_shared>> -> memref<100096x16xf32, #tpu.memory_space<vmem_shared>>
      tpu.enqueue_indirect_dma source(%dma_start3A_270 : memref<128x16xf32, #tpu.memory_space<vmem>>) target(%dma_start3A_275 : memref<100096x16xf32, #tpu.memory_space<vmem_shared>>) offsets(%dma_start3A_272 : memref<128xi32, #tpu.memory_space<vmem>>) semaphore(%arg18 : memref<!tpu.dma_semaphore, #tpu.memory_space<semaphore_mem>>) {add = true}
      %dma_start3A_276 = arith.constant 384 : i32
      %dma_start3A_277 = arith.constant 0 : i32
      %dma_start3A_278 = tpu.memref_slice %arg10[%dma_start3A_276, %dma_start3A_277] : memref<512x16xf32, #tpu.memory_space<vmem>> -> memref<128x16xf32, #tpu.memory_space<vmem>>
      %dma_start3A_279 = arith.constant 384 : i32
      %dma_start3A_280 = tpu.memref_slice %arg8[%dma_start3A_279] : memref<512xi32, #tpu.memory_space<vmem>> -> memref<128xi32, #tpu.memory_space<vmem>>
      %dma_start3A_281 = arith.constant 0 : i32
      %dma_start3A_282 = arith.constant 0 : i32
      %dma_start3A_283 = tpu.memref_slice %arg15[%dma_start3A_281, %dma_start3A_282] : memref<100096x16xf32, #tpu.memory_space<vmem_shared>> -> memref<100096x16xf32, #tpu.memory_space<vmem_shared>>
      tpu.enqueue_indirect_dma source(%dma_start3A_278 : memref<128x16xf32, #tpu.memory_space<vmem>>) target(%dma_start3A_283 : memref<100096x16xf32, #tpu.memory_space<vmem_shared>>) offsets(%dma_start3A_280 : memref<128xi32, #tpu.memory_space<vmem>>) semaphore(%arg18 : memref<!tpu.dma_semaphore, #tpu.memory_space<semaphore_mem>>) {add = true}
      %dma_wait3A_284 = arith.constant 0 : i32
      %dma_wait3A_285 = arith.constant 0 : i32
      %dma_wait3A_286 = tpu.memref_slice %arg2[%dma_wait3A_284, %dma_wait3A_285] : memref<100000x16xf32, #tpu.memory_space<hbm>> -> memref<512x16xf32, #tpu.memory_space<hbm>>
      %dma_wait3A_287 = arith.constant 0 : i32
      %dma_wait3A_288 = arith.constant 0 : i32
      %dma_wait3A_289 = tpu.memref_slice %arg2[%dma_wait3A_287, %dma_wait3A_288] : memref<100000x16xf32, #tpu.memory_space<hbm>> -> memref<512x16xf32, #tpu.memory_space<hbm>>
      tpu.wait_dma2 semaphore(%arg17 : memref<!tpu.dma_semaphore, #tpu.memory_space<semaphore_mem>>) src(%dma_wait3A_289 : memref<512x16xf32, #tpu.memory_space<hbm>>) dst(%arg14 : memref<512x16xf32, #tpu.memory_space<vmem>>)
      %scan3A_290 = arith.constant 0 : i32
      %scan3A_291 = arith.constant 0 : i32
      %scan3A_292 = arith.constant 32 : i32
      %scan3A_293 = arith.addi %scan3A_291, %scan3A_292 : i32
      %scan3A_294 = arith.constant 1 : i32
      scf.for %scan3A_328 = %scan3A_291 to %scan3A_293 step %scan3A_294  : i32 {
        %mul3A_329 = arith.constant 16 : i32
        %mul3A_330 = arith.muli %scan3A_328, %mul3A_329 : i32
        %add3A_331 = vector.broadcast %mul3A_330 : i32 to vector<16xi32>
        %add3A_332 = arith.addi %iota3A, %add3A_331 : vector<16xi32>
        %mul3A_333 = arith.constant 16 : i32
        %mul3A_334 = arith.muli %scan3A_328, %mul3A_333 : i32
        %get3A = arith.index_cast %mul3A_334 : i32 to index
        %get3A_335 = tpu.vector_load %arg13[%get3A] {strides = array<i32>} : memref<512xf32, #tpu.memory_space<vmem>>, vector<16xf32>,
        %broadcast_in_dim3A_336 = arith.constant 0 : i32
        %broadcast_in_dim3A_337 = vector.broadcast %broadcast_in_dim3A_336 : i32 to vector<16xi32>
        %gather3A = tpu.vector_load_idx %arg14[%add3A_332, %broadcast_in_dim3A_337] : memref<512x16xf32, #tpu.memory_space<vmem>>[vector<16xi32>, vector<16xi32>], vector<16xf32>,
        %mul3A_338 = arith.mulf %gather3A, %get3A_335 : vector<16xf32>
        tpu.vector_store_idx %arg14[%add3A_332, %broadcast_in_dim3A_337], %mul3A_338 : memref<512x16xf32, #tpu.memory_space<vmem>>[vector<16xi32>, vector<16xi32>], vector<16xf32>,
        %broadcast_in_dim3A_339 = arith.constant 1 : i32
        %broadcast_in_dim3A_340 = vector.broadcast %broadcast_in_dim3A_339 : i32 to vector<16xi32>
        %gather3A_341 = tpu.vector_load_idx %arg14[%add3A_332, %broadcast_in_dim3A_340] : memref<512x16xf32, #tpu.memory_space<vmem>>[vector<16xi32>, vector<16xi32>], vector<16xf32>,
        %mul3A_342 = arith.mulf %gather3A_341, %get3A_335 : vector<16xf32>
        tpu.vector_store_idx %arg14[%add3A_332, %broadcast_in_dim3A_340], %mul3A_342 : memref<512x16xf32, #tpu.memory_space<vmem>>[vector<16xi32>, vector<16xi32>], vector<16xf32>,
        %broadcast_in_dim3A_343 = arith.constant 2 : i32
        %broadcast_in_dim3A_344 = vector.broadcast %broadcast_in_dim3A_343 : i32 to vector<16xi32>
        %gather3A_345 = tpu.vector_load_idx %arg14[%add3A_332, %broadcast_in_dim3A_344] : memref<512x16xf32, #tpu.memory_space<vmem>>[vector<16xi32>, vector<16xi32>], vector<16xf32>,
        %mul3A_346 = arith.mulf %gather3A_345, %get3A_335 : vector<16xf32>
        tpu.vector_store_idx %arg14[%add3A_332, %broadcast_in_dim3A_344], %mul3A_346 : memref<512x16xf32, #tpu.memory_space<vmem>>[vector<16xi32>, vector<16xi32>], vector<16xf32>,
        %broadcast_in_dim3A_347 = arith.constant 3 : i32
        %broadcast_in_dim3A_348 = vector.broadcast %broadcast_in_dim3A_347 : i32 to vector<16xi32>
        %gather3A_349 = tpu.vector_load_idx %arg14[%add3A_332, %broadcast_in_dim3A_348] : memref<512x16xf32, #tpu.memory_space<vmem>>[vector<16xi32>, vector<16xi32>], vector<16xf32>,
        %mul3A_350 = arith.mulf %gather3A_349, %get3A_335 : vector<16xf32>
        tpu.vector_store_idx %arg14[%add3A_332, %broadcast_in_dim3A_348], %mul3A_350 : memref<512x16xf32, #tpu.memory_space<vmem>>[vector<16xi32>, vector<16xi32>], vector<16xf32>,
        %broadcast_in_dim3A_351 = arith.constant 4 : i32
        %broadcast_in_dim3A_352 = vector.broadcast %broadcast_in_dim3A_351 : i32 to vector<16xi32>
        %gather3A_353 = tpu.vector_load_idx %arg14[%add3A_332, %broadcast_in_dim3A_352] : memref<512x16xf32, #tpu.memory_space<vmem>>[vector<16xi32>, vector<16xi32>], vector<16xf32>,
        %mul3A_354 = arith.mulf %gather3A_353, %get3A_335 : vector<16xf32>
        tpu.vector_store_idx %arg14[%add3A_332, %broadcast_in_dim3A_352], %mul3A_354 : memref<512x16xf32, #tpu.memory_space<vmem>>[vector<16xi32>, vector<16xi32>], vector<16xf32>,
        %broadcast_in_dim3A_355 = arith.constant 5 : i32
        %broadcast_in_dim3A_356 = vector.broadcast %broadcast_in_dim3A_355 : i32 to vector<16xi32>
        %gather3A_357 = tpu.vector_load_idx %arg14[%add3A_332, %broadcast_in_dim3A_356] : memref<512x16xf32, #tpu.memory_space<vmem>>[vector<16xi32>, vector<16xi32>], vector<16xf32>,
        %mul3A_358 = arith.mulf %gather3A_357, %get3A_335 : vector<16xf32>
        tpu.vector_store_idx %arg14[%add3A_332, %broadcast_in_dim3A_356], %mul3A_358 : memref<512x16xf32, #tpu.memory_space<vmem>>[vector<16xi32>, vector<16xi32>], vector<16xf32>,
        %broadcast_in_dim3A_359 = arith.constant 6 : i32
        %broadcast_in_dim3A_360 = vector.broadcast %broadcast_in_dim3A_359 : i32 to vector<16xi32>
        %gather3A_361 = tpu.vector_load_idx %arg14[%add3A_332, %broadcast_in_dim3A_360] : memref<512x16xf32, #tpu.memory_space<vmem>>[vector<16xi32>, vector<16xi32>], vector<16xf32>,
        %mul3A_362 = arith.mulf %gather3A_361, %get3A_335 : vector<16xf32>
        tpu.vector_store_idx %arg14[%add3A_332, %broadcast_in_dim3A_360], %mul3A_362 : memref<512x16xf32, #tpu.memory_space<vmem>>[vector<16xi32>, vector<16xi32>], vector<16xf32>,
        %broadcast_in_dim3A_363 = arith.constant 7 : i32
        %broadcast_in_dim3A_364 = vector.broadcast %broadcast_in_dim3A_363 : i32 to vector<16xi32>
        %gather3A_365 = tpu.vector_load_idx %arg14[%add3A_332, %broadcast_in_dim3A_364] : memref<512x16xf32, #tpu.memory_space<vmem>>[vector<16xi32>, vector<16xi32>], vector<16xf32>,
        %mul3A_366 = arith.mulf %gather3A_365, %get3A_335 : vector<16xf32>
        tpu.vector_store_idx %arg14[%add3A_332, %broadcast_in_dim3A_364], %mul3A_366 : memref<512x16xf32, #tpu.memory_space<vmem>>[vector<16xi32>, vector<16xi32>], vector<16xf32>,
        %broadcast_in_dim3A_367 = arith.constant 8 : i32
        %broadcast_in_dim3A_368 = vector.broadcast %broadcast_in_dim3A_367 : i32 to vector<16xi32>
        %gather3A_369 = tpu.vector_load_idx %arg14[%add3A_332, %broadcast_in_dim3A_368] : memref<512x16xf32, #tpu.memory_space<vmem>>[vector<16xi32>, vector<16xi32>], vector<16xf32>,
        %mul3A_370 = arith.mulf %gather3A_369, %get3A_335 : vector<16xf32>
        tpu.vector_store_idx %arg14[%add3A_332, %broadcast_in_dim3A_368], %mul3A_370 : memref<512x16xf32, #tpu.memory_space<vmem>>[vector<16xi32>, vector<16xi32>], vector<16xf32>,
        %broadcast_in_dim3A_371 = arith.constant 9 : i32
        %broadcast_in_dim3A_372 = vector.broadcast %broadcast_in_dim3A_371 : i32 to vector<16xi32>
        %gather3A_373 = tpu.vector_load_idx %arg14[%add3A_332, %broadcast_in_dim3A_372] : memref<512x16xf32, #tpu.memory_space<vmem>>[vector<16xi32>, vector<16xi32>], vector<16xf32>,
        %mul3A_374 = arith.mulf %gather3A_373, %get3A_335 : vector<16xf32>
        tpu.vector_store_idx %arg14[%add3A_332, %broadcast_in_dim3A_372], %mul3A_374 : memref<512x16xf32, #tpu.memory_space<vmem>>[vector<16xi32>, vector<16xi32>], vector<16xf32>,
        tpu.vector_store_idx %arg14[%add3A_332, %broadcast_in_dim3A_61], %broadcast_in_dim3A_59 : memref<512x16xf32, #tpu.memory_space<vmem>>[vector<16xi32>, vector<16xi32>], vector<16xf32>,
      }
      %scan3A_295 = arith.constant 32 : i32
      %dma_start3A_296 = arith.constant 0 : i32
      %dma_start3A_297 = arith.constant 0 : i32
      %dma_start3A_298 = tpu.memref_slice %arg14[%dma_start3A_296, %dma_start3A_297] : memref<512x16xf32, #tpu.memory_space<vmem>> -> memref<128x16xf32, #tpu.memory_space<vmem>>
      %dma_start3A_299 = arith.constant 0 : i32
      %dma_start3A_300 = tpu.memref_slice %arg12[%dma_start3A_299] : memref<512xi32, #tpu.memory_space<vmem>> -> memref<128xi32, #tpu.memory_space<vmem>>
      %dma_start3A_301 = arith.constant 0 : i32
      %dma_start3A_302 = arith.constant 0 : i32
      %dma_start3A_303 = tpu.memref_slice %arg15[%dma_start3A_301, %dma_start3A_302] : memref<100096x16xf32, #tpu.memory_space<vmem_shared>> -> memref<100096x16xf32, #tpu.memory_space<vmem_shared>>
      tpu.enqueue_indirect_dma source(%dma_start3A_298 : memref<128x16xf32, #tpu.memory_space<vmem>>) target(%dma_start3A_303 : memref<100096x16xf32, #tpu.memory_space<vmem_shared>>) offsets(%dma_start3A_300 : memref<128xi32, #tpu.memory_space<vmem>>) semaphore(%arg19 : memref<!tpu.dma_semaphore, #tpu.memory_space<semaphore_mem>>) {add = true}
      %dma_start3A_304 = arith.constant 128 : i32
      %dma_start3A_305 = arith.constant 0 : i32
      %dma_start3A_306 = tpu.memref_slice %arg14[%dma_start3A_304, %dma_start3A_305] : memref<512x16xf32, #tpu.memory_space<vmem>> -> memref<128x16xf32, #tpu.memory_space<vmem>>
      %dma_start3A_307 = arith.constant 128 : i32
      %dma_start3A_308 = tpu.memref_slice %arg12[%dma_start3A_307] : memref<512xi32, #tpu.memory_space<vmem>> -> memref<128xi32, #tpu.memory_space<vmem>>
      %dma_start3A_309 = arith.constant 0 : i32
      %dma_start3A_310 = arith.constant 0 : i32
      %dma_start3A_311 = tpu.memref_slice %arg15[%dma_start3A_309, %dma_start3A_310] : memref<100096x16xf32, #tpu.memory_space<vmem_shared>> -> memref<100096x16xf32, #tpu.memory_space<vmem_shared>>
      tpu.enqueue_indirect_dma source(%dma_start3A_306 : memref<128x16xf32, #tpu.memory_space<vmem>>) target(%dma_start3A_311 : memref<100096x16xf32, #tpu.memory_space<vmem_shared>>) offsets(%dma_start3A_308 : memref<128xi32, #tpu.memory_space<vmem>>) semaphore(%arg19 : memref<!tpu.dma_semaphore, #tpu.memory_space<semaphore_mem>>) {add = true}
      %dma_start3A_312 = arith.constant 256 : i32
      %dma_start3A_313 = arith.constant 0 : i32
      %dma_start3A_314 = tpu.memref_slice %arg14[%dma_start3A_312, %dma_start3A_313] : memref<512x16xf32, #tpu.memory_space<vmem>> -> memref<128x16xf32, #tpu.memory_space<vmem>>
      %dma_start3A_315 = arith.constant 256 : i32
      %dma_start3A_316 = tpu.memref_slice %arg12[%dma_start3A_315] : memref<512xi32, #tpu.memory_space<vmem>> -> memref<128xi32, #tpu.memory_space<vmem>>
      %dma_start3A_317 = arith.constant 0 : i32
      %dma_start3A_318 = arith.constant 0 : i32
      %dma_start3A_319 = tpu.memref_slice %arg15[%dma_start3A_317, %dma_start3A_318] : memref<100096x16xf32, #tpu.memory_space<vmem_shared>> -> memref<100096x16xf32, #tpu.memory_space<vmem_shared>>
      tpu.enqueue_indirect_dma source(%dma_start3A_314 : memref<128x16xf32, #tpu.memory_space<vmem>>) target(%dma_start3A_319 : memref<100096x16xf32, #tpu.memory_space<vmem_shared>>) offsets(%dma_start3A_316 : memref<128xi32, #tpu.memory_space<vmem>>) semaphore(%arg19 : memref<!tpu.dma_semaphore, #tpu.memory_space<semaphore_mem>>) {add = true}
      %dma_start3A_320 = arith.constant 384 : i32
      %dma_start3A_321 = arith.constant 0 : i32
      %dma_start3A_322 = tpu.memref_slice %arg14[%dma_start3A_320, %dma_start3A_321] : memref<512x16xf32, #tpu.memory_space<vmem>> -> memref<128x16xf32, #tpu.memory_space<vmem>>
      %dma_start3A_323 = arith.constant 384 : i32
      %dma_start3A_324 = tpu.memref_slice %arg12[%dma_start3A_323] : memref<512xi32, #tpu.memory_space<vmem>> -> memref<128xi32, #tpu.memory_space<vmem>>
      %dma_start3A_325 = arith.constant 0 : i32
      %dma_start3A_326 = arith.constant 0 : i32
      %dma_start3A_327 = tpu.memref_slice %arg15[%dma_start3A_325, %dma_start3A_326] : memref<100096x16xf32, #tpu.memory_space<vmem_shared>> -> memref<100096x16xf32, #tpu.memory_space<vmem_shared>>
      tpu.enqueue_indirect_dma source(%dma_start3A_322 : memref<128x16xf32, #tpu.memory_space<vmem>>) target(%dma_start3A_327 : memref<100096x16xf32, #tpu.memory_space<vmem_shared>>) offsets(%dma_start3A_324 : memref<128xi32, #tpu.memory_space<vmem>>) semaphore(%arg19 : memref<!tpu.dma_semaphore, #tpu.memory_space<semaphore_mem>>) {add = true}
    }
    %while3A_70 = arith.constant 1 : i32
    scf.for %while3A_135 = %while3A_68 to %while3A_64 step %while3A_70  : i32 {
      %lt3A_136 = arith.constant 97 : i32
      %lt3A_137 = arith.cmpi slt, %while3A_135, %lt3A_136 : i32
      %mul3A_138 = arith.constant 2 : i32
      %mul3A_139 = arith.muli %while3A_135, %mul3A_138 : i32
      %mul3A_140 = arith.constant 4 : i32
      %mul3A_141 = arith.muli %mul3A_139, %mul3A_140 : i32
      %add3A_142 = arith.addi %mul3A_54, %mul3A_141 : i32
      %mul3A_143 = arith.constant 8 : i32
      %mul3A_144 = arith.muli %mul3A_143, %add3A_52 : i32
      %add3A_145 = arith.constant 24832 : i32
      %add3A_146 = arith.addi %add3A_145, %mul3A_144 : i32
      %select_n3A_147 = arith.select %lt3A_137, %add3A_142, %add3A_146 : i32
      %add3A_148 = arith.constant 0 : i32
      %add3A_149 = arith.addi %select_n3A_147, %add3A_148 : i32
      %gt3A = arith.constant 0 : i32
      %gt3A_150 = arith.cmpi sgt, %while3A_135, %gt3A : i32
      %convert_element_type3A = arith.extui %gt3A_150 : i1 to i32
      %cond3A = arith.constant 0 : i32
      %cond3A_151 = arith.cmpi ne, %convert_element_type3A, %cond3A : i32
      scf.if %cond3A_151 {
        %dma_wait3A_328 = arith.constant 0 : i32
        %dma_wait3A_329 = arith.constant 0 : i32
        %dma_wait3A_330 = tpu.memref_slice %arg2[%dma_wait3A_328, %dma_wait3A_329] : memref<100000x16xf32, #tpu.memory_space<hbm>> -> memref<512x16xf32, #tpu.memory_space<hbm>>
        %dma_wait3A_331 = arith.constant 0 : i32
        %dma_wait3A_332 = arith.constant 0 : i32
        %dma_wait3A_333 = tpu.memref_slice %arg2[%dma_wait3A_331, %dma_wait3A_332] : memref<100000x16xf32, #tpu.memory_space<hbm>> -> memref<512x16xf32, #tpu.memory_space<hbm>>
        tpu.wait_dma2 semaphore(%arg18 : memref<!tpu.dma_semaphore, #tpu.memory_space<semaphore_mem>>) src(%dma_wait3A_333 : memref<512x16xf32, #tpu.memory_space<hbm>>) dst(%arg10 : memref<512x16xf32, #tpu.memory_space<vmem>>)
      } else {
      }
      %mul3A_152 = arith.constant 128 : i32
      %mul3A_153 = arith.muli %add3A_149, %mul3A_152 : i32
      %run_scoped3A = arith.constant 0 : i32
      "tpu.region"() ({
        %run_scoped3A_328 = tpu.sem_alloc : memref<!tpu.dma_semaphore, #tpu.memory_space<semaphore_mem>>
        %dma_start3A_329 = tpu.memref_slice %arg3[%run_scoped3A, %mul3A_153] : memref<2x3200000xi32, #tpu.memory_space<hbm>> -> memref<1x512xi32, #tpu.memory_space<hbm>>
        %dma_start3A_330 = tpu.memref_squeeze %dma_start3A_329 : memref<1x512xi32, #tpu.memory_space<hbm>> -> memref<512xi32, #tpu.memory_space<hbm>>
        %dma_start3A_331 = tpu.memref_slice %arg3[%run_scoped3A, %mul3A_153] : memref<2x3200000xi32, #tpu.memory_space<hbm>> -> memref<1x512xi32, #tpu.memory_space<hbm>>
        %dma_start3A_332 = tpu.memref_squeeze %dma_start3A_331 : memref<1x512xi32, #tpu.memory_space<hbm>> -> memref<512xi32, #tpu.memory_space<hbm>>
        tpu.enqueue_dma source(%dma_start3A_332 : memref<512xi32, #tpu.memory_space<hbm>>) target(%arg7 : memref<512xi32, #tpu.memory_space<vmem>>) target_semaphore(%run_scoped3A_328 : memref<!tpu.dma_semaphore, #tpu.memory_space<semaphore_mem>>)
        %dma_wait3A_333 = tpu.memref_slice %arg3[%run_scoped3A, %mul3A_153] : memref<2x3200000xi32, #tpu.memory_space<hbm>> -> memref<1x512xi32, #tpu.memory_space<hbm>>
        %dma_wait3A_334 = tpu.memref_squeeze %dma_wait3A_333 : memref<1x512xi32, #tpu.memory_space<hbm>> -> memref<512xi32, #tpu.memory_space<hbm>>
        %dma_wait3A_335 = tpu.memref_slice %arg3[%run_scoped3A, %mul3A_153] : memref<2x3200000xi32, #tpu.memory_space<hbm>> -> memref<1x512xi32, #tpu.memory_space<hbm>>
        %dma_wait3A_336 = tpu.memref_squeeze %dma_wait3A_335 : memref<1x512xi32, #tpu.memory_space<hbm>> -> memref<512xi32, #tpu.memory_space<hbm>>
        tpu.wait_dma2 semaphore(%run_scoped3A_328 : memref<!tpu.dma_semaphore, #tpu.memory_space<semaphore_mem>>) src(%dma_wait3A_336 : memref<512xi32, #tpu.memory_space<hbm>>) dst(%arg7 : memref<512xi32, #tpu.memory_space<vmem>>)
        tpu.yield
      }) : () -> ()
      %run_scoped3A_154 = arith.constant 1 : i32
      "tpu.region"() ({
        %run_scoped3A_328 = tpu.sem_alloc : memref<!tpu.dma_semaphore, #tpu.memory_space<semaphore_mem>>
        %dma_start3A_329 = tpu.memref_slice %arg3[%run_scoped3A_154, %mul3A_153] : memref<2x3200000xi32, #tpu.memory_space<hbm>> -> memref<1x512xi32, #tpu.memory_space<hbm>>
        %dma_start3A_330 = tpu.memref_squeeze %dma_start3A_329 : memref<1x512xi32, #tpu.memory_space<hbm>> -> memref<512xi32, #tpu.memory_space<hbm>>
        %dma_start3A_331 = tpu.memref_slice %arg3[%run_scoped3A_154, %mul3A_153] : memref<2x3200000xi32, #tpu.memory_space<hbm>> -> memref<1x512xi32, #tpu.memory_space<hbm>>
        %dma_start3A_332 = tpu.memref_squeeze %dma_start3A_331 : memref<1x512xi32, #tpu.memory_space<hbm>> -> memref<512xi32, #tpu.memory_space<hbm>>
        tpu.enqueue_dma source(%dma_start3A_332 : memref<512xi32, #tpu.memory_space<hbm>>) target(%arg8 : memref<512xi32, #tpu.memory_space<vmem>>) target_semaphore(%run_scoped3A_328 : memref<!tpu.dma_semaphore, #tpu.memory_space<semaphore_mem>>)
        %dma_wait3A_333 = tpu.memref_slice %arg3[%run_scoped3A_154, %mul3A_153] : memref<2x3200000xi32, #tpu.memory_space<hbm>> -> memref<1x512xi32, #tpu.memory_space<hbm>>
        %dma_wait3A_334 = tpu.memref_squeeze %dma_wait3A_333 : memref<1x512xi32, #tpu.memory_space<hbm>> -> memref<512xi32, #tpu.memory_space<hbm>>
        %dma_wait3A_335 = tpu.memref_slice %arg3[%run_scoped3A_154, %mul3A_153] : memref<2x3200000xi32, #tpu.memory_space<hbm>> -> memref<1x512xi32, #tpu.memory_space<hbm>>
        %dma_wait3A_336 = tpu.memref_squeeze %dma_wait3A_335 : memref<1x512xi32, #tpu.memory_space<hbm>> -> memref<512xi32, #tpu.memory_space<hbm>>
        tpu.wait_dma2 semaphore(%run_scoped3A_328 : memref<!tpu.dma_semaphore, #tpu.memory_space<semaphore_mem>>) src(%dma_wait3A_336 : memref<512xi32, #tpu.memory_space<hbm>>) dst(%arg8 : memref<512xi32, #tpu.memory_space<vmem>>)
        tpu.yield
      }) : () -> ()
      "tpu.region"() ({
        %run_scoped3A_328 = tpu.sem_alloc : memref<!tpu.dma_semaphore, #tpu.memory_space<semaphore_mem>>
        %dma_start3A_329 = tpu.memref_slice %arg4[%mul3A_153] : memref<3200000xf32, #tpu.memory_space<hbm>> -> memref<512xf32, #tpu.memory_space<hbm>>
        %dma_start3A_330 = tpu.memref_slice %arg4[%mul3A_153] : memref<3200000xf32, #tpu.memory_space<hbm>> -> memref<512xf32, #tpu.memory_space<hbm>>
        tpu.enqueue_dma source(%dma_start3A_330 : memref<512xf32, #tpu.memory_space<hbm>>) target(%arg9 : memref<512xf32, #tpu.memory_space<vmem>>) target_semaphore(%run_scoped3A_328 : memref<!tpu.dma_semaphore, #tpu.memory_space<semaphore_mem>>)
        %dma_wait3A_331 = tpu.memref_slice %arg4[%mul3A_153] : memref<3200000xf32, #tpu.memory_space<hbm>> -> memref<512xf32, #tpu.memory_space<hbm>>
        %dma_wait3A_332 = tpu.memref_slice %arg4[%mul3A_153] : memref<3200000xf32, #tpu.memory_space<hbm>> -> memref<512xf32, #tpu.memory_space<hbm>>
        tpu.wait_dma2 semaphore(%run_scoped3A_328 : memref<!tpu.dma_semaphore, #tpu.memory_space<semaphore_mem>>) src(%dma_wait3A_332 : memref<512xf32, #tpu.memory_space<hbm>>) dst(%arg9 : memref<512xf32, #tpu.memory_space<vmem>>)
        tpu.yield
      }) : () -> ()
      %dma_start3A = arith.constant 0 : i32
      %dma_start3A_155 = arith.constant 0 : i32
      %dma_start3A_156 = tpu.memref_slice %arg10[%dma_start3A, %dma_start3A_155] : memref<512x16xf32, #tpu.memory_space<vmem>> -> memref<128x16xf32, #tpu.memory_space<vmem>>
      %dma_start3A_157 = arith.constant 0 : i32
      %dma_start3A_158 = tpu.memref_slice %arg7[%dma_start3A_157] : memref<512xi32, #tpu.memory_space<vmem>> -> memref<128xi32, #tpu.memory_space<vmem>>
      %dma_start3A_159 = arith.constant 0 : i32
      %dma_start3A_160 = arith.constant 0 : i32
      %dma_start3A_161 = tpu.memref_slice %arg2[%dma_start3A_159, %dma_start3A_160] : memref<100000x16xf32, #tpu.memory_space<hbm>> -> memref<100000x16xf32, #tpu.memory_space<hbm>>
      tpu.enqueue_indirect_dma source(%dma_start3A_161 : memref<100000x16xf32, #tpu.memory_space<hbm>>) target(%dma_start3A_156 : memref<128x16xf32, #tpu.memory_space<vmem>>) offsets(%dma_start3A_158 : memref<128xi32, #tpu.memory_space<vmem>>) semaphore(%arg16 : memref<!tpu.dma_semaphore, #tpu.memory_space<semaphore_mem>>)
      %dma_start3A_162 = arith.constant 128 : i32
      %dma_start3A_163 = arith.constant 0 : i32
      %dma_start3A_164 = tpu.memref_slice %arg10[%dma_start3A_162, %dma_start3A_163] : memref<512x16xf32, #tpu.memory_space<vmem>> -> memref<128x16xf32, #tpu.memory_space<vmem>>
      %dma_start3A_165 = arith.constant 128 : i32
      %dma_start3A_166 = tpu.memref_slice %arg7[%dma_start3A_165] : memref<512xi32, #tpu.memory_space<vmem>> -> memref<128xi32, #tpu.memory_space<vmem>>
      %dma_start3A_167 = arith.constant 0 : i32
      %dma_start3A_168 = arith.constant 0 : i32
      %dma_start3A_169 = tpu.memref_slice %arg2[%dma_start3A_167, %dma_start3A_168] : memref<100000x16xf32, #tpu.memory_space<hbm>> -> memref<100000x16xf32, #tpu.memory_space<hbm>>
      tpu.enqueue_indirect_dma source(%dma_start3A_169 : memref<100000x16xf32, #tpu.memory_space<hbm>>) target(%dma_start3A_164 : memref<128x16xf32, #tpu.memory_space<vmem>>) offsets(%dma_start3A_166 : memref<128xi32, #tpu.memory_space<vmem>>) semaphore(%arg16 : memref<!tpu.dma_semaphore, #tpu.memory_space<semaphore_mem>>)
      %dma_start3A_170 = arith.constant 256 : i32
      %dma_start3A_171 = arith.constant 0 : i32
      %dma_start3A_172 = tpu.memref_slice %arg10[%dma_start3A_170, %dma_start3A_171] : memref<512x16xf32, #tpu.memory_space<vmem>> -> memref<128x16xf32, #tpu.memory_space<vmem>>
      %dma_start3A_173 = arith.constant 256 : i32
      %dma_start3A_174 = tpu.memref_slice %arg7[%dma_start3A_173] : memref<512xi32, #tpu.memory_space<vmem>> -> memref<128xi32, #tpu.memory_space<vmem>>
      %dma_start3A_175 = arith.constant 0 : i32
      %dma_start3A_176 = arith.constant 0 : i32
      %dma_start3A_177 = tpu.memref_slice %arg2[%dma_start3A_175, %dma_start3A_176] : memref<100000x16xf32, #tpu.memory_space<hbm>> -> memref<100000x16xf32, #tpu.memory_space<hbm>>
      tpu.enqueue_indirect_dma source(%dma_start3A_177 : memref<100000x16xf32, #tpu.memory_space<hbm>>) target(%dma_start3A_172 : memref<128x16xf32, #tpu.memory_space<vmem>>) offsets(%dma_start3A_174 : memref<128xi32, #tpu.memory_space<vmem>>) semaphore(%arg16 : memref<!tpu.dma_semaphore, #tpu.memory_space<semaphore_mem>>)
      %dma_start3A_178 = arith.constant 384 : i32
      %dma_start3A_179 = arith.constant 0 : i32
      %dma_start3A_180 = tpu.memref_slice %arg10[%dma_start3A_178, %dma_start3A_179] : memref<512x16xf32, #tpu.memory_space<vmem>> -> memref<128x16xf32, #tpu.memory_space<vmem>>
      %dma_start3A_181 = arith.constant 384 : i32
      %dma_start3A_182 = tpu.memref_slice %arg7[%dma_start3A_181] : memref<512xi32, #tpu.memory_space<vmem>> -> memref<128xi32, #tpu.memory_space<vmem>>
      %dma_start3A_183 = arith.constant 0 : i32
      %dma_start3A_184 = arith.constant 0 : i32
      %dma_start3A_185 = tpu.memref_slice %arg2[%dma_start3A_183, %dma_start3A_184] : memref<100000x16xf32, #tpu.memory_space<hbm>> -> memref<100000x16xf32, #tpu.memory_space<hbm>>
      tpu.enqueue_indirect_dma source(%dma_start3A_185 : memref<100000x16xf32, #tpu.memory_space<hbm>>) target(%dma_start3A_180 : memref<128x16xf32, #tpu.memory_space<vmem>>) offsets(%dma_start3A_182 : memref<128xi32, #tpu.memory_space<vmem>>) semaphore(%arg16 : memref<!tpu.dma_semaphore, #tpu.memory_space<semaphore_mem>>)
      %lt3A_186 = arith.constant 97 : i32
      %lt3A_187 = arith.cmpi slt, %while3A_135, %lt3A_186 : i32
      %mul3A_188 = arith.constant 2 : i32
      %mul3A_189 = arith.muli %while3A_135, %mul3A_188 : i32
      %mul3A_190 = arith.constant 4 : i32
      %mul3A_191 = arith.muli %mul3A_189, %mul3A_190 : i32
      %add3A_192 = arith.addi %mul3A_54, %mul3A_191 : i32
      %mul3A_193 = arith.constant 8 : i32
      %mul3A_194 = arith.muli %mul3A_193, %add3A_52 : i32
      %add3A_195 = arith.constant 24832 : i32
      %add3A_196 = arith.addi %add3A_195, %mul3A_194 : i32
      %select_n3A_197 = arith.select %lt3A_187, %add3A_192, %add3A_196 : i32
      %add3A_198 = arith.constant 4 : i32
      %add3A_199 = arith.addi %select_n3A_197, %add3A_198 : i32
      %gt3A_200 = arith.constant 0 : i32
      %gt3A_201 = arith.cmpi sgt, %while3A_135, %gt3A_200 : i32
      %convert_element_type3A_202 = arith.extui %gt3A_201 : i1 to i32
      %cond3A_203 = arith.constant 0 : i32
      %cond3A_204 = arith.cmpi ne, %convert_element_type3A_202, %cond3A_203 : i32
      scf.if %cond3A_204 {
        %dma_wait3A_328 = arith.constant 0 : i32
        %dma_wait3A_329 = arith.constant 0 : i32
        %dma_wait3A_330 = tpu.memref_slice %arg2[%dma_wait3A_328, %dma_wait3A_329] : memref<100000x16xf32, #tpu.memory_space<hbm>> -> memref<512x16xf32, #tpu.memory_space<hbm>>
        %dma_wait3A_331 = arith.constant 0 : i32
        %dma_wait3A_332 = arith.constant 0 : i32
        %dma_wait3A_333 = tpu.memref_slice %arg2[%dma_wait3A_331, %dma_wait3A_332] : memref<100000x16xf32, #tpu.memory_space<hbm>> -> memref<512x16xf32, #tpu.memory_space<hbm>>
        tpu.wait_dma2 semaphore(%arg19 : memref<!tpu.dma_semaphore, #tpu.memory_space<semaphore_mem>>) src(%dma_wait3A_333 : memref<512x16xf32, #tpu.memory_space<hbm>>) dst(%arg14 : memref<512x16xf32, #tpu.memory_space<vmem>>)
      } else {
      }
      %mul3A_205 = arith.constant 128 : i32
      %mul3A_206 = arith.muli %add3A_199, %mul3A_205 : i32
      %run_scoped3A_207 = arith.constant 0 : i32
      "tpu.region"() ({
        %run_scoped3A_328 = tpu.sem_alloc : memref<!tpu.dma_semaphore, #tpu.memory_space<semaphore_mem>>
        %dma_start3A_329 = tpu.memref_slice %arg3[%run_scoped3A_207, %mul3A_206] : memref<2x3200000xi32, #tpu.memory_space<hbm>> -> memref<1x512xi32, #tpu.memory_space<hbm>>
        %dma_start3A_330 = tpu.memref_squeeze %dma_start3A_329 : memref<1x512xi32, #tpu.memory_space<hbm>> -> memref<512xi32, #tpu.memory_space<hbm>>
        %dma_start3A_331 = tpu.memref_slice %arg3[%run_scoped3A_207, %mul3A_206] : memref<2x3200000xi32, #tpu.memory_space<hbm>> -> memref<1x512xi32, #tpu.memory_space<hbm>>
        %dma_start3A_332 = tpu.memref_squeeze %dma_start3A_331 : memref<1x512xi32, #tpu.memory_space<hbm>> -> memref<512xi32, #tpu.memory_space<hbm>>
        tpu.enqueue_dma source(%dma_start3A_332 : memref<512xi32, #tpu.memory_space<hbm>>) target(%arg11 : memref<512xi32, #tpu.memory_space<vmem>>) target_semaphore(%run_scoped3A_328 : memref<!tpu.dma_semaphore, #tpu.memory_space<semaphore_mem>>)
        %dma_wait3A_333 = tpu.memref_slice %arg3[%run_scoped3A_207, %mul3A_206] : memref<2x3200000xi32, #tpu.memory_space<hbm>> -> memref<1x512xi32, #tpu.memory_space<hbm>>
        %dma_wait3A_334 = tpu.memref_squeeze %dma_wait3A_333 : memref<1x512xi32, #tpu.memory_space<hbm>> -> memref<512xi32, #tpu.memory_space<hbm>>
        %dma_wait3A_335 = tpu.memref_slice %arg3[%run_scoped3A_207, %mul3A_206] : memref<2x3200000xi32, #tpu.memory_space<hbm>> -> memref<1x512xi32, #tpu.memory_space<hbm>>
        %dma_wait3A_336 = tpu.memref_squeeze %dma_wait3A_335 : memref<1x512xi32, #tpu.memory_space<hbm>> -> memref<512xi32, #tpu.memory_space<hbm>>
        tpu.wait_dma2 semaphore(%run_scoped3A_328 : memref<!tpu.dma_semaphore, #tpu.memory_space<semaphore_mem>>) src(%dma_wait3A_336 : memref<512xi32, #tpu.memory_space<hbm>>) dst(%arg11 : memref<512xi32, #tpu.memory_space<vmem>>)
        tpu.yield
      }) : () -> ()
      %run_scoped3A_208 = arith.constant 1 : i32
      "tpu.region"() ({
        %run_scoped3A_328 = tpu.sem_alloc : memref<!tpu.dma_semaphore, #tpu.memory_space<semaphore_mem>>
        %dma_start3A_329 = tpu.memref_slice %arg3[%run_scoped3A_208, %mul3A_206] : memref<2x3200000xi32, #tpu.memory_space<hbm>> -> memref<1x512xi32, #tpu.memory_space<hbm>>
        %dma_start3A_330 = tpu.memref_squeeze %dma_start3A_329 : memref<1x512xi32, #tpu.memory_space<hbm>> -> memref<512xi32, #tpu.memory_space<hbm>>
        %dma_start3A_331 = tpu.memref_slice %arg3[%run_scoped3A_208, %mul3A_206] : memref<2x3200000xi32, #tpu.memory_space<hbm>> -> memref<1x512xi32, #tpu.memory_space<hbm>>
        %dma_start3A_332 = tpu.memref_squeeze %dma_start3A_331 : memref<1x512xi32, #tpu.memory_space<hbm>> -> memref<512xi32, #tpu.memory_space<hbm>>
        tpu.enqueue_dma source(%dma_start3A_332 : memref<512xi32, #tpu.memory_space<hbm>>) target(%arg12 : memref<512xi32, #tpu.memory_space<vmem>>) target_semaphore(%run_scoped3A_328 : memref<!tpu.dma_semaphore, #tpu.memory_space<semaphore_mem>>)
        %dma_wait3A_333 = tpu.memref_slice %arg3[%run_scoped3A_208, %mul3A_206] : memref<2x3200000xi32, #tpu.memory_space<hbm>> -> memref<1x512xi32, #tpu.memory_space<hbm>>
        %dma_wait3A_334 = tpu.memref_squeeze %dma_wait3A_333 : memref<1x512xi32, #tpu.memory_space<hbm>> -> memref<512xi32, #tpu.memory_space<hbm>>
        %dma_wait3A_335 = tpu.memref_slice %arg3[%run_scoped3A_208, %mul3A_206] : memref<2x3200000xi32, #tpu.memory_space<hbm>> -> memref<1x512xi32, #tpu.memory_space<hbm>>
        %dma_wait3A_336 = tpu.memref_squeeze %dma_wait3A_335 : memref<1x512xi32, #tpu.memory_space<hbm>> -> memref<512xi32, #tpu.memory_space<hbm>>
        tpu.wait_dma2 semaphore(%run_scoped3A_328 : memref<!tpu.dma_semaphore, #tpu.memory_space<semaphore_mem>>) src(%dma_wait3A_336 : memref<512xi32, #tpu.memory_space<hbm>>) dst(%arg12 : memref<512xi32, #tpu.memory_space<vmem>>)
        tpu.yield
      }) : () -> ()
      "tpu.region"() ({
        %run_scoped3A_328 = tpu.sem_alloc : memref<!tpu.dma_semaphore, #tpu.memory_space<semaphore_mem>>
        %dma_start3A_329 = tpu.memref_slice %arg4[%mul3A_206] : memref<3200000xf32, #tpu.memory_space<hbm>> -> memref<512xf32, #tpu.memory_space<hbm>>
        %dma_start3A_330 = tpu.memref_slice %arg4[%mul3A_206] : memref<3200000xf32, #tpu.memory_space<hbm>> -> memref<512xf32, #tpu.memory_space<hbm>>
        tpu.enqueue_dma source(%dma_start3A_330 : memref<512xf32, #tpu.memory_space<hbm>>) target(%arg13 : memref<512xf32, #tpu.memory_space<vmem>>) target_semaphore(%run_scoped3A_328 : memref<!tpu.dma_semaphore, #tpu.memory_space<semaphore_mem>>)
        %dma_wait3A_331 = tpu.memref_slice %arg4[%mul3A_206] : memref<3200000xf32, #tpu.memory_space<hbm>> -> memref<512xf32, #tpu.memory_space<hbm>>
        %dma_wait3A_332 = tpu.memref_slice %arg4[%mul3A_206] : memref<3200000xf32, #tpu.memory_space<hbm>> -> memref<512xf32, #tpu.memory_space<hbm>>
        tpu.wait_dma2 semaphore(%run_scoped3A_328 : memref<!tpu.dma_semaphore, #tpu.memory_space<semaphore_mem>>) src(%dma_wait3A_332 : memref<512xf32, #tpu.memory_space<hbm>>) dst(%arg13 : memref<512xf32, #tpu.memory_space<vmem>>)
        tpu.yield
      }) : () -> ()
      %dma_start3A_209 = arith.constant 0 : i32
      %dma_start3A_210 = arith.constant 0 : i32
      %dma_start3A_211 = tpu.memref_slice %arg14[%dma_start3A_209, %dma_start3A_210] : memref<512x16xf32, #tpu.memory_space<vmem>> -> memref<128x16xf32, #tpu.memory_space<vmem>>
      %dma_start3A_212 = arith.constant 0 : i32
      %dma_start3A_213 = tpu.memref_slice %arg11[%dma_start3A_212] : memref<512xi32, #tpu.memory_space<vmem>> -> memref<128xi32, #tpu.memory_space<vmem>>
      %dma_start3A_214 = arith.constant 0 : i32
      %dma_start3A_215 = arith.constant 0 : i32
      %dma_start3A_216 = tpu.memref_slice %arg2[%dma_start3A_214, %dma_start3A_215] : memref<100000x16xf32, #tpu.memory_space<hbm>> -> memref<100000x16xf32, #tpu.memory_space<hbm>>
      tpu.enqueue_indirect_dma source(%dma_start3A_216 : memref<100000x16xf32, #tpu.memory_space<hbm>>) target(%dma_start3A_211 : memref<128x16xf32, #tpu.memory_space<vmem>>) offsets(%dma_start3A_213 : memref<128xi32, #tpu.memory_space<vmem>>) semaphore(%arg17 : memref<!tpu.dma_semaphore, #tpu.memory_space<semaphore_mem>>)
      %dma_start3A_217 = arith.constant 128 : i32
      %dma_start3A_218 = arith.constant 0 : i32
      %dma_start3A_219 = tpu.memref_slice %arg14[%dma_start3A_217, %dma_start3A_218] : memref<512x16xf32, #tpu.memory_space<vmem>> -> memref<128x16xf32, #tpu.memory_space<vmem>>
      %dma_start3A_220 = arith.constant 128 : i32
      %dma_start3A_221 = tpu.memref_slice %arg11[%dma_start3A_220] : memref<512xi32, #tpu.memory_space<vmem>> -> memref<128xi32, #tpu.memory_space<vmem>>
      %dma_start3A_222 = arith.constant 0 : i32
      %dma_start3A_223 = arith.constant 0 : i32
      %dma_start3A_224 = tpu.memref_slice %arg2[%dma_start3A_222, %dma_start3A_223] : memref<100000x16xf32, #tpu.memory_space<hbm>> -> memref<100000x16xf32, #tpu.memory_space<hbm>>
      tpu.enqueue_indirect_dma source(%dma_start3A_224 : memref<100000x16xf32, #tpu.memory_space<hbm>>) target(%dma_start3A_219 : memref<128x16xf32, #tpu.memory_space<vmem>>) offsets(%dma_start3A_221 : memref<128xi32, #tpu.memory_space<vmem>>) semaphore(%arg17 : memref<!tpu.dma_semaphore, #tpu.memory_space<semaphore_mem>>)
      %dma_start3A_225 = arith.constant 256 : i32
      %dma_start3A_226 = arith.constant 0 : i32
      %dma_start3A_227 = tpu.memref_slice %arg14[%dma_start3A_225, %dma_start3A_226] : memref<512x16xf32, #tpu.memory_space<vmem>> -> memref<128x16xf32, #tpu.memory_space<vmem>>
      %dma_start3A_228 = arith.constant 256 : i32
      %dma_start3A_229 = tpu.memref_slice %arg11[%dma_start3A_228] : memref<512xi32, #tpu.memory_space<vmem>> -> memref<128xi32, #tpu.memory_space<vmem>>
      %dma_start3A_230 = arith.constant 0 : i32
      %dma_start3A_231 = arith.constant 0 : i32
      %dma_start3A_232 = tpu.memref_slice %arg2[%dma_start3A_230, %dma_start3A_231] : memref<100000x16xf32, #tpu.memory_space<hbm>> -> memref<100000x16xf32, #tpu.memory_space<hbm>>
      tpu.enqueue_indirect_dma source(%dma_start3A_232 : memref<100000x16xf32, #tpu.memory_space<hbm>>) target(%dma_start3A_227 : memref<128x16xf32, #tpu.memory_space<vmem>>) offsets(%dma_start3A_229 : memref<128xi32, #tpu.memory_space<vmem>>) semaphore(%arg17 : memref<!tpu.dma_semaphore, #tpu.memory_space<semaphore_mem>>)
      %dma_start3A_233 = arith.constant 384 : i32
      %dma_start3A_234 = arith.constant 0 : i32
      %dma_start3A_235 = tpu.memref_slice %arg14[%dma_start3A_233, %dma_start3A_234] : memref<512x16xf32, #tpu.memory_space<vmem>> -> memref<128x16xf32, #tpu.memory_space<vmem>>
      %dma_start3A_236 = arith.constant 384 : i32
      %dma_start3A_237 = tpu.memref_slice %arg11[%dma_start3A_236] : memref<512xi32, #tpu.memory_space<vmem>> -> memref<128xi32, #tpu.memory_space<vmem>>
      %dma_start3A_238 = arith.constant 0 : i32
      %dma_start3A_239 = arith.constant 0 : i32
      %dma_start3A_240 = tpu.memref_slice %arg2[%dma_start3A_238, %dma_start3A_239] : memref<100000x16xf32, #tpu.memory_space<hbm>> -> memref<100000x16xf32, #tpu.memory_space<hbm>>
      tpu.enqueue_indirect_dma source(%dma_start3A_240 : memref<100000x16xf32, #tpu.memory_space<hbm>>) target(%dma_start3A_235 : memref<128x16xf32, #tpu.memory_space<vmem>>) offsets(%dma_start3A_237 : memref<128xi32, #tpu.memory_space<vmem>>) semaphore(%arg17 : memref<!tpu.dma_semaphore, #tpu.memory_space<semaphore_mem>>)
      %dma_wait3A_241 = arith.constant 0 : i32
      %dma_wait3A_242 = arith.constant 0 : i32
      %dma_wait3A_243 = tpu.memref_slice %arg2[%dma_wait3A_241, %dma_wait3A_242] : memref<100000x16xf32, #tpu.memory_space<hbm>> -> memref<512x16xf32, #tpu.memory_space<hbm>>
      %dma_wait3A_244 = arith.constant 0 : i32
      %dma_wait3A_245 = arith.constant 0 : i32
      %dma_wait3A_246 = tpu.memref_slice %arg2[%dma_wait3A_244, %dma_wait3A_245] : memref<100000x16xf32, #tpu.memory_space<hbm>> -> memref<512x16xf32, #tpu.memory_space<hbm>>
      tpu.wait_dma2 semaphore(%arg16 : memref<!tpu.dma_semaphore, #tpu.memory_space<semaphore_mem>>) src(%dma_wait3A_246 : memref<512x16xf32, #tpu.memory_space<hbm>>) dst(%arg10 : memref<512x16xf32, #tpu.memory_space<vmem>>)
      %scan3A = arith.constant 0 : i32
      %scan3A_247 = arith.constant 0 : i32
      %scan3A_248 = arith.constant 32 : i32
      %scan3A_249 = arith.addi %scan3A_247, %scan3A_248 : i32
      %scan3A_250 = arith.constant 1 : i32
      scf.for %scan3A_328 = %scan3A_247 to %scan3A_249 step %scan3A_250  : i32 {
        %mul3A_329 = arith.constant 16 : i32
        %mul3A_330 = arith.muli %scan3A_328, %mul3A_329 : i32
        %add3A_331 = vector.broadcast %mul3A_330 : i32 to vector<16xi32>
        %add3A_332 = arith.addi %iota3A, %add3A_331 : vector<16xi32>
        %mul3A_333 = arith.constant 16 : i32
        %mul3A_334 = arith.muli %scan3A_328, %mul3A_333 : i32
        %get3A = arith.index_cast %mul3A_334 : i32 to index
        %get3A_335 = tpu.vector_load %arg9[%get3A] {strides = array<i32>} : memref<512xf32, #tpu.memory_space<vmem>>, vector<16xf32>,
        %broadcast_in_dim3A_336 = arith.constant 0 : i32
        %broadcast_in_dim3A_337 = vector.broadcast %broadcast_in_dim3A_336 : i32 to vector<16xi32>
        %gather3A = tpu.vector_load_idx %arg10[%add3A_332, %broadcast_in_dim3A_337] : memref<512x16xf32, #tpu.memory_space<vmem>>[vector<16xi32>, vector<16xi32>], vector<16xf32>,
        %mul3A_338 = arith.mulf %gather3A, %get3A_335 : vector<16xf32>
        tpu.vector_store_idx %arg10[%add3A_332, %broadcast_in_dim3A_337], %mul3A_338 : memref<512x16xf32, #tpu.memory_space<vmem>>[vector<16xi32>, vector<16xi32>], vector<16xf32>,
        %broadcast_in_dim3A_339 = arith.constant 1 : i32
        %broadcast_in_dim3A_340 = vector.broadcast %broadcast_in_dim3A_339 : i32 to vector<16xi32>
        %gather3A_341 = tpu.vector_load_idx %arg10[%add3A_332, %broadcast_in_dim3A_340] : memref<512x16xf32, #tpu.memory_space<vmem>>[vector<16xi32>, vector<16xi32>], vector<16xf32>,
        %mul3A_342 = arith.mulf %gather3A_341, %get3A_335 : vector<16xf32>
        tpu.vector_store_idx %arg10[%add3A_332, %broadcast_in_dim3A_340], %mul3A_342 : memref<512x16xf32, #tpu.memory_space<vmem>>[vector<16xi32>, vector<16xi32>], vector<16xf32>,
        %broadcast_in_dim3A_343 = arith.constant 2 : i32
        %broadcast_in_dim3A_344 = vector.broadcast %broadcast_in_dim3A_343 : i32 to vector<16xi32>
        %gather3A_345 = tpu.vector_load_idx %arg10[%add3A_332, %broadcast_in_dim3A_344] : memref<512x16xf32, #tpu.memory_space<vmem>>[vector<16xi32>, vector<16xi32>], vector<16xf32>,
        %mul3A_346 = arith.mulf %gather3A_345, %get3A_335 : vector<16xf32>
        tpu.vector_store_idx %arg10[%add3A_332, %broadcast_in_dim3A_344], %mul3A_346 : memref<512x16xf32, #tpu.memory_space<vmem>>[vector<16xi32>, vector<16xi32>], vector<16xf32>,
        %broadcast_in_dim3A_347 = arith.constant 3 : i32
        %broadcast_in_dim3A_348 = vector.broadcast %broadcast_in_dim3A_347 : i32 to vector<16xi32>
        %gather3A_349 = tpu.vector_load_idx %arg10[%add3A_332, %broadcast_in_dim3A_348] : memref<512x16xf32, #tpu.memory_space<vmem>>[vector<16xi32>, vector<16xi32>], vector<16xf32>,
        %mul3A_350 = arith.mulf %gather3A_349, %get3A_335 : vector<16xf32>
        tpu.vector_store_idx %arg10[%add3A_332, %broadcast_in_dim3A_348], %mul3A_350 : memref<512x16xf32, #tpu.memory_space<vmem>>[vector<16xi32>, vector<16xi32>], vector<16xf32>,
        %broadcast_in_dim3A_351 = arith.constant 4 : i32
        %broadcast_in_dim3A_352 = vector.broadcast %broadcast_in_dim3A_351 : i32 to vector<16xi32>
        %gather3A_353 = tpu.vector_load_idx %arg10[%add3A_332, %broadcast_in_dim3A_352] : memref<512x16xf32, #tpu.memory_space<vmem>>[vector<16xi32>, vector<16xi32>], vector<16xf32>,
        %mul3A_354 = arith.mulf %gather3A_353, %get3A_335 : vector<16xf32>
        tpu.vector_store_idx %arg10[%add3A_332, %broadcast_in_dim3A_352], %mul3A_354 : memref<512x16xf32, #tpu.memory_space<vmem>>[vector<16xi32>, vector<16xi32>], vector<16xf32>,
        %broadcast_in_dim3A_355 = arith.constant 5 : i32
        %broadcast_in_dim3A_356 = vector.broadcast %broadcast_in_dim3A_355 : i32 to vector<16xi32>
        %gather3A_357 = tpu.vector_load_idx %arg10[%add3A_332, %broadcast_in_dim3A_356] : memref<512x16xf32, #tpu.memory_space<vmem>>[vector<16xi32>, vector<16xi32>], vector<16xf32>,
        %mul3A_358 = arith.mulf %gather3A_357, %get3A_335 : vector<16xf32>
        tpu.vector_store_idx %arg10[%add3A_332, %broadcast_in_dim3A_356], %mul3A_358 : memref<512x16xf32, #tpu.memory_space<vmem>>[vector<16xi32>, vector<16xi32>], vector<16xf32>,
        %broadcast_in_dim3A_359 = arith.constant 6 : i32
        %broadcast_in_dim3A_360 = vector.broadcast %broadcast_in_dim3A_359 : i32 to vector<16xi32>
        %gather3A_361 = tpu.vector_load_idx %arg10[%add3A_332, %broadcast_in_dim3A_360] : memref<512x16xf32, #tpu.memory_space<vmem>>[vector<16xi32>, vector<16xi32>], vector<16xf32>,
        %mul3A_362 = arith.mulf %gather3A_361, %get3A_335 : vector<16xf32>
        tpu.vector_store_idx %arg10[%add3A_332, %broadcast_in_dim3A_360], %mul3A_362 : memref<512x16xf32, #tpu.memory_space<vmem>>[vector<16xi32>, vector<16xi32>], vector<16xf32>,
        %broadcast_in_dim3A_363 = arith.constant 7 : i32
        %broadcast_in_dim3A_364 = vector.broadcast %broadcast_in_dim3A_363 : i32 to vector<16xi32>
        %gather3A_365 = tpu.vector_load_idx %arg10[%add3A_332, %broadcast_in_dim3A_364] : memref<512x16xf32, #tpu.memory_space<vmem>>[vector<16xi32>, vector<16xi32>], vector<16xf32>,
        %mul3A_366 = arith.mulf %gather3A_365, %get3A_335 : vector<16xf32>
        tpu.vector_store_idx %arg10[%add3A_332, %broadcast_in_dim3A_364], %mul3A_366 : memref<512x16xf32, #tpu.memory_space<vmem>>[vector<16xi32>, vector<16xi32>], vector<16xf32>,
        %broadcast_in_dim3A_367 = arith.constant 8 : i32
        %broadcast_in_dim3A_368 = vector.broadcast %broadcast_in_dim3A_367 : i32 to vector<16xi32>
        %gather3A_369 = tpu.vector_load_idx %arg10[%add3A_332, %broadcast_in_dim3A_368] : memref<512x16xf32, #tpu.memory_space<vmem>>[vector<16xi32>, vector<16xi32>], vector<16xf32>,
        %mul3A_370 = arith.mulf %gather3A_369, %get3A_335 : vector<16xf32>
        tpu.vector_store_idx %arg10[%add3A_332, %broadcast_in_dim3A_368], %mul3A_370 : memref<512x16xf32, #tpu.memory_space<vmem>>[vector<16xi32>, vector<16xi32>], vector<16xf32>,
        %broadcast_in_dim3A_371 = arith.constant 9 : i32
        %broadcast_in_dim3A_372 = vector.broadcast %broadcast_in_dim3A_371 : i32 to vector<16xi32>
        %gather3A_373 = tpu.vector_load_idx %arg10[%add3A_332, %broadcast_in_dim3A_372] : memref<512x16xf32, #tpu.memory_space<vmem>>[vector<16xi32>, vector<16xi32>], vector<16xf32>,
        %mul3A_374 = arith.mulf %gather3A_373, %get3A_335 : vector<16xf32>
        tpu.vector_store_idx %arg10[%add3A_332, %broadcast_in_dim3A_372], %mul3A_374 : memref<512x16xf32, #tpu.memory_space<vmem>>[vector<16xi32>, vector<16xi32>], vector<16xf32>,
        tpu.vector_store_idx %arg10[%add3A_332, %broadcast_in_dim3A_61], %broadcast_in_dim3A_59 : memref<512x16xf32, #tpu.memory_space<vmem>>[vector<16xi32>, vector<16xi32>], vector<16xf32>,
      }
      %scan3A_251 = arith.constant 32 : i32
      %dma_start3A_252 = arith.constant 0 : i32
      %dma_start3A_253 = arith.constant 0 : i32
      %dma_start3A_254 = tpu.memref_slice %arg10[%dma_start3A_252, %dma_start3A_253] : memref<512x16xf32, #tpu.memory_space<vmem>> -> memref<128x16xf32, #tpu.memory_space<vmem>>
      %dma_start3A_255 = arith.constant 0 : i32
      %dma_start3A_256 = tpu.memref_slice %arg8[%dma_start3A_255] : memref<512xi32, #tpu.memory_space<vmem>> -> memref<128xi32, #tpu.memory_space<vmem>>
      %dma_start3A_257 = arith.constant 0 : i32
      %dma_start3A_258 = arith.constant 0 : i32
      %dma_start3A_259 = tpu.memref_slice %arg15[%dma_start3A_257, %dma_start3A_258] : memref<100096x16xf32, #tpu.memory_space<vmem_shared>> -> memref<100096x16xf32, #tpu.memory_space<vmem_shared>>
      tpu.enqueue_indirect_dma source(%dma_start3A_254 : memref<128x16xf32, #tpu.memory_space<vmem>>) target(%dma_start3A_259 : memref<100096x16xf32, #tpu.memory_space<vmem_shared>>) offsets(%dma_start3A_256 : memref<128xi32, #tpu.memory_space<vmem>>) semaphore(%arg18 : memref<!tpu.dma_semaphore, #tpu.memory_space<semaphore_mem>>) {add = true}
      %dma_start3A_260 = arith.constant 128 : i32
      %dma_start3A_261 = arith.constant 0 : i32
      %dma_start3A_262 = tpu.memref_slice %arg10[%dma_start3A_260, %dma_start3A_261] : memref<512x16xf32, #tpu.memory_space<vmem>> -> memref<128x16xf32, #tpu.memory_space<vmem>>
      %dma_start3A_263 = arith.constant 128 : i32
      %dma_start3A_264 = tpu.memref_slice %arg8[%dma_start3A_263] : memref<512xi32, #tpu.memory_space<vmem>> -> memref<128xi32, #tpu.memory_space<vmem>>
      %dma_start3A_265 = arith.constant 0 : i32
      %dma_start3A_266 = arith.constant 0 : i32
      %dma_start3A_267 = tpu.memref_slice %arg15[%dma_start3A_265, %dma_start3A_266] : memref<100096x16xf32, #tpu.memory_space<vmem_shared>> -> memref<100096x16xf32, #tpu.memory_space<vmem_shared>>
      tpu.enqueue_indirect_dma source(%dma_start3A_262 : memref<128x16xf32, #tpu.memory_space<vmem>>) target(%dma_start3A_267 : memref<100096x16xf32, #tpu.memory_space<vmem_shared>>) offsets(%dma_start3A_264 : memref<128xi32, #tpu.memory_space<vmem>>) semaphore(%arg18 : memref<!tpu.dma_semaphore, #tpu.memory_space<semaphore_mem>>) {add = true}
      %dma_start3A_268 = arith.constant 256 : i32
      %dma_start3A_269 = arith.constant 0 : i32
      %dma_start3A_270 = tpu.memref_slice %arg10[%dma_start3A_268, %dma_start3A_269] : memref<512x16xf32, #tpu.memory_space<vmem>> -> memref<128x16xf32, #tpu.memory_space<vmem>>
      %dma_start3A_271 = arith.constant 256 : i32
      %dma_start3A_272 = tpu.memref_slice %arg8[%dma_start3A_271] : memref<512xi32, #tpu.memory_space<vmem>> -> memref<128xi32, #tpu.memory_space<vmem>>
      %dma_start3A_273 = arith.constant 0 : i32
      %dma_start3A_274 = arith.constant 0 : i32
      %dma_start3A_275 = tpu.memref_slice %arg15[%dma_start3A_273, %dma_start3A_274] : memref<100096x16xf32, #tpu.memory_space<vmem_shared>> -> memref<100096x16xf32, #tpu.memory_space<vmem_shared>>
      tpu.enqueue_indirect_dma source(%dma_start3A_270 : memref<128x16xf32, #tpu.memory_space<vmem>>) target(%dma_start3A_275 : memref<100096x16xf32, #tpu.memory_space<vmem_shared>>) offsets(%dma_start3A_272 : memref<128xi32, #tpu.memory_space<vmem>>) semaphore(%arg18 : memref<!tpu.dma_semaphore, #tpu.memory_space<semaphore_mem>>) {add = true}
      %dma_start3A_276 = arith.constant 384 : i32
      %dma_start3A_277 = arith.constant 0 : i32
      %dma_start3A_278 = tpu.memref_slice %arg10[%dma_start3A_276, %dma_start3A_277] : memref<512x16xf32, #tpu.memory_space<vmem>> -> memref<128x16xf32, #tpu.memory_space<vmem>>
      %dma_start3A_279 = arith.constant 384 : i32
      %dma_start3A_280 = tpu.memref_slice %arg8[%dma_start3A_279] : memref<512xi32, #tpu.memory_space<vmem>> -> memref<128xi32, #tpu.memory_space<vmem>>
      %dma_start3A_281 = arith.constant 0 : i32
      %dma_start3A_282 = arith.constant 0 : i32
      %dma_start3A_283 = tpu.memref_slice %arg15[%dma_start3A_281, %dma_start3A_282] : memref<100096x16xf32, #tpu.memory_space<vmem_shared>> -> memref<100096x16xf32, #tpu.memory_space<vmem_shared>>
      tpu.enqueue_indirect_dma source(%dma_start3A_278 : memref<128x16xf32, #tpu.memory_space<vmem>>) target(%dma_start3A_283 : memref<100096x16xf32, #tpu.memory_space<vmem_shared>>) offsets(%dma_start3A_280 : memref<128xi32, #tpu.memory_space<vmem>>) semaphore(%arg18 : memref<!tpu.dma_semaphore, #tpu.memory_space<semaphore_mem>>) {add = true}
      %dma_wait3A_284 = arith.constant 0 : i32
      %dma_wait3A_285 = arith.constant 0 : i32
      %dma_wait3A_286 = tpu.memref_slice %arg2[%dma_wait3A_284, %dma_wait3A_285] : memref<100000x16xf32, #tpu.memory_space<hbm>> -> memref<512x16xf32, #tpu.memory_space<hbm>>
      %dma_wait3A_287 = arith.constant 0 : i32
      %dma_wait3A_288 = arith.constant 0 : i32
      %dma_wait3A_289 = tpu.memref_slice %arg2[%dma_wait3A_287, %dma_wait3A_288] : memref<100000x16xf32, #tpu.memory_space<hbm>> -> memref<512x16xf32, #tpu.memory_space<hbm>>
      tpu.wait_dma2 semaphore(%arg17 : memref<!tpu.dma_semaphore, #tpu.memory_space<semaphore_mem>>) src(%dma_wait3A_289 : memref<512x16xf32, #tpu.memory_space<hbm>>) dst(%arg14 : memref<512x16xf32, #tpu.memory_space<vmem>>)
      %scan3A_290 = arith.constant 0 : i32
      %scan3A_291 = arith.constant 0 : i32
      %scan3A_292 = arith.constant 32 : i32
      %scan3A_293 = arith.addi %scan3A_291, %scan3A_292 : i32
      %scan3A_294 = arith.constant 1 : i32
      scf.for %scan3A_328 = %scan3A_291 to %scan3A_293 step %scan3A_294  : i32 {
        %mul3A_329 = arith.constant 16 : i32
        %mul3A_330 = arith.muli %scan3A_328, %mul3A_329 : i32
        %add3A_331 = vector.broadcast %mul3A_330 : i32 to vector<16xi32>
        %add3A_332 = arith.addi %iota3A, %add3A_331 : vector<16xi32>
        %mul3A_333 = arith.constant 16 : i32
        %mul3A_334 = arith.muli %scan3A_328, %mul3A_333 : i32
        %get3A = arith.index_cast %mul3A_334 : i32 to index
        %get3A_335 = tpu.vector_load %arg13[%get3A] {strides = array<i32>} : memref<512xf32, #tpu.memory_space<vmem>>, vector<16xf32>,
        %broadcast_in_dim3A_336 = arith.constant 0 : i32
        %broadcast_in_dim3A_337 = vector.broadcast %broadcast_in_dim3A_336 : i32 to vector<16xi32>
        %gather3A = tpu.vector_load_idx %arg14[%add3A_332, %broadcast_in_dim3A_337] : memref<512x16xf32, #tpu.memory_space<vmem>>[vector<16xi32>, vector<16xi32>], vector<16xf32>,
        %mul3A_338 = arith.mulf %gather3A, %get3A_335 : vector<16xf32>
        tpu.vector_store_idx %arg14[%add3A_332, %broadcast_in_dim3A_337], %mul3A_338 : memref<512x16xf32, #tpu.memory_space<vmem>>[vector<16xi32>, vector<16xi32>], vector<16xf32>,
        %broadcast_in_dim3A_339 = arith.constant 1 : i32
        %broadcast_in_dim3A_340 = vector.broadcast %broadcast_in_dim3A_339 : i32 to vector<16xi32>
        %gather3A_341 = tpu.vector_load_idx %arg14[%add3A_332, %broadcast_in_dim3A_340] : memref<512x16xf32, #tpu.memory_space<vmem>>[vector<16xi32>, vector<16xi32>], vector<16xf32>,
        %mul3A_342 = arith.mulf %gather3A_341, %get3A_335 : vector<16xf32>
        tpu.vector_store_idx %arg14[%add3A_332, %broadcast_in_dim3A_340], %mul3A_342 : memref<512x16xf32, #tpu.memory_space<vmem>>[vector<16xi32>, vector<16xi32>], vector<16xf32>,
        %broadcast_in_dim3A_343 = arith.constant 2 : i32
        %broadcast_in_dim3A_344 = vector.broadcast %broadcast_in_dim3A_343 : i32 to vector<16xi32>
        %gather3A_345 = tpu.vector_load_idx %arg14[%add3A_332, %broadcast_in_dim3A_344] : memref<512x16xf32, #tpu.memory_space<vmem>>[vector<16xi32>, vector<16xi32>], vector<16xf32>,
        %mul3A_346 = arith.mulf %gather3A_345, %get3A_335 : vector<16xf32>
        tpu.vector_store_idx %arg14[%add3A_332, %broadcast_in_dim3A_344], %mul3A_346 : memref<512x16xf32, #tpu.memory_space<vmem>>[vector<16xi32>, vector<16xi32>], vector<16xf32>,
        %broadcast_in_dim3A_347 = arith.constant 3 : i32
        %broadcast_in_dim3A_348 = vector.broadcast %broadcast_in_dim3A_347 : i32 to vector<16xi32>
        %gather3A_349 = tpu.vector_load_idx %arg14[%add3A_332, %broadcast_in_dim3A_348] : memref<512x16xf32, #tpu.memory_space<vmem>>[vector<16xi32>, vector<16xi32>], vector<16xf32>,
        %mul3A_350 = arith.mulf %gather3A_349, %get3A_335 : vector<16xf32>
        tpu.vector_store_idx %arg14[%add3A_332, %broadcast_in_dim3A_348], %mul3A_350 : memref<512x16xf32, #tpu.memory_space<vmem>>[vector<16xi32>, vector<16xi32>], vector<16xf32>,
        %broadcast_in_dim3A_351 = arith.constant 4 : i32
        %broadcast_in_dim3A_352 = vector.broadcast %broadcast_in_dim3A_351 : i32 to vector<16xi32>
        %gather3A_353 = tpu.vector_load_idx %arg14[%add3A_332, %broadcast_in_dim3A_352] : memref<512x16xf32, #tpu.memory_space<vmem>>[vector<16xi32>, vector<16xi32>], vector<16xf32>,
        %mul3A_354 = arith.mulf %gather3A_353, %get3A_335 : vector<16xf32>
        tpu.vector_store_idx %arg14[%add3A_332, %broadcast_in_dim3A_352], %mul3A_354 : memref<512x16xf32, #tpu.memory_space<vmem>>[vector<16xi32>, vector<16xi32>], vector<16xf32>,
        %broadcast_in_dim3A_355 = arith.constant 5 : i32
        %broadcast_in_dim3A_356 = vector.broadcast %broadcast_in_dim3A_355 : i32 to vector<16xi32>
        %gather3A_357 = tpu.vector_load_idx %arg14[%add3A_332, %broadcast_in_dim3A_356] : memref<512x16xf32, #tpu.memory_space<vmem>>[vector<16xi32>, vector<16xi32>], vector<16xf32>,
        %mul3A_358 = arith.mulf %gather3A_357, %get3A_335 : vector<16xf32>
        tpu.vector_store_idx %arg14[%add3A_332, %broadcast_in_dim3A_356], %mul3A_358 : memref<512x16xf32, #tpu.memory_space<vmem>>[vector<16xi32>, vector<16xi32>], vector<16xf32>,
        %broadcast_in_dim3A_359 = arith.constant 6 : i32
        %broadcast_in_dim3A_360 = vector.broadcast %broadcast_in_dim3A_359 : i32 to vector<16xi32>
        %gather3A_361 = tpu.vector_load_idx %arg14[%add3A_332, %broadcast_in_dim3A_360] : memref<512x16xf32, #tpu.memory_space<vmem>>[vector<16xi32>, vector<16xi32>], vector<16xf32>,
        %mul3A_362 = arith.mulf %gather3A_361, %get3A_335 : vector<16xf32>
        tpu.vector_store_idx %arg14[%add3A_332, %broadcast_in_dim3A_360], %mul3A_362 : memref<512x16xf32, #tpu.memory_space<vmem>>[vector<16xi32>, vector<16xi32>], vector<16xf32>,
        %broadcast_in_dim3A_363 = arith.constant 7 : i32
        %broadcast_in_dim3A_364 = vector.broadcast %broadcast_in_dim3A_363 : i32 to vector<16xi32>
        %gather3A_365 = tpu.vector_load_idx %arg14[%add3A_332, %broadcast_in_dim3A_364] : memref<512x16xf32, #tpu.memory_space<vmem>>[vector<16xi32>, vector<16xi32>], vector<16xf32>,
        %mul3A_366 = arith.mulf %gather3A_365, %get3A_335 : vector<16xf32>
        tpu.vector_store_idx %arg14[%add3A_332, %broadcast_in_dim3A_364], %mul3A_366 : memref<512x16xf32, #tpu.memory_space<vmem>>[vector<16xi32>, vector<16xi32>], vector<16xf32>,
        %broadcast_in_dim3A_367 = arith.constant 8 : i32
        %broadcast_in_dim3A_368 = vector.broadcast %broadcast_in_dim3A_367 : i32 to vector<16xi32>
        %gather3A_369 = tpu.vector_load_idx %arg14[%add3A_332, %broadcast_in_dim3A_368] : memref<512x16xf32, #tpu.memory_space<vmem>>[vector<16xi32>, vector<16xi32>], vector<16xf32>,
        %mul3A_370 = arith.mulf %gather3A_369, %get3A_335 : vector<16xf32>
        tpu.vector_store_idx %arg14[%add3A_332, %broadcast_in_dim3A_368], %mul3A_370 : memref<512x16xf32, #tpu.memory_space<vmem>>[vector<16xi32>, vector<16xi32>], vector<16xf32>,
        %broadcast_in_dim3A_371 = arith.constant 9 : i32
        %broadcast_in_dim3A_372 = vector.broadcast %broadcast_in_dim3A_371 : i32 to vector<16xi32>
        %gather3A_373 = tpu.vector_load_idx %arg14[%add3A_332, %broadcast_in_dim3A_372] : memref<512x16xf32, #tpu.memory_space<vmem>>[vector<16xi32>, vector<16xi32>], vector<16xf32>,
        %mul3A_374 = arith.mulf %gather3A_373, %get3A_335 : vector<16xf32>
        tpu.vector_store_idx %arg14[%add3A_332, %broadcast_in_dim3A_372], %mul3A_374 : memref<512x16xf32, #tpu.memory_space<vmem>>[vector<16xi32>, vector<16xi32>], vector<16xf32>,
        tpu.vector_store_idx %arg14[%add3A_332, %broadcast_in_dim3A_61], %broadcast_in_dim3A_59 : memref<512x16xf32, #tpu.memory_space<vmem>>[vector<16xi32>, vector<16xi32>], vector<16xf32>,
      }
      %scan3A_295 = arith.constant 32 : i32
      %dma_start3A_296 = arith.constant 0 : i32
      %dma_start3A_297 = arith.constant 0 : i32
      %dma_start3A_298 = tpu.memref_slice %arg14[%dma_start3A_296, %dma_start3A_297] : memref<512x16xf32, #tpu.memory_space<vmem>> -> memref<128x16xf32, #tpu.memory_space<vmem>>
      %dma_start3A_299 = arith.constant 0 : i32
      %dma_start3A_300 = tpu.memref_slice %arg12[%dma_start3A_299] : memref<512xi32, #tpu.memory_space<vmem>> -> memref<128xi32, #tpu.memory_space<vmem>>
      %dma_start3A_301 = arith.constant 0 : i32
      %dma_start3A_302 = arith.constant 0 : i32
      %dma_start3A_303 = tpu.memref_slice %arg15[%dma_start3A_301, %dma_start3A_302] : memref<100096x16xf32, #tpu.memory_space<vmem_shared>> -> memref<100096x16xf32, #tpu.memory_space<vmem_shared>>
      tpu.enqueue_indirect_dma source(%dma_start3A_298 : memref<128x16xf32, #tpu.memory_space<vmem>>) target(%dma_start3A_303 : memref<100096x16xf32, #tpu.memory_space<vmem_shared>>) offsets(%dma_start3A_300 : memref<128xi32, #tpu.memory_space<vmem>>) semaphore(%arg19 : memref<!tpu.dma_semaphore, #tpu.memory_space<semaphore_mem>>) {add = true}
      %dma_start3A_304 = arith.constant 128 : i32
      %dma_start3A_305 = arith.constant 0 : i32
      %dma_start3A_306 = tpu.memref_slice %arg14[%dma_start3A_304, %dma_start3A_305] : memref<512x16xf32, #tpu.memory_space<vmem>> -> memref<128x16xf32, #tpu.memory_space<vmem>>
      %dma_start3A_307 = arith.constant 128 : i32
      %dma_start3A_308 = tpu.memref_slice %arg12[%dma_start3A_307] : memref<512xi32, #tpu.memory_space<vmem>> -> memref<128xi32, #tpu.memory_space<vmem>>
      %dma_start3A_309 = arith.constant 0 : i32
      %dma_start3A_310 = arith.constant 0 : i32
      %dma_start3A_311 = tpu.memref_slice %arg15[%dma_start3A_309, %dma_start3A_310] : memref<100096x16xf32, #tpu.memory_space<vmem_shared>> -> memref<100096x16xf32, #tpu.memory_space<vmem_shared>>
      tpu.enqueue_indirect_dma source(%dma_start3A_306 : memref<128x16xf32, #tpu.memory_space<vmem>>) target(%dma_start3A_311 : memref<100096x16xf32, #tpu.memory_space<vmem_shared>>) offsets(%dma_start3A_308 : memref<128xi32, #tpu.memory_space<vmem>>) semaphore(%arg19 : memref<!tpu.dma_semaphore, #tpu.memory_space<semaphore_mem>>) {add = true}
      %dma_start3A_312 = arith.constant 256 : i32
      %dma_start3A_313 = arith.constant 0 : i32
      %dma_start3A_314 = tpu.memref_slice %arg14[%dma_start3A_312, %dma_start3A_313] : memref<512x16xf32, #tpu.memory_space<vmem>> -> memref<128x16xf32, #tpu.memory_space<vmem>>
      %dma_start3A_315 = arith.constant 256 : i32
      %dma_start3A_316 = tpu.memref_slice %arg12[%dma_start3A_315] : memref<512xi32, #tpu.memory_space<vmem>> -> memref<128xi32, #tpu.memory_space<vmem>>
      %dma_start3A_317 = arith.constant 0 : i32
      %dma_start3A_318 = arith.constant 0 : i32
      %dma_start3A_319 = tpu.memref_slice %arg15[%dma_start3A_317, %dma_start3A_318] : memref<100096x16xf32, #tpu.memory_space<vmem_shared>> -> memref<100096x16xf32, #tpu.memory_space<vmem_shared>>
      tpu.enqueue_indirect_dma source(%dma_start3A_314 : memref<128x16xf32, #tpu.memory_space<vmem>>) target(%dma_start3A_319 : memref<100096x16xf32, #tpu.memory_space<vmem_shared>>) offsets(%dma_start3A_316 : memref<128xi32, #tpu.memory_space<vmem>>) semaphore(%arg19 : memref<!tpu.dma_semaphore, #tpu.memory_space<semaphore_mem>>) {add = true}
      %dma_start3A_320 = arith.constant 384 : i32
      %dma_start3A_321 = arith.constant 0 : i32
      %dma_start3A_322 = tpu.memref_slice %arg14[%dma_start3A_320, %dma_start3A_321] : memref<512x16xf32, #tpu.memory_space<vmem>> -> memref<128x16xf32, #tpu.memory_space<vmem>>
      %dma_start3A_323 = arith.constant 384 : i32
      %dma_start3A_324 = tpu.memref_slice %arg12[%dma_start3A_323] : memref<512xi32, #tpu.memory_space<vmem>> -> memref<128xi32, #tpu.memory_space<vmem>>
      %dma_start3A_325 = arith.constant 0 : i32
      %dma_start3A_326 = arith.constant 0 : i32
      %dma_start3A_327 = tpu.memref_slice %arg15[%dma_start3A_325, %dma_start3A_326] : memref<100096x16xf32, #tpu.memory_space<vmem_shared>> -> memref<100096x16xf32, #tpu.memory_space<vmem_shared>>
      tpu.enqueue_indirect_dma source(%dma_start3A_322 : memref<128x16xf32, #tpu.memory_space<vmem>>) target(%dma_start3A_327 : memref<100096x16xf32, #tpu.memory_space<vmem_shared>>) offsets(%dma_start3A_324 : memref<128xi32, #tpu.memory_space<vmem>>) semaphore(%arg19 : memref<!tpu.dma_semaphore, #tpu.memory_space<semaphore_mem>>) {add = true}
    }
    %dma_wait3A = arith.constant 0 : i32
    %dma_wait3A_71 = arith.constant 0 : i32
    %dma_wait3A_72 = tpu.memref_slice %arg2[%dma_wait3A, %dma_wait3A_71] : memref<100000x16xf32, #tpu.memory_space<hbm>> -> memref<512x16xf32, #tpu.memory_space<hbm>>
    %dma_wait3A_73 = arith.constant 0 : i32
    %dma_wait3A_74 = arith.constant 0 : i32
    %dma_wait3A_75 = tpu.memref_slice %arg2[%dma_wait3A_73, %dma_wait3A_74] : memref<100000x16xf32, #tpu.memory_space<hbm>> -> memref<512x16xf32, #tpu.memory_space<hbm>>
    tpu.wait_dma2 semaphore(%arg18 : memref<!tpu.dma_semaphore, #tpu.memory_space<semaphore_mem>>) src(%dma_wait3A_75 : memref<512x16xf32, #tpu.memory_space<hbm>>) dst(%arg10 : memref<512x16xf32, #tpu.memory_space<vmem>>)
    %dma_wait3A_76 = arith.constant 0 : i32
    %dma_wait3A_77 = arith.constant 0 : i32
    %dma_wait3A_78 = tpu.memref_slice %arg2[%dma_wait3A_76, %dma_wait3A_77] : memref<100000x16xf32, #tpu.memory_space<hbm>> -> memref<512x16xf32, #tpu.memory_space<hbm>>
    %dma_wait3A_79 = arith.constant 0 : i32
    %dma_wait3A_80 = arith.constant 0 : i32
    %dma_wait3A_81 = tpu.memref_slice %arg2[%dma_wait3A_79, %dma_wait3A_80] : memref<100000x16xf32, #tpu.memory_space<hbm>> -> memref<512x16xf32, #tpu.memory_space<hbm>>
    tpu.wait_dma2 semaphore(%arg19 : memref<!tpu.dma_semaphore, #tpu.memory_space<semaphore_mem>>) src(%dma_wait3A_81 : memref<512x16xf32, #tpu.memory_space<hbm>>) dst(%arg14 : memref<512x16xf32, #tpu.memory_space<vmem>>)
    %barrier3A_82 = arith.constant 0 : index
    tpu.barrier barrier_id(%barrier3A_82)
    %mul3A_83 = arith.constant 6256 : i32
    %mul3A_84 = arith.muli %arg1, %mul3A_83 : i32
    %add3A_85 = arith.constant 0 : i32
    %add3A_86 = arith.addi %mul3A_84, %add3A_85 : i32
    "tpu.region"() ({
      %run_scoped3A = tpu.sem_alloc : memref<!tpu.dma_semaphore, #tpu.memory_space<semaphore_mem>>
      %dma_start3A = arith.constant 0 : i32
      %dma_start3A_135 = tpu.memref_slice %arg15[%add3A_86, %dma_start3A] : memref<100096x16xf32, #tpu.memory_space<vmem_shared>> -> memref<512x16xf32, #tpu.memory_space<vmem_shared>>
      %dma_start3A_136 = arith.constant 0 : i32
      %dma_start3A_137 = tpu.memref_slice %arg15[%add3A_86, %dma_start3A_136] : memref<100096x16xf32, #tpu.memory_space<vmem_shared>> -> memref<512x16xf32, #tpu.memory_space<vmem_shared>>
      tpu.enqueue_dma source(%dma_start3A_137 : memref<512x16xf32, #tpu.memory_space<vmem_shared>>) target(%arg10 : memref<512x16xf32, #tpu.memory_space<vmem>>) target_semaphore(%run_scoped3A : memref<!tpu.dma_semaphore, #tpu.memory_space<semaphore_mem>>)
      %dma_wait3A_138 = arith.constant 0 : i32
      %dma_wait3A_139 = tpu.memref_slice %arg15[%add3A_86, %dma_wait3A_138] : memref<100096x16xf32, #tpu.memory_space<vmem_shared>> -> memref<512x16xf32, #tpu.memory_space<vmem_shared>>
      %dma_wait3A_140 = arith.constant 0 : i32
      %dma_wait3A_141 = tpu.memref_slice %arg15[%add3A_86, %dma_wait3A_140] : memref<100096x16xf32, #tpu.memory_space<vmem_shared>> -> memref<512x16xf32, #tpu.memory_space<vmem_shared>>
      tpu.wait_dma2 semaphore(%run_scoped3A : memref<!tpu.dma_semaphore, #tpu.memory_space<semaphore_mem>>) src(%dma_wait3A_141 : memref<512x16xf32, #tpu.memory_space<vmem_shared>>) dst(%arg10 : memref<512x16xf32, #tpu.memory_space<vmem>>)
      tpu.yield
    }) : () -> ()
    "tpu.region"() ({
      %run_scoped3A = tpu.sem_alloc : memref<!tpu.dma_semaphore, #tpu.memory_space<semaphore_mem>>
      %dma_start3A = arith.constant 0 : i32
      %dma_start3A_135 = tpu.memref_slice %arg6[%arg0, %add3A_86, %dma_start3A] : memref<2x100096x16xf32, #tpu.memory_space<hbm>> -> memref<1x512x16xf32, #tpu.memory_space<hbm>>
      %dma_start3A_136 = tpu.memref_squeeze %dma_start3A_135 : memref<1x512x16xf32, #tpu.memory_space<hbm>> -> memref<512x16xf32, #tpu.memory_space<hbm>>
      %dma_start3A_137 = arith.constant 0 : i32
      %dma_start3A_138 = tpu.memref_slice %arg6[%arg0, %add3A_86, %dma_start3A_137] : memref<2x100096x16xf32, #tpu.memory_space<hbm>> -> memref<1x512x16xf32, #tpu.memory_space<hbm>>
      %dma_start3A_139 = tpu.memref_squeeze %dma_start3A_138 : memref<1x512x16xf32, #tpu.memory_space<hbm>> -> memref<512x16xf32, #tpu.memory_space<hbm>>
      tpu.enqueue_dma source(%arg10 : memref<512x16xf32, #tpu.memory_space<vmem>>) target(%dma_start3A_139 : memref<512x16xf32, #tpu.memory_space<hbm>>) target_semaphore(%run_scoped3A : memref<!tpu.dma_semaphore, #tpu.memory_space<semaphore_mem>>)
      %dma_wait3A_140 = arith.constant 0 : i32
      %dma_wait3A_141 = tpu.memref_slice %arg6[%arg0, %add3A_86, %dma_wait3A_140] : memref<2x100096x16xf32, #tpu.memory_space<hbm>> -> memref<1x512x16xf32, #tpu.memory_space<hbm>>
      %dma_wait3A_142 = tpu.memref_squeeze %dma_wait3A_141 : memref<1x512x16xf32, #tpu.memory_space<hbm>> -> memref<512x16xf32, #tpu.memory_space<hbm>>
      %dma_wait3A_143 = arith.constant 0 : i32
      %dma_wait3A_144 = tpu.memref_slice %arg6[%arg0, %add3A_86, %dma_wait3A_143] : memref<2x100096x16xf32, #tpu.memory_space<hbm>> -> memref<1x512x16xf32, #tpu.memory_space<hbm>>
      %dma_wait3A_145 = tpu.memref_squeeze %dma_wait3A_144 : memref<1x512x16xf32, #tpu.memory_space<hbm>> -> memref<512x16xf32, #tpu.memory_space<hbm>>
      tpu.wait_dma2 semaphore(%run_scoped3A : memref<!tpu.dma_semaphore, #tpu.memory_space<semaphore_mem>>) src(%arg10 : memref<512x16xf32, #tpu.memory_space<vmem>>) dst(%dma_wait3A_145 : memref<512x16xf32, #tpu.memory_space<hbm>>)
      tpu.yield
    }) : () -> ()
    %mul3A_87 = arith.constant 6256 : i32
    %mul3A_88 = arith.muli %arg1, %mul3A_87 : i32
    %add3A_89 = arith.constant 512 : i32
    %add3A_90 = arith.addi %mul3A_88, %add3A_89 : i32
    "tpu.region"() ({
      %run_scoped3A = tpu.sem_alloc : memref<!tpu.dma_semaphore, #tpu.memory_space<semaphore_mem>>
      %dma_start3A = arith.constant 0 : i32
      %dma_start3A_135 = tpu.memref_slice %arg15[%add3A_90, %dma_start3A] : memref<100096x16xf32, #tpu.memory_space<vmem_shared>> -> memref<512x16xf32, #tpu.memory_space<vmem_shared>>
      %dma_start3A_136 = arith.constant 0 : i32
      %dma_start3A_137 = tpu.memref_slice %arg15[%add3A_90, %dma_start3A_136] : memref<100096x16xf32, #tpu.memory_space<vmem_shared>> -> memref<512x16xf32, #tpu.memory_space<vmem_shared>>
      tpu.enqueue_dma source(%dma_start3A_137 : memref<512x16xf32, #tpu.memory_space<vmem_shared>>) target(%arg10 : memref<512x16xf32, #tpu.memory_space<vmem>>) target_semaphore(%run_scoped3A : memref<!tpu.dma_semaphore, #tpu.memory_space<semaphore_mem>>)
      %dma_wait3A_138 = arith.constant 0 : i32
      %dma_wait3A_139 = tpu.memref_slice %arg15[%add3A_90, %dma_wait3A_138] : memref<100096x16xf32, #tpu.memory_space<vmem_shared>> -> memref<512x16xf32, #tpu.memory_space<vmem_shared>>
      %dma_wait3A_140 = arith.constant 0 : i32
      %dma_wait3A_141 = tpu.memref_slice %arg15[%add3A_90, %dma_wait3A_140] : memref<100096x16xf32, #tpu.memory_space<vmem_shared>> -> memref<512x16xf32, #tpu.memory_space<vmem_shared>>
      tpu.wait_dma2 semaphore(%run_scoped3A : memref<!tpu.dma_semaphore, #tpu.memory_space<semaphore_mem>>) src(%dma_wait3A_141 : memref<512x16xf32, #tpu.memory_space<vmem_shared>>) dst(%arg10 : memref<512x16xf32, #tpu.memory_space<vmem>>)
      tpu.yield
    }) : () -> ()
    "tpu.region"() ({
      %run_scoped3A = tpu.sem_alloc : memref<!tpu.dma_semaphore, #tpu.memory_space<semaphore_mem>>
      %dma_start3A = arith.constant 0 : i32
      %dma_start3A_135 = tpu.memref_slice %arg6[%arg0, %add3A_90, %dma_start3A] : memref<2x100096x16xf32, #tpu.memory_space<hbm>> -> memref<1x512x16xf32, #tpu.memory_space<hbm>>
      %dma_start3A_136 = tpu.memref_squeeze %dma_start3A_135 : memref<1x512x16xf32, #tpu.memory_space<hbm>> -> memref<512x16xf32, #tpu.memory_space<hbm>>
      %dma_start3A_137 = arith.constant 0 : i32
      %dma_start3A_138 = tpu.memref_slice %arg6[%arg0, %add3A_90, %dma_start3A_137] : memref<2x100096x16xf32, #tpu.memory_space<hbm>> -> memref<1x512x16xf32, #tpu.memory_space<hbm>>
      %dma_start3A_139 = tpu.memref_squeeze %dma_start3A_138 : memref<1x512x16xf32, #tpu.memory_space<hbm>> -> memref<512x16xf32, #tpu.memory_space<hbm>>
      tpu.enqueue_dma source(%arg10 : memref<512x16xf32, #tpu.memory_space<vmem>>) target(%dma_start3A_139 : memref<512x16xf32, #tpu.memory_space<hbm>>) target_semaphore(%run_scoped3A : memref<!tpu.dma_semaphore, #tpu.memory_space<semaphore_mem>>)
      %dma_wait3A_140 = arith.constant 0 : i32
      %dma_wait3A_141 = tpu.memref_slice %arg6[%arg0, %add3A_90, %dma_wait3A_140] : memref<2x100096x16xf32, #tpu.memory_space<hbm>> -> memref<1x512x16xf32, #tpu.memory_space<hbm>>
      %dma_wait3A_142 = tpu.memref_squeeze %dma_wait3A_141 : memref<1x512x16xf32, #tpu.memory_space<hbm>> -> memref<512x16xf32, #tpu.memory_space<hbm>>
      %dma_wait3A_143 = arith.constant 0 : i32
      %dma_wait3A_144 = tpu.memref_slice %arg6[%arg0, %add3A_90, %dma_wait3A_143] : memref<2x100096x16xf32, #tpu.memory_space<hbm>> -> memref<1x512x16xf32, #tpu.memory_space<hbm>>
      %dma_wait3A_145 = tpu.memref_squeeze %dma_wait3A_144 : memref<1x512x16xf32, #tpu.memory_space<hbm>> -> memref<512x16xf32, #tpu.memory_space<hbm>>
      tpu.wait_dma2 semaphore(%run_scoped3A : memref<!tpu.dma_semaphore, #tpu.memory_space<semaphore_mem>>) src(%arg10 : memref<512x16xf32, #tpu.memory_space<vmem>>) dst(%dma_wait3A_145 : memref<512x16xf32, #tpu.memory_space<hbm>>)
      tpu.yield
    }) : () -> ()
    %mul3A_91 = arith.constant 6256 : i32
    %mul3A_92 = arith.muli %arg1, %mul3A_91 : i32
    %add3A_93 = arith.constant 1024 : i32
    %add3A_94 = arith.addi %mul3A_92, %add3A_93 : i32
    "tpu.region"() ({
      %run_scoped3A = tpu.sem_alloc : memref<!tpu.dma_semaphore, #tpu.memory_space<semaphore_mem>>
      %dma_start3A = arith.constant 0 : i32
      %dma_start3A_135 = tpu.memref_slice %arg15[%add3A_94, %dma_start3A] : memref<100096x16xf32, #tpu.memory_space<vmem_shared>> -> memref<512x16xf32, #tpu.memory_space<vmem_shared>>
      %dma_start3A_136 = arith.constant 0 : i32
      %dma_start3A_137 = tpu.memref_slice %arg15[%add3A_94, %dma_start3A_136] : memref<100096x16xf32, #tpu.memory_space<vmem_shared>> -> memref<512x16xf32, #tpu.memory_space<vmem_shared>>
      tpu.enqueue_dma source(%dma_start3A_137 : memref<512x16xf32, #tpu.memory_space<vmem_shared>>) target(%arg10 : memref<512x16xf32, #tpu.memory_space<vmem>>) target_semaphore(%run_scoped3A : memref<!tpu.dma_semaphore, #tpu.memory_space<semaphore_mem>>)
      %dma_wait3A_138 = arith.constant 0 : i32
      %dma_wait3A_139 = tpu.memref_slice %arg15[%add3A_94, %dma_wait3A_138] : memref<100096x16xf32, #tpu.memory_space<vmem_shared>> -> memref<512x16xf32, #tpu.memory_space<vmem_shared>>
      %dma_wait3A_140 = arith.constant 0 : i32
      %dma_wait3A_141 = tpu.memref_slice %arg15[%add3A_94, %dma_wait3A_140] : memref<100096x16xf32, #tpu.memory_space<vmem_shared>> -> memref<512x16xf32, #tpu.memory_space<vmem_shared>>
      tpu.wait_dma2 semaphore(%run_scoped3A : memref<!tpu.dma_semaphore, #tpu.memory_space<semaphore_mem>>) src(%dma_wait3A_141 : memref<512x16xf32, #tpu.memory_space<vmem_shared>>) dst(%arg10 : memref<512x16xf32, #tpu.memory_space<vmem>>)
      tpu.yield
    }) : () -> ()
    "tpu.region"() ({
      %run_scoped3A = tpu.sem_alloc : memref<!tpu.dma_semaphore, #tpu.memory_space<semaphore_mem>>
      %dma_start3A = arith.constant 0 : i32
      %dma_start3A_135 = tpu.memref_slice %arg6[%arg0, %add3A_94, %dma_start3A] : memref<2x100096x16xf32, #tpu.memory_space<hbm>> -> memref<1x512x16xf32, #tpu.memory_space<hbm>>
      %dma_start3A_136 = tpu.memref_squeeze %dma_start3A_135 : memref<1x512x16xf32, #tpu.memory_space<hbm>> -> memref<512x16xf32, #tpu.memory_space<hbm>>
      %dma_start3A_137 = arith.constant 0 : i32
      %dma_start3A_138 = tpu.memref_slice %arg6[%arg0, %add3A_94, %dma_start3A_137] : memref<2x100096x16xf32, #tpu.memory_space<hbm>> -> memref<1x512x16xf32, #tpu.memory_space<hbm>>
      %dma_start3A_139 = tpu.memref_squeeze %dma_start3A_138 : memref<1x512x16xf32, #tpu.memory_space<hbm>> -> memref<512x16xf32, #tpu.memory_space<hbm>>
      tpu.enqueue_dma source(%arg10 : memref<512x16xf32, #tpu.memory_space<vmem>>) target(%dma_start3A_139 : memref<512x16xf32, #tpu.memory_space<hbm>>) target_semaphore(%run_scoped3A : memref<!tpu.dma_semaphore, #tpu.memory_space<semaphore_mem>>)
      %dma_wait3A_140 = arith.constant 0 : i32
      %dma_wait3A_141 = tpu.memref_slice %arg6[%arg0, %add3A_94, %dma_wait3A_140] : memref<2x100096x16xf32, #tpu.memory_space<hbm>> -> memref<1x512x16xf32, #tpu.memory_space<hbm>>
      %dma_wait3A_142 = tpu.memref_squeeze %dma_wait3A_141 : memref<1x512x16xf32, #tpu.memory_space<hbm>> -> memref<512x16xf32, #tpu.memory_space<hbm>>
      %dma_wait3A_143 = arith.constant 0 : i32
      %dma_wait3A_144 = tpu.memref_slice %arg6[%arg0, %add3A_94, %dma_wait3A_143] : memref<2x100096x16xf32, #tpu.memory_space<hbm>> -> memref<1x512x16xf32, #tpu.memory_space<hbm>>
      %dma_wait3A_145 = tpu.memref_squeeze %dma_wait3A_144 : memref<1x512x16xf32, #tpu.memory_space<hbm>> -> memref<512x16xf32, #tpu.memory_space<hbm>>
      tpu.wait_dma2 semaphore(%run_scoped3A : memref<!tpu.dma_semaphore, #tpu.memory_space<semaphore_mem>>) src(%arg10 : memref<512x16xf32, #tpu.memory_space<vmem>>) dst(%dma_wait3A_145 : memref<512x16xf32, #tpu.memory_space<hbm>>)
      tpu.yield
    }) : () -> ()
    %mul3A_95 = arith.constant 6256 : i32
    %mul3A_96 = arith.muli %arg1, %mul3A_95 : i32
    %add3A_97 = arith.constant 1536 : i32
    %add3A_98 = arith.addi %mul3A_96, %add3A_97 : i32
    "tpu.region"() ({
      %run_scoped3A = tpu.sem_alloc : memref<!tpu.dma_semaphore, #tpu.memory_space<semaphore_mem>>
      %dma_start3A = arith.constant 0 : i32
      %dma_start3A_135 = tpu.memref_slice %arg15[%add3A_98, %dma_start3A] : memref<100096x16xf32, #tpu.memory_space<vmem_shared>> -> memref<512x16xf32, #tpu.memory_space<vmem_shared>>
      %dma_start3A_136 = arith.constant 0 : i32
      %dma_start3A_137 = tpu.memref_slice %arg15[%add3A_98, %dma_start3A_136] : memref<100096x16xf32, #tpu.memory_space<vmem_shared>> -> memref<512x16xf32, #tpu.memory_space<vmem_shared>>
      tpu.enqueue_dma source(%dma_start3A_137 : memref<512x16xf32, #tpu.memory_space<vmem_shared>>) target(%arg10 : memref<512x16xf32, #tpu.memory_space<vmem>>) target_semaphore(%run_scoped3A : memref<!tpu.dma_semaphore, #tpu.memory_space<semaphore_mem>>)
      %dma_wait3A_138 = arith.constant 0 : i32
      %dma_wait3A_139 = tpu.memref_slice %arg15[%add3A_98, %dma_wait3A_138] : memref<100096x16xf32, #tpu.memory_space<vmem_shared>> -> memref<512x16xf32, #tpu.memory_space<vmem_shared>>
      %dma_wait3A_140 = arith.constant 0 : i32
      %dma_wait3A_141 = tpu.memref_slice %arg15[%add3A_98, %dma_wait3A_140] : memref<100096x16xf32, #tpu.memory_space<vmem_shared>> -> memref<512x16xf32, #tpu.memory_space<vmem_shared>>
      tpu.wait_dma2 semaphore(%run_scoped3A : memref<!tpu.dma_semaphore, #tpu.memory_space<semaphore_mem>>) src(%dma_wait3A_141 : memref<512x16xf32, #tpu.memory_space<vmem_shared>>) dst(%arg10 : memref<512x16xf32, #tpu.memory_space<vmem>>)
      tpu.yield
    }) : () -> ()
    "tpu.region"() ({
      %run_scoped3A = tpu.sem_alloc : memref<!tpu.dma_semaphore, #tpu.memory_space<semaphore_mem>>
      %dma_start3A = arith.constant 0 : i32
      %dma_start3A_135 = tpu.memref_slice %arg6[%arg0, %add3A_98, %dma_start3A] : memref<2x100096x16xf32, #tpu.memory_space<hbm>> -> memref<1x512x16xf32, #tpu.memory_space<hbm>>
      %dma_start3A_136 = tpu.memref_squeeze %dma_start3A_135 : memref<1x512x16xf32, #tpu.memory_space<hbm>> -> memref<512x16xf32, #tpu.memory_space<hbm>>
      %dma_start3A_137 = arith.constant 0 : i32
      %dma_start3A_138 = tpu.memref_slice %arg6[%arg0, %add3A_98, %dma_start3A_137] : memref<2x100096x16xf32, #tpu.memory_space<hbm>> -> memref<1x512x16xf32, #tpu.memory_space<hbm>>
      %dma_start3A_139 = tpu.memref_squeeze %dma_start3A_138 : memref<1x512x16xf32, #tpu.memory_space<hbm>> -> memref<512x16xf32, #tpu.memory_space<hbm>>
      tpu.enqueue_dma source(%arg10 : memref<512x16xf32, #tpu.memory_space<vmem>>) target(%dma_start3A_139 : memref<512x16xf32, #tpu.memory_space<hbm>>) target_semaphore(%run_scoped3A : memref<!tpu.dma_semaphore, #tpu.memory_space<semaphore_mem>>)
      %dma_wait3A_140 = arith.constant 0 : i32
      %dma_wait3A_141 = tpu.memref_slice %arg6[%arg0, %add3A_98, %dma_wait3A_140] : memref<2x100096x16xf32, #tpu.memory_space<hbm>> -> memref<1x512x16xf32, #tpu.memory_space<hbm>>
      %dma_wait3A_142 = tpu.memref_squeeze %dma_wait3A_141 : memref<1x512x16xf32, #tpu.memory_space<hbm>> -> memref<512x16xf32, #tpu.memory_space<hbm>>
      %dma_wait3A_143 = arith.constant 0 : i32
      %dma_wait3A_144 = tpu.memref_slice %arg6[%arg0, %add3A_98, %dma_wait3A_143] : memref<2x100096x16xf32, #tpu.memory_space<hbm>> -> memref<1x512x16xf32, #tpu.memory_space<hbm>>
      %dma_wait3A_145 = tpu.memref_squeeze %dma_wait3A_144 : memref<1x512x16xf32, #tpu.memory_space<hbm>> -> memref<512x16xf32, #tpu.memory_space<hbm>>
      tpu.wait_dma2 semaphore(%run_scoped3A : memref<!tpu.dma_semaphore, #tpu.memory_space<semaphore_mem>>) src(%arg10 : memref<512x16xf32, #tpu.memory_space<vmem>>) dst(%dma_wait3A_145 : memref<512x16xf32, #tpu.memory_space<hbm>>)
      tpu.yield
    }) : () -> ()
    %mul3A_99 = arith.constant 6256 : i32
    %mul3A_100 = arith.muli %arg1, %mul3A_99 : i32
    %add3A_101 = arith.constant 2048 : i32
    %add3A_102 = arith.addi %mul3A_100, %add3A_101 : i32
    "tpu.region"() ({
      %run_scoped3A = tpu.sem_alloc : memref<!tpu.dma_semaphore, #tpu.memory_space<semaphore_mem>>
      %dma_start3A = arith.constant 0 : i32
      %dma_start3A_135 = tpu.memref_slice %arg15[%add3A_102, %dma_start3A] : memref<100096x16xf32, #tpu.memory_space<vmem_shared>> -> memref<512x16xf32, #tpu.memory_space<vmem_shared>>
      %dma_start3A_136 = arith.constant 0 : i32
      %dma_start3A_137 = tpu.memref_slice %arg15[%add3A_102, %dma_start3A_136] : memref<100096x16xf32, #tpu.memory_space<vmem_shared>> -> memref<512x16xf32, #tpu.memory_space<vmem_shared>>
      tpu.enqueue_dma source(%dma_start3A_137 : memref<512x16xf32, #tpu.memory_space<vmem_shared>>) target(%arg10 : memref<512x16xf32, #tpu.memory_space<vmem>>) target_semaphore(%run_scoped3A : memref<!tpu.dma_semaphore, #tpu.memory_space<semaphore_mem>>)
      %dma_wait3A_138 = arith.constant 0 : i32
      %dma_wait3A_139 = tpu.memref_slice %arg15[%add3A_102, %dma_wait3A_138] : memref<100096x16xf32, #tpu.memory_space<vmem_shared>> -> memref<512x16xf32, #tpu.memory_space<vmem_shared>>
      %dma_wait3A_140 = arith.constant 0 : i32
      %dma_wait3A_141 = tpu.memref_slice %arg15[%add3A_102, %dma_wait3A_140] : memref<100096x16xf32, #tpu.memory_space<vmem_shared>> -> memref<512x16xf32, #tpu.memory_space<vmem_shared>>
      tpu.wait_dma2 semaphore(%run_scoped3A : memref<!tpu.dma_semaphore, #tpu.memory_space<semaphore_mem>>) src(%dma_wait3A_141 : memref<512x16xf32, #tpu.memory_space<vmem_shared>>) dst(%arg10 : memref<512x16xf32, #tpu.memory_space<vmem>>)
      tpu.yield
    }) : () -> ()
    "tpu.region"() ({
      %run_scoped3A = tpu.sem_alloc : memref<!tpu.dma_semaphore, #tpu.memory_space<semaphore_mem>>
      %dma_start3A = arith.constant 0 : i32
      %dma_start3A_135 = tpu.memref_slice %arg6[%arg0, %add3A_102, %dma_start3A] : memref<2x100096x16xf32, #tpu.memory_space<hbm>> -> memref<1x512x16xf32, #tpu.memory_space<hbm>>
      %dma_start3A_136 = tpu.memref_squeeze %dma_start3A_135 : memref<1x512x16xf32, #tpu.memory_space<hbm>> -> memref<512x16xf32, #tpu.memory_space<hbm>>
      %dma_start3A_137 = arith.constant 0 : i32
      %dma_start3A_138 = tpu.memref_slice %arg6[%arg0, %add3A_102, %dma_start3A_137] : memref<2x100096x16xf32, #tpu.memory_space<hbm>> -> memref<1x512x16xf32, #tpu.memory_space<hbm>>
      %dma_start3A_139 = tpu.memref_squeeze %dma_start3A_138 : memref<1x512x16xf32, #tpu.memory_space<hbm>> -> memref<512x16xf32, #tpu.memory_space<hbm>>
      tpu.enqueue_dma source(%arg10 : memref<512x16xf32, #tpu.memory_space<vmem>>) target(%dma_start3A_139 : memref<512x16xf32, #tpu.memory_space<hbm>>) target_semaphore(%run_scoped3A : memref<!tpu.dma_semaphore, #tpu.memory_space<semaphore_mem>>)
      %dma_wait3A_140 = arith.constant 0 : i32
      %dma_wait3A_141 = tpu.memref_slice %arg6[%arg0, %add3A_102, %dma_wait3A_140] : memref<2x100096x16xf32, #tpu.memory_space<hbm>> -> memref<1x512x16xf32, #tpu.memory_space<hbm>>
      %dma_wait3A_142 = tpu.memref_squeeze %dma_wait3A_141 : memref<1x512x16xf32, #tpu.memory_space<hbm>> -> memref<512x16xf32, #tpu.memory_space<hbm>>
      %dma_wait3A_143 = arith.constant 0 : i32
      %dma_wait3A_144 = tpu.memref_slice %arg6[%arg0, %add3A_102, %dma_wait3A_143] : memref<2x100096x16xf32, #tpu.memory_space<hbm>> -> memref<1x512x16xf32, #tpu.memory_space<hbm>>
      %dma_wait3A_145 = tpu.memref_squeeze %dma_wait3A_144 : memref<1x512x16xf32, #tpu.memory_space<hbm>> -> memref<512x16xf32, #tpu.memory_space<hbm>>
      tpu.wait_dma2 semaphore(%run_scoped3A : memref<!tpu.dma_semaphore, #tpu.memory_space<semaphore_mem>>) src(%arg10 : memref<512x16xf32, #tpu.memory_space<vmem>>) dst(%dma_wait3A_145 : memref<512x16xf32, #tpu.memory_space<hbm>>)
      tpu.yield
    }) : () -> ()
    %mul3A_103 = arith.constant 6256 : i32
    %mul3A_104 = arith.muli %arg1, %mul3A_103 : i32
    %add3A_105 = arith.constant 2560 : i32
    %add3A_106 = arith.addi %mul3A_104, %add3A_105 : i32
    "tpu.region"() ({
      %run_scoped3A = tpu.sem_alloc : memref<!tpu.dma_semaphore, #tpu.memory_space<semaphore_mem>>
      %dma_start3A = arith.constant 0 : i32
      %dma_start3A_135 = tpu.memref_slice %arg15[%add3A_106, %dma_start3A] : memref<100096x16xf32, #tpu.memory_space<vmem_shared>> -> memref<512x16xf32, #tpu.memory_space<vmem_shared>>
      %dma_start3A_136 = arith.constant 0 : i32
      %dma_start3A_137 = tpu.memref_slice %arg15[%add3A_106, %dma_start3A_136] : memref<100096x16xf32, #tpu.memory_space<vmem_shared>> -> memref<512x16xf32, #tpu.memory_space<vmem_shared>>
      tpu.enqueue_dma source(%dma_start3A_137 : memref<512x16xf32, #tpu.memory_space<vmem_shared>>) target(%arg10 : memref<512x16xf32, #tpu.memory_space<vmem>>) target_semaphore(%run_scoped3A : memref<!tpu.dma_semaphore, #tpu.memory_space<semaphore_mem>>)
      %dma_wait3A_138 = arith.constant 0 : i32
      %dma_wait3A_139 = tpu.memref_slice %arg15[%add3A_106, %dma_wait3A_138] : memref<100096x16xf32, #tpu.memory_space<vmem_shared>> -> memref<512x16xf32, #tpu.memory_space<vmem_shared>>
      %dma_wait3A_140 = arith.constant 0 : i32
      %dma_wait3A_141 = tpu.memref_slice %arg15[%add3A_106, %dma_wait3A_140] : memref<100096x16xf32, #tpu.memory_space<vmem_shared>> -> memref<512x16xf32, #tpu.memory_space<vmem_shared>>
      tpu.wait_dma2 semaphore(%run_scoped3A : memref<!tpu.dma_semaphore, #tpu.memory_space<semaphore_mem>>) src(%dma_wait3A_141 : memref<512x16xf32, #tpu.memory_space<vmem_shared>>) dst(%arg10 : memref<512x16xf32, #tpu.memory_space<vmem>>)
      tpu.yield
    }) : () -> ()
    "tpu.region"() ({
      %run_scoped3A = tpu.sem_alloc : memref<!tpu.dma_semaphore, #tpu.memory_space<semaphore_mem>>
      %dma_start3A = arith.constant 0 : i32
      %dma_start3A_135 = tpu.memref_slice %arg6[%arg0, %add3A_106, %dma_start3A] : memref<2x100096x16xf32, #tpu.memory_space<hbm>> -> memref<1x512x16xf32, #tpu.memory_space<hbm>>
      %dma_start3A_136 = tpu.memref_squeeze %dma_start3A_135 : memref<1x512x16xf32, #tpu.memory_space<hbm>> -> memref<512x16xf32, #tpu.memory_space<hbm>>
      %dma_start3A_137 = arith.constant 0 : i32
      %dma_start3A_138 = tpu.memref_slice %arg6[%arg0, %add3A_106, %dma_start3A_137] : memref<2x100096x16xf32, #tpu.memory_space<hbm>> -> memref<1x512x16xf32, #tpu.memory_space<hbm>>
      %dma_start3A_139 = tpu.memref_squeeze %dma_start3A_138 : memref<1x512x16xf32, #tpu.memory_space<hbm>> -> memref<512x16xf32, #tpu.memory_space<hbm>>
      tpu.enqueue_dma source(%arg10 : memref<512x16xf32, #tpu.memory_space<vmem>>) target(%dma_start3A_139 : memref<512x16xf32, #tpu.memory_space<hbm>>) target_semaphore(%run_scoped3A : memref<!tpu.dma_semaphore, #tpu.memory_space<semaphore_mem>>)
      %dma_wait3A_140 = arith.constant 0 : i32
      %dma_wait3A_141 = tpu.memref_slice %arg6[%arg0, %add3A_106, %dma_wait3A_140] : memref<2x100096x16xf32, #tpu.memory_space<hbm>> -> memref<1x512x16xf32, #tpu.memory_space<hbm>>
      %dma_wait3A_142 = tpu.memref_squeeze %dma_wait3A_141 : memref<1x512x16xf32, #tpu.memory_space<hbm>> -> memref<512x16xf32, #tpu.memory_space<hbm>>
      %dma_wait3A_143 = arith.constant 0 : i32
      %dma_wait3A_144 = tpu.memref_slice %arg6[%arg0, %add3A_106, %dma_wait3A_143] : memref<2x100096x16xf32, #tpu.memory_space<hbm>> -> memref<1x512x16xf32, #tpu.memory_space<hbm>>
      %dma_wait3A_145 = tpu.memref_squeeze %dma_wait3A_144 : memref<1x512x16xf32, #tpu.memory_space<hbm>> -> memref<512x16xf32, #tpu.memory_space<hbm>>
      tpu.wait_dma2 semaphore(%run_scoped3A : memref<!tpu.dma_semaphore, #tpu.memory_space<semaphore_mem>>) src(%arg10 : memref<512x16xf32, #tpu.memory_space<vmem>>) dst(%dma_wait3A_145 : memref<512x16xf32, #tpu.memory_space<hbm>>)
      tpu.yield
    }) : () -> ()
    %mul3A_107 = arith.constant 6256 : i32
    %mul3A_108 = arith.muli %arg1, %mul3A_107 : i32
    %add3A_109 = arith.constant 3072 : i32
    %add3A_110 = arith.addi %mul3A_108, %add3A_109 : i32
    "tpu.region"() ({
      %run_scoped3A = tpu.sem_alloc : memref<!tpu.dma_semaphore, #tpu.memory_space<semaphore_mem>>
      %dma_start3A = arith.constant 0 : i32
      %dma_start3A_135 = tpu.memref_slice %arg15[%add3A_110, %dma_start3A] : memref<100096x16xf32, #tpu.memory_space<vmem_shared>> -> memref<512x16xf32, #tpu.memory_space<vmem_shared>>
      %dma_start3A_136 = arith.constant 0 : i32
      %dma_start3A_137 = tpu.memref_slice %arg15[%add3A_110, %dma_start3A_136] : memref<100096x16xf32, #tpu.memory_space<vmem_shared>> -> memref<512x16xf32, #tpu.memory_space<vmem_shared>>
      tpu.enqueue_dma source(%dma_start3A_137 : memref<512x16xf32, #tpu.memory_space<vmem_shared>>) target(%arg10 : memref<512x16xf32, #tpu.memory_space<vmem>>) target_semaphore(%run_scoped3A : memref<!tpu.dma_semaphore, #tpu.memory_space<semaphore_mem>>)
      %dma_wait3A_138 = arith.constant 0 : i32
      %dma_wait3A_139 = tpu.memref_slice %arg15[%add3A_110, %dma_wait3A_138] : memref<100096x16xf32, #tpu.memory_space<vmem_shared>> -> memref<512x16xf32, #tpu.memory_space<vmem_shared>>
      %dma_wait3A_140 = arith.constant 0 : i32
      %dma_wait3A_141 = tpu.memref_slice %arg15[%add3A_110, %dma_wait3A_140] : memref<100096x16xf32, #tpu.memory_space<vmem_shared>> -> memref<512x16xf32, #tpu.memory_space<vmem_shared>>
      tpu.wait_dma2 semaphore(%run_scoped3A : memref<!tpu.dma_semaphore, #tpu.memory_space<semaphore_mem>>) src(%dma_wait3A_141 : memref<512x16xf32, #tpu.memory_space<vmem_shared>>) dst(%arg10 : memref<512x16xf32, #tpu.memory_space<vmem>>)
      tpu.yield
    }) : () -> ()
    "tpu.region"() ({
      %run_scoped3A = tpu.sem_alloc : memref<!tpu.dma_semaphore, #tpu.memory_space<semaphore_mem>>
      %dma_start3A = arith.constant 0 : i32
      %dma_start3A_135 = tpu.memref_slice %arg6[%arg0, %add3A_110, %dma_start3A] : memref<2x100096x16xf32, #tpu.memory_space<hbm>> -> memref<1x512x16xf32, #tpu.memory_space<hbm>>
      %dma_start3A_136 = tpu.memref_squeeze %dma_start3A_135 : memref<1x512x16xf32, #tpu.memory_space<hbm>> -> memref<512x16xf32, #tpu.memory_space<hbm>>
      %dma_start3A_137 = arith.constant 0 : i32
      %dma_start3A_138 = tpu.memref_slice %arg6[%arg0, %add3A_110, %dma_start3A_137] : memref<2x100096x16xf32, #tpu.memory_space<hbm>> -> memref<1x512x16xf32, #tpu.memory_space<hbm>>
      %dma_start3A_139 = tpu.memref_squeeze %dma_start3A_138 : memref<1x512x16xf32, #tpu.memory_space<hbm>> -> memref<512x16xf32, #tpu.memory_space<hbm>>
      tpu.enqueue_dma source(%arg10 : memref<512x16xf32, #tpu.memory_space<vmem>>) target(%dma_start3A_139 : memref<512x16xf32, #tpu.memory_space<hbm>>) target_semaphore(%run_scoped3A : memref<!tpu.dma_semaphore, #tpu.memory_space<semaphore_mem>>)
      %dma_wait3A_140 = arith.constant 0 : i32
      %dma_wait3A_141 = tpu.memref_slice %arg6[%arg0, %add3A_110, %dma_wait3A_140] : memref<2x100096x16xf32, #tpu.memory_space<hbm>> -> memref<1x512x16xf32, #tpu.memory_space<hbm>>
      %dma_wait3A_142 = tpu.memref_squeeze %dma_wait3A_141 : memref<1x512x16xf32, #tpu.memory_space<hbm>> -> memref<512x16xf32, #tpu.memory_space<hbm>>
      %dma_wait3A_143 = arith.constant 0 : i32
      %dma_wait3A_144 = tpu.memref_slice %arg6[%arg0, %add3A_110, %dma_wait3A_143] : memref<2x100096x16xf32, #tpu.memory_space<hbm>> -> memref<1x512x16xf32, #tpu.memory_space<hbm>>
      %dma_wait3A_145 = tpu.memref_squeeze %dma_wait3A_144 : memref<1x512x16xf32, #tpu.memory_space<hbm>> -> memref<512x16xf32, #tpu.memory_space<hbm>>
      tpu.wait_dma2 semaphore(%run_scoped3A : memref<!tpu.dma_semaphore, #tpu.memory_space<semaphore_mem>>) src(%arg10 : memref<512x16xf32, #tpu.memory_space<vmem>>) dst(%dma_wait3A_145 : memref<512x16xf32, #tpu.memory_space<hbm>>)
      tpu.yield
    }) : () -> ()
    %mul3A_111 = arith.constant 6256 : i32
    %mul3A_112 = arith.muli %arg1, %mul3A_111 : i32
    %add3A_113 = arith.constant 3584 : i32
    %add3A_114 = arith.addi %mul3A_112, %add3A_113 : i32
    "tpu.region"() ({
      %run_scoped3A = tpu.sem_alloc : memref<!tpu.dma_semaphore, #tpu.memory_space<semaphore_mem>>
      %dma_start3A = arith.constant 0 : i32
      %dma_start3A_135 = tpu.memref_slice %arg15[%add3A_114, %dma_start3A] : memref<100096x16xf32, #tpu.memory_space<vmem_shared>> -> memref<512x16xf32, #tpu.memory_space<vmem_shared>>
      %dma_start3A_136 = arith.constant 0 : i32
      %dma_start3A_137 = tpu.memref_slice %arg15[%add3A_114, %dma_start3A_136] : memref<100096x16xf32, #tpu.memory_space<vmem_shared>> -> memref<512x16xf32, #tpu.memory_space<vmem_shared>>
      tpu.enqueue_dma source(%dma_start3A_137 : memref<512x16xf32, #tpu.memory_space<vmem_shared>>) target(%arg10 : memref<512x16xf32, #tpu.memory_space<vmem>>) target_semaphore(%run_scoped3A : memref<!tpu.dma_semaphore, #tpu.memory_space<semaphore_mem>>)
      %dma_wait3A_138 = arith.constant 0 : i32
      %dma_wait3A_139 = tpu.memref_slice %arg15[%add3A_114, %dma_wait3A_138] : memref<100096x16xf32, #tpu.memory_space<vmem_shared>> -> memref<512x16xf32, #tpu.memory_space<vmem_shared>>
      %dma_wait3A_140 = arith.constant 0 : i32
      %dma_wait3A_141 = tpu.memref_slice %arg15[%add3A_114, %dma_wait3A_140] : memref<100096x16xf32, #tpu.memory_space<vmem_shared>> -> memref<512x16xf32, #tpu.memory_space<vmem_shared>>
      tpu.wait_dma2 semaphore(%run_scoped3A : memref<!tpu.dma_semaphore, #tpu.memory_space<semaphore_mem>>) src(%dma_wait3A_141 : memref<512x16xf32, #tpu.memory_space<vmem_shared>>) dst(%arg10 : memref<512x16xf32, #tpu.memory_space<vmem>>)
      tpu.yield
    }) : () -> ()
    "tpu.region"() ({
      %run_scoped3A = tpu.sem_alloc : memref<!tpu.dma_semaphore, #tpu.memory_space<semaphore_mem>>
      %dma_start3A = arith.constant 0 : i32
      %dma_start3A_135 = tpu.memref_slice %arg6[%arg0, %add3A_114, %dma_start3A] : memref<2x100096x16xf32, #tpu.memory_space<hbm>> -> memref<1x512x16xf32, #tpu.memory_space<hbm>>
      %dma_start3A_136 = tpu.memref_squeeze %dma_start3A_135 : memref<1x512x16xf32, #tpu.memory_space<hbm>> -> memref<512x16xf32, #tpu.memory_space<hbm>>
      %dma_start3A_137 = arith.constant 0 : i32
      %dma_start3A_138 = tpu.memref_slice %arg6[%arg0, %add3A_114, %dma_start3A_137] : memref<2x100096x16xf32, #tpu.memory_space<hbm>> -> memref<1x512x16xf32, #tpu.memory_space<hbm>>
      %dma_start3A_139 = tpu.memref_squeeze %dma_start3A_138 : memref<1x512x16xf32, #tpu.memory_space<hbm>> -> memref<512x16xf32, #tpu.memory_space<hbm>>
      tpu.enqueue_dma source(%arg10 : memref<512x16xf32, #tpu.memory_space<vmem>>) target(%dma_start3A_139 : memref<512x16xf32, #tpu.memory_space<hbm>>) target_semaphore(%run_scoped3A : memref<!tpu.dma_semaphore, #tpu.memory_space<semaphore_mem>>)
      %dma_wait3A_140 = arith.constant 0 : i32
      %dma_wait3A_141 = tpu.memref_slice %arg6[%arg0, %add3A_114, %dma_wait3A_140] : memref<2x100096x16xf32, #tpu.memory_space<hbm>> -> memref<1x512x16xf32, #tpu.memory_space<hbm>>
      %dma_wait3A_142 = tpu.memref_squeeze %dma_wait3A_141 : memref<1x512x16xf32, #tpu.memory_space<hbm>> -> memref<512x16xf32, #tpu.memory_space<hbm>>
      %dma_wait3A_143 = arith.constant 0 : i32
      %dma_wait3A_144 = tpu.memref_slice %arg6[%arg0, %add3A_114, %dma_wait3A_143] : memref<2x100096x16xf32, #tpu.memory_space<hbm>> -> memref<1x512x16xf32, #tpu.memory_space<hbm>>
      %dma_wait3A_145 = tpu.memref_squeeze %dma_wait3A_144 : memref<1x512x16xf32, #tpu.memory_space<hbm>> -> memref<512x16xf32, #tpu.memory_space<hbm>>
      tpu.wait_dma2 semaphore(%run_scoped3A : memref<!tpu.dma_semaphore, #tpu.memory_space<semaphore_mem>>) src(%arg10 : memref<512x16xf32, #tpu.memory_space<vmem>>) dst(%dma_wait3A_145 : memref<512x16xf32, #tpu.memory_space<hbm>>)
      tpu.yield
    }) : () -> ()
    %mul3A_115 = arith.constant 6256 : i32
    %mul3A_116 = arith.muli %arg1, %mul3A_115 : i32
    %add3A_117 = arith.constant 4096 : i32
    %add3A_118 = arith.addi %mul3A_116, %add3A_117 : i32
    "tpu.region"() ({
      %run_scoped3A = tpu.sem_alloc : memref<!tpu.dma_semaphore, #tpu.memory_space<semaphore_mem>>
      %dma_start3A = arith.constant 0 : i32
      %dma_start3A_135 = tpu.memref_slice %arg15[%add3A_118, %dma_start3A] : memref<100096x16xf32, #tpu.memory_space<vmem_shared>> -> memref<512x16xf32, #tpu.memory_space<vmem_shared>>
      %dma_start3A_136 = arith.constant 0 : i32
      %dma_start3A_137 = tpu.memref_slice %arg15[%add3A_118, %dma_start3A_136] : memref<100096x16xf32, #tpu.memory_space<vmem_shared>> -> memref<512x16xf32, #tpu.memory_space<vmem_shared>>
      tpu.enqueue_dma source(%dma_start3A_137 : memref<512x16xf32, #tpu.memory_space<vmem_shared>>) target(%arg10 : memref<512x16xf32, #tpu.memory_space<vmem>>) target_semaphore(%run_scoped3A : memref<!tpu.dma_semaphore, #tpu.memory_space<semaphore_mem>>)
      %dma_wait3A_138 = arith.constant 0 : i32
      %dma_wait3A_139 = tpu.memref_slice %arg15[%add3A_118, %dma_wait3A_138] : memref<100096x16xf32, #tpu.memory_space<vmem_shared>> -> memref<512x16xf32, #tpu.memory_space<vmem_shared>>
      %dma_wait3A_140 = arith.constant 0 : i32
      %dma_wait3A_141 = tpu.memref_slice %arg15[%add3A_118, %dma_wait3A_140] : memref<100096x16xf32, #tpu.memory_space<vmem_shared>> -> memref<512x16xf32, #tpu.memory_space<vmem_shared>>
      tpu.wait_dma2 semaphore(%run_scoped3A : memref<!tpu.dma_semaphore, #tpu.memory_space<semaphore_mem>>) src(%dma_wait3A_141 : memref<512x16xf32, #tpu.memory_space<vmem_shared>>) dst(%arg10 : memref<512x16xf32, #tpu.memory_space<vmem>>)
      tpu.yield
    }) : () -> ()
    "tpu.region"() ({
      %run_scoped3A = tpu.sem_alloc : memref<!tpu.dma_semaphore, #tpu.memory_space<semaphore_mem>>
      %dma_start3A = arith.constant 0 : i32
      %dma_start3A_135 = tpu.memref_slice %arg6[%arg0, %add3A_118, %dma_start3A] : memref<2x100096x16xf32, #tpu.memory_space<hbm>> -> memref<1x512x16xf32, #tpu.memory_space<hbm>>
      %dma_start3A_136 = tpu.memref_squeeze %dma_start3A_135 : memref<1x512x16xf32, #tpu.memory_space<hbm>> -> memref<512x16xf32, #tpu.memory_space<hbm>>
      %dma_start3A_137 = arith.constant 0 : i32
      %dma_start3A_138 = tpu.memref_slice %arg6[%arg0, %add3A_118, %dma_start3A_137] : memref<2x100096x16xf32, #tpu.memory_space<hbm>> -> memref<1x512x16xf32, #tpu.memory_space<hbm>>
      %dma_start3A_139 = tpu.memref_squeeze %dma_start3A_138 : memref<1x512x16xf32, #tpu.memory_space<hbm>> -> memref<512x16xf32, #tpu.memory_space<hbm>>
      tpu.enqueue_dma source(%arg10 : memref<512x16xf32, #tpu.memory_space<vmem>>) target(%dma_start3A_139 : memref<512x16xf32, #tpu.memory_space<hbm>>) target_semaphore(%run_scoped3A : memref<!tpu.dma_semaphore, #tpu.memory_space<semaphore_mem>>)
      %dma_wait3A_140 = arith.constant 0 : i32
      %dma_wait3A_141 = tpu.memref_slice %arg6[%arg0, %add3A_118, %dma_wait3A_140] : memref<2x100096x16xf32, #tpu.memory_space<hbm>> -> memref<1x512x16xf32, #tpu.memory_space<hbm>>
      %dma_wait3A_142 = tpu.memref_squeeze %dma_wait3A_141 : memref<1x512x16xf32, #tpu.memory_space<hbm>> -> memref<512x16xf32, #tpu.memory_space<hbm>>
      %dma_wait3A_143 = arith.constant 0 : i32
      %dma_wait3A_144 = tpu.memref_slice %arg6[%arg0, %add3A_118, %dma_wait3A_143] : memref<2x100096x16xf32, #tpu.memory_space<hbm>> -> memref<1x512x16xf32, #tpu.memory_space<hbm>>
      %dma_wait3A_145 = tpu.memref_squeeze %dma_wait3A_144 : memref<1x512x16xf32, #tpu.memory_space<hbm>> -> memref<512x16xf32, #tpu.memory_space<hbm>>
      tpu.wait_dma2 semaphore(%run_scoped3A : memref<!tpu.dma_semaphore, #tpu.memory_space<semaphore_mem>>) src(%arg10 : memref<512x16xf32, #tpu.memory_space<vmem>>) dst(%dma_wait3A_145 : memref<512x16xf32, #tpu.memory_space<hbm>>)
      tpu.yield
    }) : () -> ()
    %mul3A_119 = arith.constant 6256 : i32
    %mul3A_120 = arith.muli %arg1, %mul3A_119 : i32
    %add3A_121 = arith.constant 4608 : i32
    %add3A_122 = arith.addi %mul3A_120, %add3A_121 : i32
    "tpu.region"() ({
      %run_scoped3A = tpu.sem_alloc : memref<!tpu.dma_semaphore, #tpu.memory_space<semaphore_mem>>
      %dma_start3A = arith.constant 0 : i32
      %dma_start3A_135 = tpu.memref_slice %arg15[%add3A_122, %dma_start3A] : memref<100096x16xf32, #tpu.memory_space<vmem_shared>> -> memref<512x16xf32, #tpu.memory_space<vmem_shared>>
      %dma_start3A_136 = arith.constant 0 : i32
      %dma_start3A_137 = tpu.memref_slice %arg15[%add3A_122, %dma_start3A_136] : memref<100096x16xf32, #tpu.memory_space<vmem_shared>> -> memref<512x16xf32, #tpu.memory_space<vmem_shared>>
      tpu.enqueue_dma source(%dma_start3A_137 : memref<512x16xf32, #tpu.memory_space<vmem_shared>>) target(%arg10 : memref<512x16xf32, #tpu.memory_space<vmem>>) target_semaphore(%run_scoped3A : memref<!tpu.dma_semaphore, #tpu.memory_space<semaphore_mem>>)
      %dma_wait3A_138 = arith.constant 0 : i32
      %dma_wait3A_139 = tpu.memref_slice %arg15[%add3A_122, %dma_wait3A_138] : memref<100096x16xf32, #tpu.memory_space<vmem_shared>> -> memref<512x16xf32, #tpu.memory_space<vmem_shared>>
      %dma_wait3A_140 = arith.constant 0 : i32
      %dma_wait3A_141 = tpu.memref_slice %arg15[%add3A_122, %dma_wait3A_140] : memref<100096x16xf32, #tpu.memory_space<vmem_shared>> -> memref<512x16xf32, #tpu.memory_space<vmem_shared>>
      tpu.wait_dma2 semaphore(%run_scoped3A : memref<!tpu.dma_semaphore, #tpu.memory_space<semaphore_mem>>) src(%dma_wait3A_141 : memref<512x16xf32, #tpu.memory_space<vmem_shared>>) dst(%arg10 : memref<512x16xf32, #tpu.memory_space<vmem>>)
      tpu.yield
    }) : () -> ()
    "tpu.region"() ({
      %run_scoped3A = tpu.sem_alloc : memref<!tpu.dma_semaphore, #tpu.memory_space<semaphore_mem>>
      %dma_start3A = arith.constant 0 : i32
      %dma_start3A_135 = tpu.memref_slice %arg6[%arg0, %add3A_122, %dma_start3A] : memref<2x100096x16xf32, #tpu.memory_space<hbm>> -> memref<1x512x16xf32, #tpu.memory_space<hbm>>
      %dma_start3A_136 = tpu.memref_squeeze %dma_start3A_135 : memref<1x512x16xf32, #tpu.memory_space<hbm>> -> memref<512x16xf32, #tpu.memory_space<hbm>>
      %dma_start3A_137 = arith.constant 0 : i32
      %dma_start3A_138 = tpu.memref_slice %arg6[%arg0, %add3A_122, %dma_start3A_137] : memref<2x100096x16xf32, #tpu.memory_space<hbm>> -> memref<1x512x16xf32, #tpu.memory_space<hbm>>
      %dma_start3A_139 = tpu.memref_squeeze %dma_start3A_138 : memref<1x512x16xf32, #tpu.memory_space<hbm>> -> memref<512x16xf32, #tpu.memory_space<hbm>>
      tpu.enqueue_dma source(%arg10 : memref<512x16xf32, #tpu.memory_space<vmem>>) target(%dma_start3A_139 : memref<512x16xf32, #tpu.memory_space<hbm>>) target_semaphore(%run_scoped3A : memref<!tpu.dma_semaphore, #tpu.memory_space<semaphore_mem>>)
      %dma_wait3A_140 = arith.constant 0 : i32
      %dma_wait3A_141 = tpu.memref_slice %arg6[%arg0, %add3A_122, %dma_wait3A_140] : memref<2x100096x16xf32, #tpu.memory_space<hbm>> -> memref<1x512x16xf32, #tpu.memory_space<hbm>>
      %dma_wait3A_142 = tpu.memref_squeeze %dma_wait3A_141 : memref<1x512x16xf32, #tpu.memory_space<hbm>> -> memref<512x16xf32, #tpu.memory_space<hbm>>
      %dma_wait3A_143 = arith.constant 0 : i32
      %dma_wait3A_144 = tpu.memref_slice %arg6[%arg0, %add3A_122, %dma_wait3A_143] : memref<2x100096x16xf32, #tpu.memory_space<hbm>> -> memref<1x512x16xf32, #tpu.memory_space<hbm>>
      %dma_wait3A_145 = tpu.memref_squeeze %dma_wait3A_144 : memref<1x512x16xf32, #tpu.memory_space<hbm>> -> memref<512x16xf32, #tpu.memory_space<hbm>>
      tpu.wait_dma2 semaphore(%run_scoped3A : memref<!tpu.dma_semaphore, #tpu.memory_space<semaphore_mem>>) src(%arg10 : memref<512x16xf32, #tpu.memory_space<vmem>>) dst(%dma_wait3A_145 : memref<512x16xf32, #tpu.memory_space<hbm>>)
      tpu.yield
    }) : () -> ()
    %mul3A_123 = arith.constant 6256 : i32
    %mul3A_124 = arith.muli %arg1, %mul3A_123 : i32
    %add3A_125 = arith.constant 5120 : i32
    %add3A_126 = arith.addi %mul3A_124, %add3A_125 : i32
    "tpu.region"() ({
      %run_scoped3A = tpu.sem_alloc : memref<!tpu.dma_semaphore, #tpu.memory_space<semaphore_mem>>
      %dma_start3A = arith.constant 0 : i32
      %dma_start3A_135 = tpu.memref_slice %arg15[%add3A_126, %dma_start3A] : memref<100096x16xf32, #tpu.memory_space<vmem_shared>> -> memref<512x16xf32, #tpu.memory_space<vmem_shared>>
      %dma_start3A_136 = arith.constant 0 : i32
      %dma_start3A_137 = tpu.memref_slice %arg15[%add3A_126, %dma_start3A_136] : memref<100096x16xf32, #tpu.memory_space<vmem_shared>> -> memref<512x16xf32, #tpu.memory_space<vmem_shared>>
      tpu.enqueue_dma source(%dma_start3A_137 : memref<512x16xf32, #tpu.memory_space<vmem_shared>>) target(%arg10 : memref<512x16xf32, #tpu.memory_space<vmem>>) target_semaphore(%run_scoped3A : memref<!tpu.dma_semaphore, #tpu.memory_space<semaphore_mem>>)
      %dma_wait3A_138 = arith.constant 0 : i32
      %dma_wait3A_139 = tpu.memref_slice %arg15[%add3A_126, %dma_wait3A_138] : memref<100096x16xf32, #tpu.memory_space<vmem_shared>> -> memref<512x16xf32, #tpu.memory_space<vmem_shared>>
      %dma_wait3A_140 = arith.constant 0 : i32
      %dma_wait3A_141 = tpu.memref_slice %arg15[%add3A_126, %dma_wait3A_140] : memref<100096x16xf32, #tpu.memory_space<vmem_shared>> -> memref<512x16xf32, #tpu.memory_space<vmem_shared>>
      tpu.wait_dma2 semaphore(%run_scoped3A : memref<!tpu.dma_semaphore, #tpu.memory_space<semaphore_mem>>) src(%dma_wait3A_141 : memref<512x16xf32, #tpu.memory_space<vmem_shared>>) dst(%arg10 : memref<512x16xf32, #tpu.memory_space<vmem>>)
      tpu.yield
    }) : () -> ()
    "tpu.region"() ({
      %run_scoped3A = tpu.sem_alloc : memref<!tpu.dma_semaphore, #tpu.memory_space<semaphore_mem>>
      %dma_start3A = arith.constant 0 : i32
      %dma_start3A_135 = tpu.memref_slice %arg6[%arg0, %add3A_126, %dma_start3A] : memref<2x100096x16xf32, #tpu.memory_space<hbm>> -> memref<1x512x16xf32, #tpu.memory_space<hbm>>
      %dma_start3A_136 = tpu.memref_squeeze %dma_start3A_135 : memref<1x512x16xf32, #tpu.memory_space<hbm>> -> memref<512x16xf32, #tpu.memory_space<hbm>>
      %dma_start3A_137 = arith.constant 0 : i32
      %dma_start3A_138 = tpu.memref_slice %arg6[%arg0, %add3A_126, %dma_start3A_137] : memref<2x100096x16xf32, #tpu.memory_space<hbm>> -> memref<1x512x16xf32, #tpu.memory_space<hbm>>
      %dma_start3A_139 = tpu.memref_squeeze %dma_start3A_138 : memref<1x512x16xf32, #tpu.memory_space<hbm>> -> memref<512x16xf32, #tpu.memory_space<hbm>>
      tpu.enqueue_dma source(%arg10 : memref<512x16xf32, #tpu.memory_space<vmem>>) target(%dma_start3A_139 : memref<512x16xf32, #tpu.memory_space<hbm>>) target_semaphore(%run_scoped3A : memref<!tpu.dma_semaphore, #tpu.memory_space<semaphore_mem>>)
      %dma_wait3A_140 = arith.constant 0 : i32
      %dma_wait3A_141 = tpu.memref_slice %arg6[%arg0, %add3A_126, %dma_wait3A_140] : memref<2x100096x16xf32, #tpu.memory_space<hbm>> -> memref<1x512x16xf32, #tpu.memory_space<hbm>>
      %dma_wait3A_142 = tpu.memref_squeeze %dma_wait3A_141 : memref<1x512x16xf32, #tpu.memory_space<hbm>> -> memref<512x16xf32, #tpu.memory_space<hbm>>
      %dma_wait3A_143 = arith.constant 0 : i32
      %dma_wait3A_144 = tpu.memref_slice %arg6[%arg0, %add3A_126, %dma_wait3A_143] : memref<2x100096x16xf32, #tpu.memory_space<hbm>> -> memref<1x512x16xf32, #tpu.memory_space<hbm>>
      %dma_wait3A_145 = tpu.memref_squeeze %dma_wait3A_144 : memref<1x512x16xf32, #tpu.memory_space<hbm>> -> memref<512x16xf32, #tpu.memory_space<hbm>>
      tpu.wait_dma2 semaphore(%run_scoped3A : memref<!tpu.dma_semaphore, #tpu.memory_space<semaphore_mem>>) src(%arg10 : memref<512x16xf32, #tpu.memory_space<vmem>>) dst(%dma_wait3A_145 : memref<512x16xf32, #tpu.memory_space<hbm>>)
      tpu.yield
    }) : () -> ()
    %mul3A_127 = arith.constant 6256 : i32
    %mul3A_128 = arith.muli %arg1, %mul3A_127 : i32
    %add3A_129 = arith.constant 5632 : i32
    %add3A_130 = arith.addi %mul3A_128, %add3A_129 : i32
    "tpu.region"() ({
      %run_scoped3A = tpu.sem_alloc : memref<!tpu.dma_semaphore, #tpu.memory_space<semaphore_mem>>
      %dma_start3A = arith.constant 0 : i32
      %dma_start3A_135 = tpu.memref_slice %arg15[%add3A_130, %dma_start3A] : memref<100096x16xf32, #tpu.memory_space<vmem_shared>> -> memref<512x16xf32, #tpu.memory_space<vmem_shared>>
      %dma_start3A_136 = arith.constant 0 : i32
      %dma_start3A_137 = tpu.memref_slice %arg15[%add3A_130, %dma_start3A_136] : memref<100096x16xf32, #tpu.memory_space<vmem_shared>> -> memref<512x16xf32, #tpu.memory_space<vmem_shared>>
      tpu.enqueue_dma source(%dma_start3A_137 : memref<512x16xf32, #tpu.memory_space<vmem_shared>>) target(%arg10 : memref<512x16xf32, #tpu.memory_space<vmem>>) target_semaphore(%run_scoped3A : memref<!tpu.dma_semaphore, #tpu.memory_space<semaphore_mem>>)
      %dma_wait3A_138 = arith.constant 0 : i32
      %dma_wait3A_139 = tpu.memref_slice %arg15[%add3A_130, %dma_wait3A_138] : memref<100096x16xf32, #tpu.memory_space<vmem_shared>> -> memref<512x16xf32, #tpu.memory_space<vmem_shared>>
      %dma_wait3A_140 = arith.constant 0 : i32
      %dma_wait3A_141 = tpu.memref_slice %arg15[%add3A_130, %dma_wait3A_140] : memref<100096x16xf32, #tpu.memory_space<vmem_shared>> -> memref<512x16xf32, #tpu.memory_space<vmem_shared>>
      tpu.wait_dma2 semaphore(%run_scoped3A : memref<!tpu.dma_semaphore, #tpu.memory_space<semaphore_mem>>) src(%dma_wait3A_141 : memref<512x16xf32, #tpu.memory_space<vmem_shared>>) dst(%arg10 : memref<512x16xf32, #tpu.memory_space<vmem>>)
      tpu.yield
    }) : () -> ()
    "tpu.region"() ({
      %run_scoped3A = tpu.sem_alloc : memref<!tpu.dma_semaphore, #tpu.memory_space<semaphore_mem>>
      %dma_start3A = arith.constant 0 : i32
      %dma_start3A_135 = tpu.memref_slice %arg6[%arg0, %add3A_130, %dma_start3A] : memref<2x100096x16xf32, #tpu.memory_space<hbm>> -> memref<1x512x16xf32, #tpu.memory_space<hbm>>
      %dma_start3A_136 = tpu.memref_squeeze %dma_start3A_135 : memref<1x512x16xf32, #tpu.memory_space<hbm>> -> memref<512x16xf32, #tpu.memory_space<hbm>>
      %dma_start3A_137 = arith.constant 0 : i32
      %dma_start3A_138 = tpu.memref_slice %arg6[%arg0, %add3A_130, %dma_start3A_137] : memref<2x100096x16xf32, #tpu.memory_space<hbm>> -> memref<1x512x16xf32, #tpu.memory_space<hbm>>
      %dma_start3A_139 = tpu.memref_squeeze %dma_start3A_138 : memref<1x512x16xf32, #tpu.memory_space<hbm>> -> memref<512x16xf32, #tpu.memory_space<hbm>>
      tpu.enqueue_dma source(%arg10 : memref<512x16xf32, #tpu.memory_space<vmem>>) target(%dma_start3A_139 : memref<512x16xf32, #tpu.memory_space<hbm>>) target_semaphore(%run_scoped3A : memref<!tpu.dma_semaphore, #tpu.memory_space<semaphore_mem>>)
      %dma_wait3A_140 = arith.constant 0 : i32
      %dma_wait3A_141 = tpu.memref_slice %arg6[%arg0, %add3A_130, %dma_wait3A_140] : memref<2x100096x16xf32, #tpu.memory_space<hbm>> -> memref<1x512x16xf32, #tpu.memory_space<hbm>>
      %dma_wait3A_142 = tpu.memref_squeeze %dma_wait3A_141 : memref<1x512x16xf32, #tpu.memory_space<hbm>> -> memref<512x16xf32, #tpu.memory_space<hbm>>
      %dma_wait3A_143 = arith.constant 0 : i32
      %dma_wait3A_144 = tpu.memref_slice %arg6[%arg0, %add3A_130, %dma_wait3A_143] : memref<2x100096x16xf32, #tpu.memory_space<hbm>> -> memref<1x512x16xf32, #tpu.memory_space<hbm>>
      %dma_wait3A_145 = tpu.memref_squeeze %dma_wait3A_144 : memref<1x512x16xf32, #tpu.memory_space<hbm>> -> memref<512x16xf32, #tpu.memory_space<hbm>>
      tpu.wait_dma2 semaphore(%run_scoped3A : memref<!tpu.dma_semaphore, #tpu.memory_space<semaphore_mem>>) src(%arg10 : memref<512x16xf32, #tpu.memory_space<vmem>>) dst(%dma_wait3A_145 : memref<512x16xf32, #tpu.memory_space<hbm>>)
      tpu.yield
    }) : () -> ()
    %mul3A_131 = arith.constant 6256 : i32
    %mul3A_132 = arith.muli %arg1, %mul3A_131 : i32
    %add3A_133 = arith.constant 6144 : i32
    %add3A_134 = arith.addi %mul3A_132, %add3A_133 : i32
    "tpu.region"() ({
      %run_scoped3A = tpu.sem_alloc : memref<!tpu.dma_semaphore, #tpu.memory_space<semaphore_mem>>
      %dma_start3A = arith.constant 0 : i32
      %dma_start3A_135 = arith.constant 0 : i32
      %dma_start3A_136 = tpu.memref_slice %arg10[%dma_start3A, %dma_start3A_135] : memref<512x16xf32, #tpu.memory_space<vmem>> -> memref<112x16xf32, #tpu.memory_space<vmem>>
      %dma_start3A_137 = arith.constant 0 : i32
      %dma_start3A_138 = tpu.memref_slice %arg15[%add3A_134, %dma_start3A_137] : memref<100096x16xf32, #tpu.memory_space<vmem_shared>> -> memref<112x16xf32, #tpu.memory_space<vmem_shared>>
      %dma_start3A_139 = arith.constant 0 : i32
      %dma_start3A_140 = arith.constant 0 : i32
      %dma_start3A_141 = tpu.memref_slice %arg10[%dma_start3A_139, %dma_start3A_140] : memref<512x16xf32, #tpu.memory_space<vmem>> -> memref<112x16xf32, #tpu.memory_space<vmem>>
      %dma_start3A_142 = arith.constant 0 : i32
      %dma_start3A_143 = tpu.memref_slice %arg15[%add3A_134, %dma_start3A_142] : memref<100096x16xf32, #tpu.memory_space<vmem_shared>> -> memref<112x16xf32, #tpu.memory_space<vmem_shared>>
      tpu.enqueue_dma source(%dma_start3A_143 : memref<112x16xf32, #tpu.memory_space<vmem_shared>>) target(%dma_start3A_141 : memref<112x16xf32, #tpu.memory_space<vmem>>) target_semaphore(%run_scoped3A : memref<!tpu.dma_semaphore, #tpu.memory_space<semaphore_mem>>)
      %dma_wait3A_144 = arith.constant 0 : i32
      %dma_wait3A_145 = arith.constant 0 : i32
      %dma_wait3A_146 = tpu.memref_slice %arg10[%dma_wait3A_144, %dma_wait3A_145] : memref<512x16xf32, #tpu.memory_space<vmem>> -> memref<112x16xf32, #tpu.memory_space<vmem>>
      %dma_wait3A_147 = arith.constant 0 : i32
      %dma_wait3A_148 = tpu.memref_slice %arg15[%add3A_134, %dma_wait3A_147] : memref<100096x16xf32, #tpu.memory_space<vmem_shared>> -> memref<112x16xf32, #tpu.memory_space<vmem_shared>>
      %dma_wait3A_149 = arith.constant 0 : i32
      %dma_wait3A_150 = arith.constant 0 : i32
      %dma_wait3A_151 = tpu.memref_slice %arg10[%dma_wait3A_149, %dma_wait3A_150] : memref<512x16xf32, #tpu.memory_space<vmem>> -> memref<112x16xf32, #tpu.memory_space<vmem>>
      %dma_wait3A_152 = arith.constant 0 : i32
      %dma_wait3A_153 = tpu.memref_slice %arg15[%add3A_134, %dma_wait3A_152] : memref<100096x16xf32, #tpu.memory_space<vmem_shared>> -> memref<112x16xf32, #tpu.memory_space<vmem_shared>>
      tpu.wait_dma2 semaphore(%run_scoped3A : memref<!tpu.dma_semaphore, #tpu.memory_space<semaphore_mem>>) src(%dma_wait3A_153 : memref<112x16xf32, #tpu.memory_space<vmem_shared>>) dst(%dma_wait3A_151 : memref<112x16xf32, #tpu.memory_space<vmem>>)
      tpu.yield
    }) : () -> ()
    "tpu.region"() ({
      %run_scoped3A = tpu.sem_alloc : memref<!tpu.dma_semaphore, #tpu.memory_space<semaphore_mem>>
      %dma_start3A = arith.constant 0 : i32
      %dma_start3A_135 = arith.constant 0 : i32
      %dma_start3A_136 = tpu.memref_slice %arg10[%dma_start3A, %dma_start3A_135] : memref<512x16xf32, #tpu.memory_space<vmem>> -> memref<112x16xf32, #tpu.memory_space<vmem>>
      %dma_start3A_137 = arith.constant 0 : i32
      %dma_start3A_138 = tpu.memref_slice %arg6[%arg0, %add3A_134, %dma_start3A_137] : memref<2x100096x16xf32, #tpu.memory_space<hbm>> -> memref<1x112x16xf32, #tpu.memory_space<hbm>>
      %dma_start3A_139 = tpu.memref_squeeze %dma_start3A_138 : memref<1x112x16xf32, #tpu.memory_space<hbm>> -> memref<112x16xf32, #tpu.memory_space<hbm>>
      %dma_start3A_140 = arith.constant 0 : i32
      %dma_start3A_141 = tpu.memref_slice %arg6[%arg0, %add3A_134, %dma_start3A_140] : memref<2x100096x16xf32, #tpu.memory_space<hbm>> -> memref<1x112x16xf32, #tpu.memory_space<hbm>>
      %dma_start3A_142 = tpu.memref_squeeze %dma_start3A_141 : memref<1x112x16xf32, #tpu.memory_space<hbm>> -> memref<112x16xf32, #tpu.memory_space<hbm>>
      %dma_start3A_143 = arith.constant 0 : i32
      %dma_start3A_144 = arith.constant 0 : i32
      %dma_start3A_145 = tpu.memref_slice %arg10[%dma_start3A_143, %dma_start3A_144] : memref<512x16xf32, #tpu.memory_space<vmem>> -> memref<112x16xf32, #tpu.memory_space<vmem>>
      tpu.enqueue_dma source(%dma_start3A_145 : memref<112x16xf32, #tpu.memory_space<vmem>>) target(%dma_start3A_142 : memref<112x16xf32, #tpu.memory_space<hbm>>) target_semaphore(%run_scoped3A : memref<!tpu.dma_semaphore, #tpu.memory_space<semaphore_mem>>)
      %dma_wait3A_146 = arith.constant 0 : i32
      %dma_wait3A_147 = arith.constant 0 : i32
      %dma_wait3A_148 = tpu.memref_slice %arg10[%dma_wait3A_146, %dma_wait3A_147] : memref<512x16xf32, #tpu.memory_space<vmem>> -> memref<112x16xf32, #tpu.memory_space<vmem>>
      %dma_wait3A_149 = arith.constant 0 : i32
      %dma_wait3A_150 = tpu.memref_slice %arg6[%arg0, %add3A_134, %dma_wait3A_149] : memref<2x100096x16xf32, #tpu.memory_space<hbm>> -> memref<1x112x16xf32, #tpu.memory_space<hbm>>
      %dma_wait3A_151 = tpu.memref_squeeze %dma_wait3A_150 : memref<1x112x16xf32, #tpu.memory_space<hbm>> -> memref<112x16xf32, #tpu.memory_space<hbm>>
      %dma_wait3A_152 = arith.constant 0 : i32
      %dma_wait3A_153 = tpu.memref_slice %arg6[%arg0, %add3A_134, %dma_wait3A_152] : memref<2x100096x16xf32, #tpu.memory_space<hbm>> -> memref<1x112x16xf32, #tpu.memory_space<hbm>>
      %dma_wait3A_154 = tpu.memref_squeeze %dma_wait3A_153 : memref<1x112x16xf32, #tpu.memory_space<hbm>> -> memref<112x16xf32, #tpu.memory_space<hbm>>
      %dma_wait3A_155 = arith.constant 0 : i32
      %dma_wait3A_156 = arith.constant 0 : i32
      %dma_wait3A_157 = tpu.memref_slice %arg10[%dma_wait3A_155, %dma_wait3A_156] : memref<512x16xf32, #tpu.memory_space<vmem>> -> memref<112x16xf32, #tpu.memory_space<vmem>>
      tpu.wait_dma2 semaphore(%run_scoped3A : memref<!tpu.dma_semaphore, #tpu.memory_space<semaphore_mem>>) src(%dma_wait3A_157 : memref<112x16xf32, #tpu.memory_space<vmem>>) dst(%dma_wait3A_154 : memref<112x16xf32, #tpu.memory_space<hbm>>)
      tpu.yield
    }) : () -> ()
    return
  }
}

module attributes {stable_mosaic.version = 14 : i64} {
  func.func @_tc_body(%arg0: i32, %arg1: memref<4000x9xf32, #tpu.memory_space<vmem>>, %arg2: memref<2x4000x16xf32, #tpu.memory_space<vmem>>, %arg3: memref<4000x9xf32, #tpu.memory_space<vmem>>, %arg4: memref<4000x9xf32, #tpu.memory_space<vmem>>, %arg5: memref<1x9xf32, #tpu.memory_space<vmem>>, %arg6: memref<4000x9xf32, #tpu.memory_space<vmem>>) attributes {dimension_semantics = [#tpu.dimension_semantics<arbitrary>], iteration_bounds = array<i64: 25>, scalar_prefetch = 0 : i64, scratch_operands = 0 : i64, tpu.core_type = #tpu.core_type<tc>, window_params = [{transform_indices = @transform_0, window_bounds = array<i64: 4000, 9>}, {transform_indices = @transform_1, window_bounds = array<i64: 2, 4000, 16>}, {transform_indices = @transform_2, window_bounds = array<i64: 4000, 9>}, {transform_indices = @transform_3, window_bounds = array<i64: 4000, 9>}, {pipeline_mode = #tpu.pipeline_mode<synchronous>, transform_indices = @transform_4, window_bounds = array<i64: 1, 9>}, {transform_indices = @transform_5, window_bounds = array<i64: 4000, 9>}]} {
    %get3A = arith.constant 0 : index
    %get3A_0 = arith.constant 0 : index
    %get3A_1 = arith.constant 0 : index
    %get3A_2 = vector.load %arg2[%get3A, %get3A_0, %get3A_1] : memref<2x4000x16xf32, #tpu.memory_space<vmem>>, vector<1x4000x16xf32>
    %get3A_3 = vector.shape_cast %get3A_2 : vector<1x4000x16xf32> to vector<4000x16xf32>
    %get3A_4 = arith.constant 1 : index
    %get3A_5 = arith.constant 0 : index
    %get3A_6 = arith.constant 0 : index
    %get3A_7 = vector.load %arg2[%get3A_4, %get3A_5, %get3A_6] : memref<2x4000x16xf32, #tpu.memory_space<vmem>>, vector<1x4000x16xf32>
    %get3A_8 = vector.shape_cast %get3A_7 : vector<1x4000x16xf32> to vector<4000x16xf32>
    %add3A = arith.addf %get3A_3, %get3A_8 : vector<4000x16xf32>
    %get3A_9 = arith.constant 0 : index
    %get3A_10 = arith.constant 0 : index
    %get3A_11 = vector.load %arg1[%get3A_9, %get3A_10] : memref<4000x9xf32, #tpu.memory_space<vmem>>, vector<4000x9xf32>
    %slice3A = vector.extract_strided_slice %add3A {offsets = [0, 0], sizes = [4000, 9], strides = [1, 1]} : vector<4000x16xf32> to vector<4000x9xf32>
    %slice3A_12 = vector.extract_strided_slice %add3A {offsets = [0, 9], sizes = [4000, 1], strides = [1, 1]} : vector<4000x16xf32> to vector<4000x1xf32>
    %slice3A_13 = vector.extract_strided_slice %add3A {offsets = [0, 10], sizes = [4000, 1], strides = [1, 1]} : vector<4000x16xf32> to vector<4000x1xf32>
    %max3A = arith.constant 1.000000e+00 : f32
    %max3A_14 = vector.broadcast %max3A : f32 to vector<4000x1xf32>
    %max3A_15 = arith.maximumf %slice3A_13, %max3A_14 : vector<4000x1xf32>
    %mul3A = vector.broadcast %slice3A_12 : vector<4000x1xf32> to vector<4000x9xf32>
    %mul3A_16 = arith.mulf %get3A_11, %mul3A : vector<4000x9xf32>
    %sub3A = arith.subf %slice3A, %mul3A_16 : vector<4000x9xf32>
    %div3A = vector.broadcast %max3A_15 : vector<4000x1xf32> to vector<4000x9xf32>
    %div3A_17 = arith.divf %sub3A, %div3A : vector<4000x9xf32>
    %get3A_18 = arith.constant 0 : index
    %get3A_19 = arith.constant 0 : index
    %get3A_20 = vector.load %arg5[%get3A_18, %get3A_19] : memref<1x9xf32, #tpu.memory_space<vmem>>, vector<1x9xf32>
    %mul3A_21 = vector.broadcast %get3A_20 : vector<1x9xf32> to vector<4000x9xf32>
    %mul3A_22 = arith.mulf %div3A_17, %mul3A_21 : vector<4000x9xf32>
    %get3A_23 = arith.constant 0 : index
    %get3A_24 = arith.constant 0 : index
    %get3A_25 = vector.load %arg3[%get3A_23, %get3A_24] : memref<4000x9xf32, #tpu.memory_space<vmem>>, vector<4000x9xf32>
    %sub3A_26 = arith.subf %mul3A_22, %get3A_25 : vector<4000x9xf32>
    %get3A_27 = arith.constant 0 : index
    %get3A_28 = arith.constant 0 : index
    %get3A_29 = vector.load %arg4[%get3A_27, %get3A_28] : memref<4000x9xf32, #tpu.memory_space<vmem>>, vector<4000x9xf32>
    %add3A_30 = arith.addf %sub3A_26, %get3A_29 : vector<4000x9xf32>
    %mul3A_31 = arith.constant 1.000000e-01 : f32
    %mul3A_32 = vector.broadcast %mul3A_31 : f32 to vector<4000x9xf32>
    %mul3A_33 = arith.mulf %mul3A_32, %add3A_30 : vector<4000x9xf32>
    %sub3A_34 = arith.subf %get3A_11, %mul3A_33 : vector<4000x9xf32>
    %swap3A = arith.constant 0 : index
    %swap3A_35 = arith.constant 0 : index
    %swap3A_36 = vector.load %arg6[%swap3A, %swap3A_35] : memref<4000x9xf32, #tpu.memory_space<vmem>>, vector<4000x9xf32>
    tpu.vector_store %arg6[%swap3A, %swap3A_35], %sub3A_34 {strides = array<i32>} : memref<4000x9xf32, #tpu.memory_space<vmem>>, vector<4000x9xf32>,
    return
  }
  func.func @transform_0(%arg0: i32) -> (i32, i32) {
    %c0_i32 = arith.constant 0 : i32
    %c0_i32_0 = arith.constant 0 : i32
    return %arg0, %c0_i32 : i32, i32
  }
  func.func @transform_1(%arg0: i32) -> (i32, i32, i32) {
    %c0_i32 = arith.constant 0 : i32
    %c0_i32_0 = arith.constant 0 : i32
    %c0_i32_1 = arith.constant 0 : i32
    return %c0_i32, %arg0, %c0_i32_0 : i32, i32, i32
  }
  func.func @transform_2(%arg0: i32) -> (i32, i32) {
    %c0_i32 = arith.constant 0 : i32
    %c0_i32_0 = arith.constant 0 : i32
    return %arg0, %c0_i32 : i32, i32
  }
  func.func @transform_3(%arg0: i32) -> (i32, i32) {
    %c0_i32 = arith.constant 0 : i32
    %c0_i32_0 = arith.constant 0 : i32
    return %arg0, %c0_i32 : i32, i32
  }
  func.func @transform_4(%arg0: i32) -> (i32, i32) {
    %c0_i32 = arith.constant 0 : i32
    %c0_i32_0 = arith.constant 0 : i32
    %c0_i32_1 = arith.constant 0 : i32
    return %c0_i32, %c0_i32_0 : i32, i32
  }
  func.func @transform_5(%arg0: i32) -> (i32, i32) {
    %c0_i32 = arith.constant 0 : i32
    %c0_i32_0 = arith.constant 0 : i32
    return %arg0, %c0_i32 : i32, i32
  }
}

</mosaic_0001>

<sc_bundles>
// kernel: kernel.4.cloned.1.call-start
scs
__scs_entry_jumppad:
0x0: {  	(pc) =	sbr.rel $0x88, $3  }
0x1: {  	(tag) =	ssettag $0x0;
	lr =	simm.s32 $0x1  }
0x2: {  	[smem:$0x3F9B] =	sst lr;
	_ =	strace $0xD0000000  }
0x3: {  	_ = 	snop  }
0x4: {  	_ = 	snop  }
0x5: {  	_ = 	snop  }
0x6: {  	_ = 	snop  }
0x7: {  	_ = 	snop  }
__scs_overlays_trampoline_lowered:
0x8: {  	[smem:$0x3FAA] =	sst s0  }
0x9: {  	[smem:$0x3FAB] =	sst s1  }
0xa: {  	[smem:$0x3FAC] =	sst s2  }
0xb: {  	[smem:$0x3FAD] =	sst s3  }
0xc: {  	[smem:$0x3FAE] =	sst s4  }
0xd: {  	[smem:$0x3FAF] =	sst s5  }
0xe: {  	[smem:$0x3FB0] =	sst s6  }
0xf: {  	[smem:$0x3FB1] =	sst s7  }
0x10: {  	[smem:$0x3FB2] =	sst s8  }
0x11: {  	[smem:$0x3FB3] =	sst s9;
	s0 =	simm.s32 @!p0 $0x0  }
0x12: {  	s1 =	sld [smem:$0x3F99];
	s0 =	simm.s32 @p0 $0x1  }
0x13: {  	[smem:$0x3FB4] =	sst s0;
	s0 =	simm.s32 @!p1 $0x0  }
0x14: {  	s2 =	sld [smem:$0x3F98];
	s0 =	simm.s32 @p1 $0x1  }
0x15: {  	[smem:$0x3FB5] =	sst s0;
	s0 =	simm.s32 @!p2 $0x0  }
0x16: {  	s3 =	sld [smem:$0x3FDB];
	s0 =	simm.s32 @p2 $0x1  }
0x17: {  	s4 =	simm.s32 $0x1BF5;
	[smem:$0x3FB7] =	sst s0  }
0x18: {  	s0 =	sld [smem:$0x3F9A];
	_ =	swait.ge [sflag:s4], $0x0  }
0x19: {  	s7 =	sld [smem:$0x3F9B]  }
0x1a: {  	s8 =	sadd.s32 $0xFFFFE003, lr  }
0x1b: {  	s9 =	sadd.s32 $0xFFFFFEF7, lr;
	s5 =	simm.s32 $0xFFFFFFFF;
	p2 =	slt.u32 s8, $0xFFFFF086  }
0x1c: {  	p1 =	slt.u32 s9, $0xF7A;
	s5 =	simm.s32 @!p2 $0x0  }
0x1d: {  	s5 =	simm.s32 @p1 $0x1;
	p0 =	seq.s32 s7, s2  }
0x1e: {  	s7 =	smul.u32 @!p0 $0xF7A, s2;
	p2 =	seq.s32 @!p0 s5, $0x0  }
0x1f: {  	s9 =	smul.u32 $0xF7A, s1;
	s8 =	simm.s32 @!p0 $0x1BF5;
	p2 =	por !p2, p0  }
0x20: {  	[sflag:s8] =	ssyncset.s32 @!p0 $0xFFFFF086;
	s6 =	sadd.s32 @!p0 s3, s7;
	s7 =	simm.s32 @!p0 $0x108  }
0x21: {  	s3 =	sadd.s32 s3, s9;
	s6 =	sadd.s32 @!p0 $0x88, s6;
	s7 =	simm.s32 @p2 $0x1082  }
0x22: {  	[simem:s7], [sflag:s8] =	dma.local @!p0 [hbm:s6], $0xF7A  }
0x23: {  	s9 =	sor.u32 $0xD0000000, s2;
	s6 =	simm.s32 $0x108;
	_ =	swait.ge @!p0 [sflag:s8], $0x0  }
0x24: {  	s3 =	sadd.s32 $0x88, s3;
	s6 =	simm.s32 @!p1 $0x1082;
	[sflag:s4] =	ssyncset.s32 $0xFFFFF086  }
0x25: {  	[simem:s6], [sflag:s4] =	dma.local [hbm:s3], $0xF7A  }
0x26: {  	[smem:$0x3F9B] =	sst s1;
	(tag) =	ssettag s2;
	_ =	strace s9  }
0x27: {  	s1 =	sld [smem:$0x3FAB]  }
0x28: {  	s2 =	sld [smem:$0x3FAC]  }
0x29: {  	s4 =	sld [smem:$0x3FAE]  }
0x2a: {  	p0 =	seq.s32 s5, $0x0;
	s5 =	sld [smem:$0x3FAF]  }
0x2b: {  	s6 =	sld [smem:$0x3FB0]  }
0x2c: {  	s7 =	sld [smem:$0x3FB1]  }
0x2d: {  	s3 =	simm.s32 $0x108;
	s8 =	sld [smem:$0x3FB2]  }
0x2e: {  	s3 =	simm.s32 @!p0 $0x1082;
	s9 =	sld [smem:$0x3FB3]  }
0x2f: {  	lr =	sadd.s32 s0, s3;
	s0 =	sld [smem:$0x3FAA]  }
0x30: {  	s3 =	sld [smem:$0x3FAD]  }
0x31: {  	[smem:$0x3FB6] =	sst s10  }
0x32: {  	s10 =	sld [smem:$0x3FB4];
	_ =	sdelay $0x3  }
0x33: {  	p0 =	seq.s32 s10, $0x1;
	s10 =	sld [smem:$0x3FB6];
	_ =	sdelay $0x3  }
0x34: {  	[smem:$0x3FB6] =	sst s10  }
0x35: {  	s10 =	sld [smem:$0x3FB5];
	_ =	sdelay $0x3  }
0x36: {  	p1 =	seq.s32 s10, $0x1;
	s10 =	sld [smem:$0x3FB6];
	_ =	sdelay $0x3  }
0x37: {  	[smem:$0x3FB6] =	sst s10  }
0x38: {  	s10 =	sld [smem:$0x3FB7]  }
0x39: {  	_ = 	snop;
	(pc) =	sbr.ind lr, $3  }
0x3a: {  	_ = 	snop  }
0x3b: {  	_ = 	snop  }
0x3c: {  	p2 =	seq.s32 s10, $0x1;
	s10 =	sld [smem:$0x3FB6]  }
0x3d: {  	_ =	shalt  }
0x3e: {  	_ =	shalt  }
0x3f: {  	_ =	shalt  }
0x40: {  	_ =	shalt  }
0x41: {  	_ =	shalt  }
0x42: {  	_ =	shalt  }
0x43: {  	_ =	shalt  }
0x44: {  	_ =	shalt  }
0x45: {  	_ =	shalt  }
0x46: {  	_ =	shalt  }
0x47: {  	_ =	shalt  }
0x48: {  	_ =	shalt  }
0x49: {  	_ =	shalt  }
0x4a: {  	_ =	shalt  }
0x4b: {  	_ =	shalt  }
0x4c: {  	_ =	shalt  }
0x4d: {  	_ =	shalt  }
0x4e: {  	_ =	shalt  }
0x4f: {  	_ =	shalt  }
0x50: {  	_ =	shalt  }
0x51: {  	_ =	shalt  }
0x52: {  	_ =	shalt  }
0x53: {  	_ =	shalt  }
0x54: {  	_ =	shalt  }
0x55: {  	_ =	shalt  }
0x56: {  	_ =	shalt  }
0x57: {  	_ =	shalt  }
0x58: {  	_ =	shalt  }
0x59: {  	_ =	shalt  }
0x5a: {  	_ =	shalt  }
0x5b: {  	_ =	shalt  }
0x5c: {  	_ =	shalt  }
0x5d: {  	_ =	shalt  }
0x5e: {  	_ =	shalt  }
0x5f: {  	_ =	shalt  }
0x60: {  	_ =	shalt  }
0x61: {  	_ =	shalt  }
0x62: {  	_ =	shalt  }
0x63: {  	_ =	shalt  }
0x64: {  	_ =	shalt  }
0x65: {  	_ =	shalt  }
0x66: {  	_ =	shalt  }
0x67: {  	_ =	shalt  }
0x68: {  	_ =	shalt  }
0x69: {  	_ =	shalt  }
0x6a: {  	_ =	shalt  }
0x6b: {  	_ =	shalt  }
0x6c: {  	_ =	shalt  }
0x6d: {  	_ =	shalt  }
0x6e: {  	_ =	shalt  }
0x6f: {  	_ =	shalt  }
0x70: {  	_ =	shalt  }
0x71: {  	_ =	shalt  }
0x72: {  	_ =	shalt  }
0x73: {  	_ =	shalt  }
0x74: {  	_ =	shalt  }
0x75: {  	_ =	shalt  }
0x76: {  	_ =	shalt  }
0x77: {  	_ =	shalt  }
0x78: {  	_ =	shalt  }
0x79: {  	_ =	shalt  }
0x7a: {  	_ =	shalt  }
0x7b: {  	_ =	shalt  }
0x7c: {  	_ =	shalt  }
0x7d: {  	_ =	shalt  }
0x7e: {  	_ =	shalt  }
0x7f: {  	_ =	shalt  }
0x80: {  	_ =	shalt  }
0x81: {  	_ =	shalt  }
0x82: {  	_ =	shalt  }
0x83: {  	_ =	shalt  }
0x84: {  	_ =	shalt  }
0x85: {  	_ =	shalt  }
0x86: {  	_ =	shalt  }
0x87: {  	_ =	shalt  }
.Lfunc_end0:
.L_simem_size_0:
called_computation_lowered:
.L_overlay_start_0:
0x88: {  	s2 =	sld [smem:$0x3FD9]  }
0x89: {  	s3 =	sld [smem:$0x3FFE];
	_ =	sdelay $0x1  }
0x8a: {  	s1 =	srdreg.scid  }
0x8b: {  	s0 =	sand.u32 $0x1, s1  }
0x8c: {  	s17 =	sshll.u32 s0, $0xA;
	s2 =	sadd.s32 s3, s2  }
0x8d: {  	s2 =	sadd.s32 s2, s17  }
0x8e: {  	[smem:$0x3FC2] =	sst s2  }
0x8f: {  	_ = 	snop  }
0x90: {  	s2 =	sld [smem:$0x3FC7]  }
0x91: {  	s18 =	sld [smem:$0x3FD0];
	(tm) =	ssettm $0x1  }
0x92: {  	s4 =	sld [smem:$0x3FFB];
	_ =	sdelay $0x3  }
0x93: {  	_ =	strace s4  }
0x94: {  	s4 =	sld [smem:$0x3FFC];
	_ =	sdelay $0x3  }
0x95: {  	_ =	strace s4  }
0x96: {  	s4 =	sld [smem:$0x3FFD];
	_ =	sdelay $0x3  }
0x97: {  	_ =	strace s4  }
0x98: {  	_ =	strace $0x8FFFFFFF  }
0x99: {  	s19 =	sld [smem:$0x3FDB];
	_ =	sdelay $0x1  }
0x9a: {  	s5 =	simm.s32 $_scs_section_size  }
0x9b: {  	s6 =	simm.s32 $_size__tile_overlayer_lowered;
	s7 =	simm.s32 $_tile_overlayer_lowered  }
0x9c: {  	s22 =	simm.s32 $0x1BFF;
	s21 =	sshll.u32 s7, $0x1;
	s4 =	sadd.s32 s5, s19  }
0x9d: {  	s8 =	simm.s32 $0x0;
	s20 =	sshll.u32 s6, $0x1;
	s6 =	sadd.s32 s21, s4  }
0x9e: {  	[timem:s8], [sflag:s22] =	dma.local [hbm:s6], s20  }
0x9f: {  	_ =	swait.ge [sflag:s22], s20  }
0xa0: {  	s5 =	ssub.s32 $0x0, s20;
	[sflag:s22] =	ssyncset.done $0x0  }
0xa1: {  	[sflag:s22] =	ssyncadd.s32 s5;
	_ =	sdelay $0x1  }
0xa2: {  	s23 =	simm.s32 $0x1B8B  }
0xa3: {  	_ =	swait.ge [sflag:s23], $0x1  }
0xa4: {  	[sflag:s23] =	ssyncset.done $0x0  }
0xa5: {  	s25 =	simm.s32 $0x1B8E;
	s24 =	sld [smem:$0x3FFE];
	[sflag:s23] =	ssyncadd.s32 $0xFFFFFFFF  }
0xa6: {  	s26 =	simm.s32 $execute0_lowered;
	[smem:$0x3FD2] =	sst s25  }
0xa7: {  	s6 =	sshll.u32 s26, $0x1;
	_ =	strace $0x80000046;
	[dreg:$0x1] =	wrdreg $0xFFFFFFFF  }
0xa8: {  	s28 =	simm.s32 $_size_execute0_lowered;
	s4 =	sadd.s32 s4, s6;
	[dreg:$0x0] =	wrdreg $0x0  }
0xa9: {  	s6 =	sshll.u32 s28, $0x1;
	[dreg:$0x2] =	wrdreg s4  }
0xaa: {  	[dreg:$0x3] =	wrdreg s6  }
0xab: {  	[dreg:$0x4] =	wrdreg $0xC0  }
0xac: {  	_ =	task [dreg:s8], $0x5FFFF  }
0xad: {  	[dreg:$0x1] =	wrdreg $0xFFFFFFFF  }
0xae: {  	[dreg:$0x0] =	wrdreg $0x60  }
0xaf: {  	[dreg:$0x2] =	wrdreg s18  }
0xb0: {  	[dreg:$0x3] =	wrdreg s24  }
0xb1: {  	[dreg:$0x4] =	wrdreg s2  }
0xb2: {  	[dreg:$0x5] =	wrdreg $0x4C000  }
0xb3: {  	[dreg:$0x6] =	wrdreg $0x9  }
0xb4: {  	_ =	task.clear_ibuf [dreg:s8], $0x7FFFF;
	_ =	strace $0x90000046  }
0xb5: {  	s29 =	simm.s32 $0x9;
	_ =	strace $0x80000048  }
0xb6: {  	_ =	swait.ge [sflag:s29], $0x1  }
0xb7: {  	[sflag:s29] =	ssyncadd.s32 $0xFFFFFFFF  }
0xb8: {  	_ =	strace $0x90000048  }
0xb9: {  	_ =	sfence  }
0xba: {  	s30 =	sld [smem:$0x0];
	_ =	sdelay $0x2  }
0xbb: {  	s31 =	sshll.u32 s1, $0xD;
	s1 =	sshrl.u32 s1, $0x2  }
0xbc: {  	s3 =	sand.u32 $0x4000, s31;
	s1 =	sadd.s32 s1, s30  }
0xbd: {  	s0 =	sor.u32 s3, s0;
	s1 =	sshll.u32 s1, $0x11  }
0xbe: {  	s0 =	sor.u32 s1, s0  }
0xbf: {  	s0 =	sadd.s32 $0x8F2B, s0  }
0xc0: {  	[sflag:s0] =	ssyncadd.remote.s32 $0x1  }
0xc1: {  	_ =	sfence.sel $0xFFFF  }
0xc2: {  	[dreg:$0x0] =	wrdreg $0xFFFFFFFF;
	(pc) =	sbr.abs _section_cstart, $3  }
0xc3: {  	[dreg:$0x1] =	wrdreg $0xFFFFFFFF  }
0xc4: {  	_ =	task.clear_ibuf [dreg:s8], $0x2FFFF;
	_ =	strace $0x9FFFFFFF  }
0xc5: {  	(tm) =	ssettm $0x7FFFFFFF  }
tec
execute0_lowered:
.L_overlay_start_1:
0x0: {  	(tag) =	ssettag $0x1  }
0x1: {  	s0 =	srdreg.scid;
	s3 =	rddreg [dreg:$0x1]  }
0x2: {  	s26 =	stileid.u32;
	s1 =	simm.s32 $0x0;
	s29 =	simm.s32 $0x3C00  }
0x3: {  	s31 =	simm.s32 $0x4400;
	s2 =	sand.u32 $0x1, s0;
	s4 =	smul.u32 $0x18700, s26  }
0x4: {  	[smem:$0x7FF] =	sst s1;
	s6 =	sadd.s32 $0xC5200, s3;
	s0 =	ssub.s32 $0x2, s2  }
0x5: {  	s9 =	smul.u32 $0x187000, s2;
	s2 =	sshll.u32 s2, $0x4;
	s5 =	sshrl.u32 s0, $0x1  }
0x6: {  	s7 =	sadd.s32 $0x4000, s4;
	s8 =	sadd.s32 $0x6000, s4;
	s10 =	sadd.s32 $0x8000, s4  }
0x7: {  	s11 =	sadd.s32 $0xA000, s4;
	s12 =	sadd.s32 $0xC000, s4;
	s15 =	sadd.s32 $0xE000, s4  }
0x8: {  	s17 =	sadd.s32 $0x10000, s4;
	s18 =	sadd.s32 $0x12000, s4;
	s24 =	sadd.s32 $0x14000, s4  }
0x9: {  	s2 =	sor.u32 s26, s2;
	s26 =	simm.s32 $0x3400;
	s0 =	ssub.s32 s0, s5  }
0xa: {  	s5 =	sadd.s32 $0x2000, s4;
	s13 =	sadd.s32 s4, s9;
	s16 =	sadd.s32 s9, s7  }
0xb: {  	s19 =	sadd.s32 s9, s8;
	s22 =	sadd.s32 s9, s11;
	s23 =	sadd.s32 s9, s12  }
0xc: {  	s25 =	sadd.s32 s9, s15;
	s13 =	sshrl.u32 s13, $0x3;
	s14 =	sadd.s32 s9, s5  }
0xd: {  	p0 =	slt.u32 s2, $0x15;
	s13 =	sadd.s32 s6, s13;
	s14 =	sshrl.u32 s14, $0x3  }
0xe: {  	[dreg:$0x5] =	wrdreg s13;
	s13 =	sadd.s32 s6, s14;
	s14 =	sshrl.u32 s19, $0x3  }
0xf: {  	s19 =	sadd.s32 s9, s17;
	[dreg:$0x6] =	wrdreg s13;
	s13 =	sshrl.u32 s16, $0x3  }
0x10: {  	s16 =	sadd.s32 s9, s10;
	s20 =	sadd.s32 s6, s14;
	s14 =	sshrl.u32 s23, $0x3  }
0x11: {  	s13 =	sadd.s32 s6, s13;
	[dreg:$0x8] =	wrdreg s20;
	s21 =	sshrl.u32 s16, $0x3  }
0x12: {  	s14 =	sadd.s32 s6, s14;
	s16 =	sshrl.u32 s25, $0x3;
	[dreg:$0x7] =	wrdreg s13  }
0x13: {  	s20 =	sadd.s32 s9, s18;
	s13 =	sadd.s32 s6, s21;
	[dreg:$0xb] =	wrdreg s14  }
0x14: {  	s14 =	sshrl.u32 s20, $0x3;
	s21 =	sadd.s32 s9, s24;
	[dreg:$0x9] =	wrdreg s13  }
0x15: {  	s13 =	sshrl.u32 s22, $0x3;
	s22 =	sadd.s32 s6, s14;
	s14 =	rddreg [dreg:$0x2]  }
0x16: {  	s23 =	sshrl.u32 s21, $0x3;
	s13 =	sadd.s32 s6, s13;
	[dreg:$0xe] =	wrdreg s22  }
0x17: {  	s21 =	sadd.s32 $0x16000, s4;
	[dreg:$0xa] =	wrdreg s13;
	s13 =	sadd.s32 s6, s16  }
0x18: {  	s25 =	sadd.s32 s9, s21;
	[dreg:$0xc] =	wrdreg s13;
	s13 =	sshrl.u32 s19, $0x3  }
0x19: {  	s16 =	rddreg [dreg:$0x3];
	s19 =	sshrl.u32 s25, $0x3;
	s13 =	sadd.s32 s6, s13  }
0x1a: {  	s22 =	sadd.s32 $0x18000, s4;
	s19 =	sadd.s32 s6, s19;
	[dreg:$0xd] =	wrdreg s13  }
0x1b: {  	s9 =	sadd.s32 s9, s22;
	s13 =	sadd.s32 s6, s23;
	[dreg:$0x10] =	wrdreg s19  }
0x1c: {  	s0 =	smax.u32 s0, $0x1;
	s9 =	sshrl.u32 s9, $0x3;
	[dreg:$0xf] =	wrdreg s13  }
0x1d: {  	s4 =	sadd.s32 s4, s16;
	s6 =	sadd.s32 s6, s9;
	s13 =	rddreg [dreg:$0x0]  }
0x1e: {  	s19 =	sadd.s32 $0x1800, s3;
	s3 =	sadd.s32 $0xC4E00, s3;
	[dreg:$0x11] =	wrdreg s6  }
0x1f: {  	s7 =	sadd.s32 s7, s16;
	_ =	strace $0x80000047;
	[dreg:$0x12] =	wrdreg s3  }
0x20: {  	s20 =	sadd.s32 s10, s16;
	s6 =	sadd.s32 s5, s16;
	[dreg:$0x13] =	wrdreg s4  }
0x21: {  	s25 =	sadd.s32 s12, s16;
	s9 =	sadd.s32 s8, s16;
	[dreg:$0x14] =	wrdreg s6  }
0x22: {  	s28 =	sadd.s32 s15, s16;
	s30 =	sadd.s32 s17, s16;
	[dreg:$0x16] =	wrdreg s9  }
0x23: {  	s10 =	sadd.s32 s18, s16;
	s23 =	sadd.s32 s11, s16;
	[dreg:$0x17] =	wrdreg s20  }
0x24: {  	s12 =	simm.s32 $0xE00;
	s18 =	simm.s32 $0x1600;
	[dreg:$0x18] =	wrdreg s23  }
0x25: {  	s15 =	simm.s32 $0x1;
	s17 =	simm.s32 $0x2;
	[dreg:$0x19] =	wrdreg s25  }
0x26: {  	s8 =	simm.s32 $0x5;
	s11 =	simm.s32 $0x80;
	[smem:$0x7FC] =	sst s0  }
0x27: {  	s20 =	sadd.s32 s24, s16;
	s23 =	sadd.s32 s21, s16;
	[dreg:$0x1a] =	wrdreg s28  }
0x28: {  	s25 =	sadd.s32 s22, s16;
	s3 =	simm.s32 $0x62;
	[dreg:$0x1b] =	wrdreg s30  }
0x29: {  	s4 =	smul.u32 $0x308, s2;
	s0 =	simm.s32 $0x0;
	[dreg:$0x1c] =	wrdreg s10  }
0x2a: {  	s2 =	sshll.u32 s2, $0x3;
	s9 =	simm.s32 $0x200;
	[smem:$0x7FD] =	sst s0  }
0x2b: {  	s6 =	simm.s32 $0x1E00;
	s21 =	simm.s32 $0x2600;
	[dreg:$0x1d] =	wrdreg s20  }
0x2c: {  	s22 =	simm.s32 $0x2800;
	s24 =	simm.s32 $0x2C00;
	[dreg:$0x1e] =	wrdreg s23  }
0x2d: {  	v0 =	vlaneseq.u32;
	s5 =	sor.u32 $0x6100, s2;
	s2 =	smov.u32 s7;
	[dreg:$0x1f] =	wrdreg s25  }
0x2e: {  	v1 =	vimm.f32 $1.000000000e+00;
	v0 =	vmul.u32 $0x10, v0;
	s3 =	simm.s32 @!p0 $0x61;
	s7 =	simm.s32 $0x600;
	[dreg:$0x15] =	wrdreg s2  }
.LBB2_1:
0x2f: {  	s0 =	rddreg [dreg:$0x12]  }
0x30: {  	[tilespmem:s7], [sflag:$0x5] =	stream.linear.gather [hbm4b:s0+s1], $0x2000, $0x38;
	[tilespmem:$0x1D300] =	vst v63  }
0x31: {  	_ =	swait.ge [sflag:s8], $0x2000  }
0x32: {  	[sflag:s8] =	ssyncset.done $0x0  }
0x33: {  	s0 =	rddreg [dreg:$0x13];
	[sflag:s8] =	ssyncadd.s32 $0xFFFFE000  }
0x34: {  	[spmem:s0] =	stream.linear.scatter [tilespmem:s7], [sflag:$0x5], $0x2000, $0x38;
	[tilespmem:$0x1D300] =	vst v63  }
0x35: {  	_ =	swait.ge [sflag:s8], $0x2000  }
0x36: {  	[sflag:s8] =	ssyncset.done $0x0  }
0x37: {  	s0 =	rddreg [dreg:$0x14];
	[sflag:s8] =	ssyncadd.s32 $0xFFFFE000  }
0x38: {  	[spmem:s0] =	stream.linear.scatter [tilespmem:s7], [sflag:$0x5], $0x2000, $0x38;
	[tilespmem:$0x1D300] =	vst v63  }
0x39: {  	_ =	swait.ge [sflag:s8], $0x2000  }
0x3a: {  	[sflag:s8] =	ssyncset.done $0x0  }
0x3b: {  	[sflag:s8] =	ssyncadd.s32 $0xFFFFE000  }
0x3c: {  	[spmem:s2] =	stream.linear.scatter [tilespmem:s7], [sflag:$0x5], $0x2000, $0x38;
	[tilespmem:$0x1D300] =	vst v63  }
0x3d: {  	_ =	swait.ge [sflag:s8], $0x2000  }
0x3e: {  	[sflag:s8] =	ssyncset.done $0x0  }
0x3f: {  	s2 =	rddreg [dreg:$0x16];
	[sflag:s8] =	ssyncadd.s32 $0xFFFFE000  }
0x40: {  	[spmem:s2] =	stream.linear.scatter [tilespmem:s7], [sflag:$0x5], $0x2000, $0x38;
	[tilespmem:$0x1D300] =	vst v63  }
0x41: {  	_ =	swait.ge [sflag:s8], $0x2000  }
0x42: {  	[sflag:s8] =	ssyncset.done $0x0  }
0x43: {  	s2 =	rddreg [dreg:$0x17];
	[sflag:s8] =	ssyncadd.s32 $0xFFFFE000  }
0x44: {  	[spmem:s2] =	stream.linear.scatter [tilespmem:s7], [sflag:$0x5], $0x2000, $0x38;
	[tilespmem:$0x1D300] =	vst v63  }
0x45: {  	_ =	swait.ge [sflag:s8], $0x2000  }
0x46: {  	[sflag:s8] =	ssyncset.done $0x0  }
0x47: {  	s2 =	rddreg [dreg:$0x18];
	[sflag:s8] =	ssyncadd.s32 $0xFFFFE000  }
0x48: {  	[spmem:s2] =	stream.linear.scatter [tilespmem:s7], [sflag:$0x5], $0x2000, $0x38;
	[tilespmem:$0x1D300] =	vst v63  }
0x49: {  	_ =	swait.ge [sflag:s8], $0x2000  }
0x4a: {  	[sflag:s8] =	ssyncset.done $0x0  }
0x4b: {  	s2 =	rddreg [dreg:$0x19];
	[sflag:s8] =	ssyncadd.s32 $0xFFFFE000  }
0x4c: {  	[spmem:s2] =	stream.linear.scatter [tilespmem:s7], [sflag:$0x5], $0x2000, $0x38;
	[tilespmem:$0x1D300] =	vst v63  }
0x4d: {  	_ =	swait.ge [sflag:s8], $0x2000  }
0x4e: {  	[sflag:s8] =	ssyncset.done $0x0  }
0x4f: {  	[sflag:s8] =	ssyncadd.s32 $0xFFFFE000  }
0x50: {  	[spmem:s28] =	stream.linear.scatter [tilespmem:s7], [sflag:$0x5], $0x2000, $0x38;
	[tilespmem:$0x1D300] =	vst v63  }
0x51: {  	_ =	swait.ge [sflag:s8], $0x2000  }
0x52: {  	[sflag:s8] =	ssyncset.done $0x0  }
0x53: {  	[sflag:s8] =	ssyncadd.s32 $0xFFFFE000  }
0x54: {  	[spmem:s30] =	stream.linear.scatter [tilespmem:s7], [sflag:$0x5], $0x2000, $0x38;
	[tilespmem:$0x1D300] =	vst v63  }
0x55: {  	_ =	swait.ge [sflag:s8], $0x2000  }
0x56: {  	[sflag:s8] =	ssyncset.done $0x0  }
0x57: {  	[sflag:s8] =	ssyncadd.s32 $0xFFFFE000  }
0x58: {  	[spmem:s10] =	stream.linear.scatter [tilespmem:s7], [sflag:$0x5], $0x2000, $0x38;
	[tilespmem:$0x1D300] =	vst v63  }
0x59: {  	_ =	swait.ge [sflag:s8], $0x2000  }
0x5a: {  	[sflag:s8] =	ssyncset.done $0x0  }
0x5b: {  	[sflag:s8] =	ssyncadd.s32 $0xFFFFE000  }
0x5c: {  	[spmem:s20] =	stream.linear.scatter [tilespmem:s7], [sflag:$0x5], $0x2000, $0x38;
	[tilespmem:$0x1D300] =	vst v63  }
0x5d: {  	_ =	swait.ge [sflag:s8], $0x2000  }
0x5e: {  	[sflag:s8] =	ssyncset.done $0x0  }
0x5f: {  	[sflag:s8] =	ssyncadd.s32 $0xFFFFE000  }
0x60: {  	[spmem:s23] =	stream.linear.scatter [tilespmem:s7], [sflag:$0x5], $0x2000, $0x38;
	[tilespmem:$0x1D300] =	vst v63  }
0x61: {  	_ =	swait.ge [sflag:s8], $0x2000  }
0x62: {  	[sflag:s8] =	ssyncset.done $0x0  }
0x63: {  	[sflag:s8] =	ssyncadd.s32 $0xFFFFE000  }
0x64: {  	[spmem:s25] =	stream.linear.scatter [tilespmem:s7], [sflag:$0x5], $0x700, $0x38;
	[tilespmem:$0x1D300] =	vst v63  }
0x65: {  	_ =	swait.ge [sflag:s8], $0x700  }
0x66: {  	[sflag:s8] =	ssyncset.done $0x0  }
0x67: {  	s28 =	simm.s32 $0x0;
	s20 =	simm.s32 $0x400;
	[sflag:s8] =	ssyncadd.s32 $0xFFFFF900  }
0x68: {  	s23 =	simm.s32 $0x100;
	s25 =	simm.s32 $0x180;
	[bflag:$0x0] =	sbarrier.arrive $0xFFFF  }
.LBB2_2:
0x69: {  	s0 =	sshll.u32 s28, $0x3;
	p1 =	slt.u32 s28, $0x61  }
0x6a: {  	s2 =	smov.u32 s5;
	p0 =	seq.s32 s28, $0x0;
	s0 =	sadd.s32 s4, s0  }
0x6b: {  	s2 =	smov.u32 @p1 s0;
	s0 =	simm.s32 @!p0 $0x3  }
0x6c: {  	_ =	swait.ge @!p0 [sflag:s0], $0x2000;
	s2 =	sshll.u32 s2, $0x7  }
0x6d: {  	[sflag:s0] =	ssyncset.done @!p0 $0x0;
	s30 =	sshrl.u32 s2, $0x3  }
0x6e: {  	[sflag:s0] =	ssyncadd.s32 @!p0 $0xFFFFE000;
	s10 =	sadd.s32 s19, s30  }
0x6f: {  	[tilespmem:s1], [sflag:$0x5] =	stream.linear.gather [hbm4b:s10+s1], $0x200, $0x38;
	[tilespmem:$0x1D300] =	vst v63  }
0x70: {  	s10 =	sadd.s32 $0x30D400, s2;
	_ =	swait.ge [sflag:s8], $0x200  }
0x71: {  	s0 =	sshrl.u32 s10, $0x3;
	[sflag:s8] =	ssyncset.done $0x0  }
0x72: {  	s0 =	sadd.s32 s19, s0;
	[sflag:s8] =	ssyncadd.s32 $0xFFFFFE00  }
0x73: {  	[tilespmem:s9], [sflag:$0x5] =	stream.linear.gather [hbm4b:s0+s1], $0x200, $0x38;
	[tilespmem:$0x1D300] =	vst v63  }
0x74: {  	_ =	swait.ge [sflag:s8], $0x200  }
0x75: {  	[sflag:s8] =	ssyncset.done $0x0  }
0x76: {  	s10 =	sadd.s32 s14, s30;
	[sflag:s8] =	ssyncadd.s32 $0xFFFFFE00  }
0x77: {  	[tilespmem:s20], [sflag:$0x5] =	stream.linear.gather [hbm4b:s10+s1], $0x200, $0x38;
	[tilespmem:$0x1D300] =	vst v63  }
0x78: {  	_ =	swait.ge [sflag:s8], $0x200  }
0x79: {  	[sflag:s8] =	ssyncset.done $0x0  }
0x7a: {  	[sflag:s8] =	ssyncadd.s32 $0xFFFFFE00  }
0x7b: {  	[tilespmem:s7], [sflag:$0x1] =	stream.indirect.gather [hbm4b:s13+s11], $0x10, s1, s11, $0xb8;
	[tilespmem:$0x1D300] =	vst v63  }
0x7c: {  	_ = 	snop  }
0x7d: {  	[tilespmem:s12], [sflag:$0x1] =	stream.indirect.gather [hbm4b:s13+s11], $0x10, s11, s11, $0xb8;
	[tilespmem:$0x1D300] =	vst v63  }
0x7e: {  	_ = 	snop  }
0x7f: {  	[tilespmem:s18], [sflag:$0x1] =	stream.indirect.gather [hbm4b:s13+s11], $0x10, s23, s11, $0xb8;
	[tilespmem:$0x1D300] =	vst v63  }
0x80: {  	s0 =	simm.s32 @!p0 $0x4  }
0x81: {  	[tilespmem:s6], [sflag:$0x1] =	stream.indirect.gather [hbm4b:s13+s11], $0x10, s25, s11, $0xb8;
	[tilespmem:$0x1D300] =	vst v63  }
0x82: {  	_ =	swait.ge @!p0 [sflag:s0], $0x2000  }
0x83: {  	s30 =	sor.u32 $0x40, s30;
	[sflag:s0] =	ssyncset.done @!p0 $0x0  }
0x84: {  	s10 =	simm.s32 $0x0;
	[sflag:s0] =	ssyncadd.s32 @!p0 $0xFFFFE000;
	s0 =	sadd.s32 s19, s30  }
0x85: {  	[tilespmem:s21], [sflag:$0x5] =	stream.linear.gather [hbm4b:s0+s10], $0x200, $0x38;
	[tilespmem:$0x1D300] =	vst v63  }
0x86: {  	s2 =	sadd.s32 $0x30D600, s2;
	_ =	swait.ge [sflag:s8], $0x200  }
0x87: {  	s0 =	sshrl.u32 s2, $0x3;
	[sflag:s8] =	ssyncset.done $0x0  }
0x88: {  	s0 =	sadd.s32 s19, s0;
	[sflag:s8] =	ssyncadd.s32 $0xFFFFFE00  }
0x89: {  	[tilespmem:s22], [sflag:$0x5] =	stream.linear.gather [hbm4b:s0+s10], $0x200, $0x38;
	[tilespmem:$0x1D300] =	vst v63  }
0x8a: {  	_ =	swait.ge [sflag:s8], $0x200  }
0x8b: {  	[sflag:s8] =	ssyncset.done $0x0  }
0x8c: {  	s2 =	simm.s32 $0x2A00;
	s0 =	sadd.s32 s14, s30;
	[sflag:s8] =	ssyncadd.s32 $0xFFFFFE00  }
0x8d: {  	[tilespmem:s2], [sflag:$0x5] =	stream.linear.gather [hbm4b:s0+s10], $0x200, $0x38;
	[tilespmem:$0x1D300] =	vst v63  }
0x8e: {  	_ =	swait.ge [sflag:s8], $0x200  }
0x8f: {  	[sflag:s8] =	ssyncset.done $0x0  }
0x90: {  	[sflag:s8] =	ssyncadd.s32 $0xFFFFFE00  }
0x91: {  	[tilespmem:s24], [sflag:$0x2] =	stream.indirect.gather [hbm4b:s13+s11], $0x10, s21, s11, $0xb8;
	[tilespmem:$0x1D300] =	vst v63  }
0x92: {  	s2 =	simm.s32 $0x2680  }
0x93: {  	[tilespmem:s26], [sflag:$0x2] =	stream.indirect.gather [hbm4b:s13+s11], $0x10, s2, s11, $0xb8;
	[tilespmem:$0x1D300] =	vst v63  }
0x94: {  	v2 =	vmov s10;
	s10 =	simm.s32 $0x2700  }
0x95: {  	v2 =	vshll.u32 v2, $0x4;
	[tilespmem:s29], [sflag:$0x2] =	stream.indirect.gather [hbm4b:s13+s11], $0x10, s10, s11, $0xb8;
	[tilespmem:$0x1D300] =	vst v63  }
0x96: {  	v2 =	vor.u32 v0, v2;
	s2 =	simm.s32 $0x2780  }
0x97: {  	[tilespmem:s31], [sflag:$0x2] =	stream.indirect.gather [hbm4b:s13+s11], $0x10, s2, s11, $0xb8;
	[tilespmem:$0x1D300] =	vst v63  }
0x98: {  	_ =	swait.ge [sflag:s15], $0x2000  }
0x99: {  	[sflag:s15] =	ssyncset.done $0x0  }
0x9a: {  	[sflag:s15] =	ssyncadd.s32 $0xFFFFE000  }
0x9b: {  	s30 =	simm.s32 $0x400;
	v3 =	vld.idx.msk [tilespmem:v2+s7+$0x0], $0xffff  }
0x9c: {  	v4 =	vld [tilespmem:s30+$0x0];
	_ =	sdelay $0x2  }
0x9d: {  	v5 =	vor.u32 $0x1, v2;
	_ =	sdelay $0x1  }
0x9e: {  	v3 =	vmul.f32 v3, v4;
	_ =	sdelay $0x1  }
0x9f: {  	[tilespmem:v2+s7+$0x0] =	vst.idx.msk $0xffff, v3  }
0xa0: {  	v3 =	vld.idx.msk [tilespmem:v5+s7+$0x0], $0xffff;
	_ =	sdelay $0x2  }
0xa1: {  	v6 =	vor.u32 $0x2, v2;
	_ =	sdelay $0x1  }
0xa2: {  	v3 =	vmul.f32 v3, v4;
	_ =	sdelay $0x1  }
0xa3: {  	[tilespmem:v5+s7+$0x0] =	vst.idx.msk $0xffff, v3  }
0xa4: {  	v3 =	vld.idx.msk [tilespmem:v6+s7+$0x0], $0xffff;
	_ =	sdelay $0x2  }
0xa5: {  	v5 =	vor.u32 $0x3, v2;
	_ =	sdelay $0x1  }
0xa6: {  	v3 =	vmul.f32 v3, v4;
	_ =	sdelay $0x1  }
0xa7: {  	[tilespmem:v6+s7+$0x0] =	vst.idx.msk $0xffff, v3  }
0xa8: {  	v3 =	vld.idx.msk [tilespmem:v5+s7+$0x0], $0xffff;
	_ =	sdelay $0x2  }
0xa9: {  	v60 =	vor.u32 $0x4, v2;
	_ =	sdelay $0x1  }
0xaa: {  	v3 =	vmul.f32 v3, v4;
	_ =	sdelay $0x1  }
0xab: {  	[tilespmem:v5+s7+$0x0] =	vst.idx.msk $0xffff, v3  }
0xac: {  	v3 =	vld.idx.msk [tilespmem:v60+s7+$0x0], $0xffff;
	_ =	sdelay $0x2  }
0xad: {  	v5 =	vor.u32 $0x5, v2;
	_ =	sdelay $0x1  }
0xae: {  	v3 =	vmul.f32 v3, v4;
	_ =	sdelay $0x1  }
0xaf: {  	[tilespmem:v60+s7+$0x0] =	vst.idx.msk $0xffff, v3  }
0xb0: {  	v3 =	vld.idx.msk [tilespmem:v5+s7+$0x0], $0xffff;
	_ =	sdelay $0x2  }
0xb1: {  	v61 =	vor.u32 $0x6, v2;
	_ =	sdelay $0x1  }
0xb2: {  	v3 =	vmul.f32 v3, v4;
	_ =	sdelay $0x1  }
0xb3: {  	[tilespmem:v5+s7+$0x0] =	vst.idx.msk $0xffff, v3  }
0xb4: {  	v3 =	vld.idx.msk [tilespmem:v61+s7+$0x0], $0xffff;
	_ =	sdelay $0x2  }
0xb5: {  	v5 =	vor.u32 $0x7, v2;
	_ =	sdelay $0x1  }
0xb6: {  	v3 =	vmul.f32 v3, v4;
	_ =	sdelay $0x1  }
0xb7: {  	[tilespmem:v61+s7+$0x0] =	vst.idx.msk $0xffff, v3  }
0xb8: {  	v3 =	vld.idx.msk [tilespmem:v5+s7+$0x0], $0xffff;
	_ =	sdelay $0x2  }
0xb9: {  	v62 =	vor.u32 $0x8, v2;
	_ =	sdelay $0x1  }
0xba: {  	v3 =	vmul.f32 v3, v4;
	_ =	sdelay $0x1  }
0xbb: {  	[tilespmem:v5+s7+$0x0] =	vst.idx.msk $0xffff, v3  }
0xbc: {  	v3 =	vld.idx.msk [tilespmem:v62+s7+$0x0], $0xffff;
	_ =	sdelay $0x2  }
0xbd: {  	v5 =	vor.u32 $0x9, v2;
	_ =	sdelay $0x1  }
0xbe: {  	v3 =	vmul.f32 v3, v4;
	_ =	sdelay $0x1  }
0xbf: {  	[tilespmem:v62+s7+$0x0] =	vst.idx.msk $0xffff, v3  }
0xc0: {  	v3 =	vld.idx.msk [tilespmem:v5+s7+$0x0], $0xffff;
	_ =	sdelay $0x2  }
0xc1: {  	s10 =	simm.s32 $0x10  }
0xc2: {  	v63 =	vmov s10  }
0xc3: {  	v6 =	vshll.u32 v63, $0x4;
	v4 =	vmul.f32 v3, v4;
	v3 =	vor.u32 $0xA, v2  }
0xc4: {  	v2 =	vor.u32 v0, v6;
	_ =	sdelay $0x1  }
0xc5: {  	s0 =	simm.s32 $0x20;
	[tilespmem:v5+s7+$0x0] =	vst.idx.msk $0xffff, v4  }
.LBB2_3:
0xc6: {  	p0 =	sne.s32 s0, $0x1F0  }
0xc7: {  	[tilespmem:v3+s7+$0x0] =	vst.idx.msk $0xffff, v1;
	s30 =	sadd.s32 $0x10, s30;
	s2 =	smov.u32 s0;
	s0 =	sadd.s32 $0x10, s0  }
0xc8: {  	v3 =	vld.idx.msk [tilespmem:v2+s7+$0x0], $0xffff  }
0xc9: {  	v4 =	vld [tilespmem:s30+$0x0];
	_ =	sdelay $0x2  }
0xca: {  	v5 =	vor.u32 $0x1, v2;
	_ =	sdelay $0x1  }
0xcb: {  	v3 =	vmul.f32 v3, v4;
	_ =	sdelay $0x1  }
0xcc: {  	[tilespmem:v2+s7+$0x0] =	vst.idx.msk $0xffff, v3  }
0xcd: {  	v3 =	vld.idx.msk [tilespmem:v5+s7+$0x0], $0xffff;
	_ =	sdelay $0x3  }
0xce: {  	v6 =	vor.u32 $0x2, v2;
	_ =	sdelay $0x1  }
0xcf: {  	v3 =	vmul.f32 v3, v4;
	_ =	sdelay $0x1  }
0xd0: {  	[tilespmem:v5+s7+$0x0] =	vst.idx.msk $0xffff, v3  }
0xd1: {  	v3 =	vld.idx.msk [tilespmem:v6+s7+$0x0], $0xffff;
	_ =	sdelay $0x3  }
0xd2: {  	v5 =	vor.u32 $0x3, v2;
	_ =	sdelay $0x1  }
0xd3: {  	v3 =	vmul.f32 v3, v4;
	_ =	sdelay $0x1  }
0xd4: {  	[tilespmem:v6+s7+$0x0] =	vst.idx.msk $0xffff, v3  }
0xd5: {  	v3 =	vld.idx.msk [tilespmem:v5+s7+$0x0], $0xffff;
	_ =	sdelay $0x3  }
0xd6: {  	v6 =	vor.u32 $0x4, v2;
	_ =	sdelay $0x1  }
0xd7: {  	v3 =	vmul.f32 v3, v4;
	_ =	sdelay $0x1  }
0xd8: {  	[tilespmem:v5+s7+$0x0] =	vst.idx.msk $0xffff, v3  }
0xd9: {  	v3 =	vld.idx.msk [tilespmem:v6+s7+$0x0], $0xffff;
	_ =	sdelay $0x3  }
0xda: {  	v5 =	vor.u32 $0x5, v2;
	_ =	sdelay $0x1  }
0xdb: {  	v3 =	vmul.f32 v3, v4;
	_ =	sdelay $0x1  }
0xdc: {  	[tilespmem:v6+s7+$0x0] =	vst.idx.msk $0xffff, v3  }
0xdd: {  	v3 =	vld.idx.msk [tilespmem:v5+s7+$0x0], $0xffff;
	_ =	sdelay $0x3  }
0xde: {  	v6 =	vor.u32 $0x6, v2;
	_ =	sdelay $0x1  }
0xdf: {  	v3 =	vmul.f32 v3, v4;
	_ =	sdelay $0x1  }
0xe0: {  	[tilespmem:v5+s7+$0x0] =	vst.idx.msk $0xffff, v3  }
0xe1: {  	v3 =	vld.idx.msk [tilespmem:v6+s7+$0x0], $0xffff;
	_ =	sdelay $0x3  }
0xe2: {  	v5 =	vor.u32 $0x7, v2;
	_ =	sdelay $0x1  }
0xe3: {  	v3 =	vmul.f32 v3, v4;
	_ =	sdelay $0x1  }
0xe4: {  	[tilespmem:v6+s7+$0x0] =	vst.idx.msk $0xffff, v3  }
0xe5: {  	v3 =	vld.idx.msk [tilespmem:v5+s7+$0x0], $0xffff;
	_ =	sdelay $0x3  }
0xe6: {  	v6 =	vor.u32 $0x8, v2;
	_ =	sdelay $0x1  }
0xe7: {  	v3 =	vmul.f32 v3, v4;
	_ =	sdelay $0x1  }
0xe8: {  	[tilespmem:v5+s7+$0x0] =	vst.idx.msk $0xffff, v3  }
0xe9: {  	v3 =	vld.idx.msk [tilespmem:v6+s7+$0x0], $0xffff;
	_ =	sdelay $0x3  }
0xea: {  	v5 =	vor.u32 $0x9, v2;
	_ =	sdelay $0x1  }
0xeb: {  	v3 =	vmul.f32 v3, v4;
	_ =	sdelay $0x1  }
0xec: {  	[tilespmem:v6+s7+$0x0] =	vst.idx.msk $0xffff, v3  }
0xed: {  	v6 =	vld.idx.msk [tilespmem:v5+s7+$0x0], $0xffff;
	_ =	sdelay $0x2  }
0xee: {  	v3 =	vmov s2  }
.Ltmp0:
0xef: {  	v7 =	vshll.u32 v3, $0x4;
	v3 =	vor.u32 $0xA, v2;
	(pc) =	sbr.rel @p0 .LBB2_3-.Ltmp0, $3  }
0xf0: {  	v2 =	vor.u32 v0, v7  }
0xf1: {  	v4 =	vmul.f32 v6, v4;
	_ =	sdelay $0x1  }
0xf2: {  	[tilespmem:v5+s7+$0x0] =	vst.idx.msk $0xffff, v4  }
0xf3: {  	_ =	sdelay $0x3  }
0xf4: {  	[tilespmem:v3+s7+$0x0] =	vst.idx.msk $0xffff, v1  }
0xf5: {  	s0 =	sadd.s32 $0x10, s30;
	v3 =	vld.idx.msk [tilespmem:v2+s7+$0x0], $0xffff  }
0xf6: {  	v4 =	vld [tilespmem:s0+$0x0];
	_ =	sdelay $0x2  }
0xf7: {  	v5 =	vor.u32 $0x1, v2;
	_ =	sdelay $0x1  }
0xf8: {  	v3 =	vmul.f32 v3, v4;
	_ =	sdelay $0x1  }
0xf9: {  	[tilespmem:v2+s7+$0x0] =	vst.idx.msk $0xffff, v3  }
0xfa: {  	v3 =	vld.idx.msk [tilespmem:v5+s7+$0x0], $0xffff;
	_ =	sdelay $0x2  }
0xfb: {  	v6 =	vor.u32 $0x2, v2;
	_ =	sdelay $0x1  }
0xfc: {  	v3 =	vmul.f32 v3, v4;
	_ =	sdelay $0x1  }
0xfd: {  	[tilespmem:v5+s7+$0x0] =	vst.idx.msk $0xffff, v3  }
0xfe: {  	v3 =	vld.idx.msk [tilespmem:v6+s7+$0x0], $0xffff;
	_ =	sdelay $0x2  }
0xff: {  	v5 =	vor.u32 $0x3, v2;
	_ =	sdelay $0x1  }
0x100: {  	v3 =	vmul.f32 v3, v4;
	_ =	sdelay $0x1  }
0x101: {  	[tilespmem:v6+s7+$0x0] =	vst.idx.msk $0xffff, v3  }
0x102: {  	v3 =	vld.idx.msk [tilespmem:v5+s7+$0x0], $0xffff;
	_ =	sdelay $0x2  }
0x103: {  	v56 =	vor.u32 $0x4, v2;
	_ =	sdelay $0x1  }
0x104: {  	v3 =	vmul.f32 v3, v4;
	_ =	sdelay $0x1  }
0x105: {  	[tilespmem:v5+s7+$0x0] =	vst.idx.msk $0xffff, v3  }
0x106: {  	v3 =	vld.idx.msk [tilespmem:v56+s7+$0x0], $0xffff;
	_ =	sdelay $0x2  }
0x107: {  	v5 =	vor.u32 $0x5, v2;
	_ =	sdelay $0x1  }
0x108: {  	v3 =	vmul.f32 v3, v4;
	_ =	sdelay $0x1  }
0x109: {  	[tilespmem:v56+s7+$0x0] =	vst.idx.msk $0xffff, v3  }
0x10a: {  	v3 =	vld.idx.msk [tilespmem:v5+s7+$0x0], $0xffff;
	_ =	sdelay $0x2  }
0x10b: {  	v57 =	vor.u32 $0x6, v2;
	_ =	sdelay $0x1  }
0x10c: {  	v3 =	vmul.f32 v3, v4;
	_ =	sdelay $0x1  }
0x10d: {  	[tilespmem:v5+s7+$0x0] =	vst.idx.msk $0xffff, v3  }
0x10e: {  	v3 =	vld.idx.msk [tilespmem:v57+s7+$0x0], $0xffff;
	_ =	sdelay $0x2  }
0x10f: {  	v5 =	vor.u32 $0x7, v2;
	_ =	sdelay $0x1  }
0x110: {  	v3 =	vmul.f32 v3, v4;
	_ =	sdelay $0x1  }
0x111: {  	[tilespmem:v57+s7+$0x0] =	vst.idx.msk $0xffff, v3  }
0x112: {  	v3 =	vld.idx.msk [tilespmem:v5+s7+$0x0], $0xffff;
	_ =	sdelay $0x2  }
0x113: {  	v58 =	vor.u32 $0x8, v2;
	_ =	sdelay $0x1  }
0x114: {  	v3 =	vmul.f32 v3, v4;
	_ =	sdelay $0x1  }
0x115: {  	[tilespmem:v5+s7+$0x0] =	vst.idx.msk $0xffff, v3  }
0x116: {  	v3 =	vld.idx.msk [tilespmem:v58+s7+$0x0], $0xffff;
	_ =	sdelay $0x2  }
0x117: {  	v5 =	vor.u32 $0x9, v2;
	_ =	sdelay $0x1  }
0x118: {  	v3 =	vmul.f32 v3, v4;
	_ =	sdelay $0x1  }
0x119: {  	[tilespmem:v58+s7+$0x0] =	vst.idx.msk $0xffff, v3  }
0x11a: {  	v3 =	vld.idx.msk [tilespmem:v5+s7+$0x0], $0xffff;
	_ =	sdelay $0x2  }
0x11b: {  	v2 =	vor.u32 $0xA, v2;
	_ =	sdelay $0x1  }
0x11c: {  	v3 =	vmul.f32 v3, v4;
	_ =	sdelay $0x1  }
0x11d: {  	[tilespmem:v5+s7+$0x0] =	vst.idx.msk $0xffff, v3  }
0x11e: {  	[tilespmem:v2+s7+$0x0] =	vst.idx.msk $0xffff, v1  }
0x11f: {  	[spmem:s16] =	stream.indirect.scatter.add.f32 [tilespmem:s7], [sflag:$0x3], $0x10, s9, s11, $0xb8;
	[tilespmem:$0x1D300] =	vst v63  }
0x120: {  	s10 =	simm.s32 $0x280;
	s2 =	simm.s32 $0x0  }
0x121: {  	[spmem:s16] =	stream.indirect.scatter.add.f32 [tilespmem:s12], [sflag:$0x3], $0x10, s10, s11, $0xb8;
	[tilespmem:$0x1D300] =	vst v63  }
0x122: {  	v2 =	vmov s2;
	s10 =	simm.s32 $0x300  }
0x123: {  	v2 =	vshll.u32 v2, $0x4;
	[spmem:s16] =	stream.indirect.scatter.add.f32 [tilespmem:s18], [sflag:$0x3], $0x10, s10, s11, $0xb8;
	[tilespmem:$0x1D300] =	vst v63  }
0x124: {  	s2 =	simm.s32 $0x380;
	v2 =	vor.u32 v0, v2  }
0x125: {  	[spmem:s16] =	stream.indirect.scatter.add.f32 [tilespmem:s6], [sflag:$0x3], $0x10, s2, s11, $0xb8;
	[tilespmem:$0x1D300] =	vst v63  }
0x126: {  	_ =	swait.ge [sflag:s17], $0x2000  }
0x127: {  	[sflag:s17] =	ssyncset.done $0x0  }
0x128: {  	[sflag:s17] =	ssyncadd.s32 $0xFFFFE000  }
0x129: {  	s30 =	simm.s32 $0x2A00;
	v3 =	vld.idx.msk [tilespmem:v2+s24+$0x0], $0xffff  }
0x12a: {  	v4 =	vld [tilespmem:s30+$0x0];
	_ =	sdelay $0x2  }
0x12b: {  	v5 =	vor.u32 $0x1, v2;
	_ =	sdelay $0x1  }
0x12c: {  	v3 =	vmul.f32 v3, v4;
	_ =	sdelay $0x1  }
0x12d: {  	[tilespmem:v2+s24+$0x0] =	vst.idx.msk $0xffff, v3  }
0x12e: {  	v3 =	vld.idx.msk [tilespmem:v5+s24+$0x0], $0xffff;
	_ =	sdelay $0x2  }
0x12f: {  	v59 =	vor.u32 $0x2, v2;
	_ =	sdelay $0x1  }
0x130: {  	v3 =	vmul.f32 v3, v4;
	_ =	sdelay $0x1  }
0x131: {  	[tilespmem:v5+s24+$0x0] =	vst.idx.msk $0xffff, v3  }
0x132: {  	v3 =	vld.idx.msk [tilespmem:v59+s24+$0x0], $0xffff;
	_ =	sdelay $0x2  }
0x133: {  	v5 =	vor.u32 $0x3, v2;
	_ =	sdelay $0x1  }
0x134: {  	v3 =	vmul.f32 v3, v4;
	_ =	sdelay $0x1  }
0x135: {  	[tilespmem:v59+s24+$0x0] =	vst.idx.msk $0xffff, v3  }
0x136: {  	v3 =	vld.idx.msk [tilespmem:v5+s24+$0x0], $0xffff;
	_ =	sdelay $0x2  }
0x137: {  	v60 =	vor.u32 $0x4, v2;
	_ =	sdelay $0x1  }
0x138: {  	v3 =	vmul.f32 v3, v4;
	_ =	sdelay $0x1  }
0x139: {  	[tilespmem:v5+s24+$0x0] =	vst.idx.msk $0xffff, v3  }
0x13a: {  	v3 =	vld.idx.msk [tilespmem:v60+s24+$0x0], $0xffff;
	_ =	sdelay $0x2  }
0x13b: {  	v5 =	vor.u32 $0x5, v2;
	_ =	sdelay $0x1  }
0x13c: {  	v3 =	vmul.f32 v3, v4;
	_ =	sdelay $0x1  }
0x13d: {  	[tilespmem:v60+s24+$0x0] =	vst.idx.msk $0xffff, v3  }
0x13e: {  	v3 =	vld.idx.msk [tilespmem:v5+s24+$0x0], $0xffff;
	_ =	sdelay $0x2  }
0x13f: {  	v61 =	vor.u32 $0x6, v2;
	_ =	sdelay $0x1  }
0x140: {  	v3 =	vmul.f32 v3, v4;
	_ =	sdelay $0x1  }
0x141: {  	[tilespmem:v5+s24+$0x0] =	vst.idx.msk $0xffff, v3  }
0x142: {  	v3 =	vld.idx.msk [tilespmem:v61+s24+$0x0], $0xffff;
	_ =	sdelay $0x2  }
0x143: {  	v5 =	vor.u32 $0x7, v2;
	_ =	sdelay $0x1  }
0x144: {  	v3 =	vmul.f32 v3, v4;
	_ =	sdelay $0x1  }
0x145: {  	[tilespmem:v61+s24+$0x0] =	vst.idx.msk $0xffff, v3  }
0x146: {  	v3 =	vld.idx.msk [tilespmem:v5+s24+$0x0], $0xffff;
	_ =	sdelay $0x2  }
0x147: {  	v62 =	vor.u32 $0x8, v2;
	_ =	sdelay $0x1  }
0x148: {  	v3 =	vmul.f32 v3, v4;
	_ =	sdelay $0x1  }
0x149: {  	[tilespmem:v5+s24+$0x0] =	vst.idx.msk $0xffff, v3  }
0x14a: {  	v3 =	vld.idx.msk [tilespmem:v62+s24+$0x0], $0xffff;
	_ =	sdelay $0x2  }
0x14b: {  	v5 =	vor.u32 $0x9, v2;
	_ =	sdelay $0x1  }
0x14c: {  	v3 =	vmul.f32 v3, v4;
	_ =	sdelay $0x1  }
0x14d: {  	[tilespmem:v62+s24+$0x0] =	vst.idx.msk $0xffff, v3  }
0x14e: {  	v3 =	vld.idx.msk [tilespmem:v5+s24+$0x0], $0xffff;
	_ =	sdelay $0x2  }
0x14f: {  	s10 =	simm.s32 $0x10  }
0x150: {  	v63 =	vmov s10  }
0x151: {  	v6 =	vshll.u32 v63, $0x4;
	v4 =	vmul.f32 v3, v4;
	v3 =	vor.u32 $0xA, v2  }
0x152: {  	v2 =	vor.u32 v0, v6;
	_ =	sdelay $0x1  }
0x153: {  	s0 =	simm.s32 $0x20;
	[tilespmem:v5+s24+$0x0] =	vst.idx.msk $0xffff, v4  }
.LBB2_5:
0x154: {  	p0 =	sne.s32 s0, $0x1F0  }
0x155: {  	[tilespmem:v3+s24+$0x0] =	vst.idx.msk $0xffff, v1;
	s30 =	sadd.s32 $0x10, s30;
	s2 =	smov.u32 s0;
	s0 =	sadd.s32 $0x10, s0  }
0x156: {  	v3 =	vld.idx.msk [tilespmem:v2+s24+$0x0], $0xffff  }
0x157: {  	v4 =	vld [tilespmem:s30+$0x0];
	_ =	sdelay $0x2  }
0x158: {  	v5 =	vor.u32 $0x1, v2;
	_ =	sdelay $0x1  }
0x159: {  	v3 =	vmul.f32 v3, v4;
	_ =	sdelay $0x1  }
0x15a: {  	[tilespmem:v2+s24+$0x0] =	vst.idx.msk $0xffff, v3  }
0x15b: {  	v3 =	vld.idx.msk [tilespmem:v5+s24+$0x0], $0xffff;
	_ =	sdelay $0x3  }
0x15c: {  	v6 =	vor.u32 $0x2, v2;
	_ =	sdelay $0x1  }
0x15d: {  	v3 =	vmul.f32 v3, v4;
	_ =	sdelay $0x1  }
0x15e: {  	[tilespmem:v5+s24+$0x0] =	vst.idx.msk $0xffff, v3  }
0x15f: {  	v3 =	vld.idx.msk [tilespmem:v6+s24+$0x0], $0xffff;
	_ =	sdelay $0x3  }
0x160: {  	v5 =	vor.u32 $0x3, v2;
	_ =	sdelay $0x1  }
0x161: {  	v3 =	vmul.f32 v3, v4;
	_ =	sdelay $0x1  }
0x162: {  	[tilespmem:v6+s24+$0x0] =	vst.idx.msk $0xffff, v3  }
0x163: {  	v3 =	vld.idx.msk [tilespmem:v5+s24+$0x0], $0xffff;
	_ =	sdelay $0x3  }
0x164: {  	v6 =	vor.u32 $0x4, v2;
	_ =	sdelay $0x1  }
0x165: {  	v3 =	vmul.f32 v3, v4;
	_ =	sdelay $0x1  }
0x166: {  	[tilespmem:v5+s24+$0x0] =	vst.idx.msk $0xffff, v3  }
0x167: {  	v3 =	vld.idx.msk [tilespmem:v6+s24+$0x0], $0xffff;
	_ =	sdelay $0x3  }
0x168: {  	v5 =	vor.u32 $0x5, v2;
	_ =	sdelay $0x1  }
0x169: {  	v3 =	vmul.f32 v3, v4;
	_ =	sdelay $0x1  }
0x16a: {  	[tilespmem:v6+s24+$0x0] =	vst.idx.msk $0xffff, v3  }
0x16b: {  	v3 =	vld.idx.msk [tilespmem:v5+s24+$0x0], $0xffff;
	_ =	sdelay $0x3  }
0x16c: {  	v6 =	vor.u32 $0x6, v2;
	_ =	sdelay $0x1  }
0x16d: {  	v3 =	vmul.f32 v3, v4;
	_ =	sdelay $0x1  }
0x16e: {  	[tilespmem:v5+s24+$0x0] =	vst.idx.msk $0xffff, v3  }
0x16f: {  	v3 =	vld.idx.msk [tilespmem:v6+s24+$0x0], $0xffff;
	_ =	sdelay $0x3  }
0x170: {  	v5 =	vor.u32 $0x7, v2;
	_ =	sdelay $0x1  }
0x171: {  	v3 =	vmul.f32 v3, v4;
	_ =	sdelay $0x1  }
0x172: {  	[tilespmem:v6+s24+$0x0] =	vst.idx.msk $0xffff, v3  }
0x173: {  	v3 =	vld.idx.msk [tilespmem:v5+s24+$0x0], $0xffff;
	_ =	sdelay $0x3  }
0x174: {  	v6 =	vor.u32 $0x8, v2;
	_ =	sdelay $0x1  }
0x175: {  	v3 =	vmul.f32 v3, v4;
	_ =	sdelay $0x1  }
0x176: {  	[tilespmem:v5+s24+$0x0] =	vst.idx.msk $0xffff, v3  }
0x177: {  	v3 =	vld.idx.msk [tilespmem:v6+s24+$0x0], $0xffff;
	_ =	sdelay $0x3  }
0x178: {  	v5 =	vor.u32 $0x9, v2;
	_ =	sdelay $0x1  }
0x179: {  	v3 =	vmul.f32 v3, v4;
	_ =	sdelay $0x1  }
0x17a: {  	[tilespmem:v6+s24+$0x0] =	vst.idx.msk $0xffff, v3  }
0x17b: {  	v6 =	vld.idx.msk [tilespmem:v5+s24+$0x0], $0xffff;
	_ =	sdelay $0x2  }
0x17c: {  	v3 =	vmov s2  }
.Ltmp1:
0x17d: {  	v7 =	vshll.u32 v3, $0x4;
	v3 =	vor.u32 $0xA, v2;
	(pc) =	sbr.rel @p0 .LBB2_5-.Ltmp1, $3  }
0x17e: {  	v2 =	vor.u32 v0, v7  }
0x17f: {  	v4 =	vmul.f32 v6, v4;
	_ =	sdelay $0x1  }
0x180: {  	[tilespmem:v5+s24+$0x0] =	vst.idx.msk $0xffff, v4  }
0x181: {  	_ =	sdelay $0x3  }
0x182: {  	[tilespmem:v3+s24+$0x0] =	vst.idx.msk $0xffff, v1  }
0x183: {  	s0 =	sadd.s32 $0x10, s30;
	v3 =	vld.idx.msk [tilespmem:v2+s24+$0x0], $0xffff  }
0x184: {  	v4 =	vld [tilespmem:s0+$0x0];
	_ =	sdelay $0x2  }
0x185: {  	v5 =	vor.u32 $0x1, v2;
	_ =	sdelay $0x1  }
0x186: {  	v3 =	vmul.f32 v3, v4;
	_ =	sdelay $0x1  }
0x187: {  	[tilespmem:v2+s24+$0x0] =	vst.idx.msk $0xffff, v3  }
0x188: {  	v3 =	vld.idx.msk [tilespmem:v5+s24+$0x0], $0xffff;
	_ =	sdelay $0x2  }
0x189: {  	v6 =	vor.u32 $0x2, v2;
	_ =	sdelay $0x1  }
0x18a: {  	v3 =	vmul.f32 v3, v4;
	_ =	sdelay $0x1  }
0x18b: {  	[tilespmem:v5+s24+$0x0] =	vst.idx.msk $0xffff, v3  }
0x18c: {  	v3 =	vld.idx.msk [tilespmem:v6+s24+$0x0], $0xffff;
	_ =	sdelay $0x2  }
0x18d: {  	v57 =	vor.u32 $0x3, v2;
	_ =	sdelay $0x1  }
0x18e: {  	v3 =	vmul.f32 v3, v4;
	_ =	sdelay $0x1  }
0x18f: {  	[tilespmem:v6+s24+$0x0] =	vst.idx.msk $0xffff, v3  }
0x190: {  	v3 =	vld.idx.msk [tilespmem:v57+s24+$0x0], $0xffff;
	_ =	sdelay $0x2  }
0x191: {  	v58 =	vor.u32 $0x4, v2;
	_ =	sdelay $0x1  }
0x192: {  	v3 =	vmul.f32 v3, v4;
	_ =	sdelay $0x1  }
0x193: {  	[tilespmem:v57+s24+$0x0] =	vst.idx.msk $0xffff, v3  }
0x194: {  	v3 =	vld.idx.msk [tilespmem:v58+s24+$0x0], $0xffff;
	_ =	sdelay $0x2  }
0x195: {  	v59 =	vor.u32 $0x5, v2;
	_ =	sdelay $0x1  }
0x196: {  	v3 =	vmul.f32 v3, v4;
	_ =	sdelay $0x1  }
0x197: {  	[tilespmem:v58+s24+$0x0] =	vst.idx.msk $0xffff, v3  }
0x198: {  	v3 =	vld.idx.msk [tilespmem:v59+s24+$0x0], $0xffff;
	_ =	sdelay $0x2  }
0x199: {  	v60 =	vor.u32 $0x6, v2;
	_ =	sdelay $0x1  }
0x19a: {  	v3 =	vmul.f32 v3, v4;
	_ =	sdelay $0x1  }
0x19b: {  	[tilespmem:v59+s24+$0x0] =	vst.idx.msk $0xffff, v3  }
0x19c: {  	v3 =	vld.idx.msk [tilespmem:v60+s24+$0x0], $0xffff;
	_ =	sdelay $0x2  }
0x19d: {  	v61 =	vor.u32 $0x7, v2;
	_ =	sdelay $0x1  }
0x19e: {  	v3 =	vmul.f32 v3, v4;
	_ =	sdelay $0x1  }
0x19f: {  	[tilespmem:v60+s24+$0x0] =	vst.idx.msk $0xffff, v3  }
0x1a0: {  	v3 =	vld.idx.msk [tilespmem:v61+s24+$0x0], $0xffff;
	_ =	sdelay $0x2  }
0x1a1: {  	v62 =	vor.u32 $0x8, v2;
	_ =	sdelay $0x1  }
0x1a2: {  	v3 =	vmul.f32 v3, v4;
	_ =	sdelay $0x1  }
0x1a3: {  	[tilespmem:v61+s24+$0x0] =	vst.idx.msk $0xffff, v3  }
0x1a4: {  	v3 =	vld.idx.msk [tilespmem:v62+s24+$0x0], $0xffff;
	_ =	sdelay $0x2  }
0x1a5: {  	v63 =	vor.u32 $0x9, v2;
	_ =	sdelay $0x1  }
0x1a6: {  	v3 =	vmul.f32 v3, v4;
	_ =	sdelay $0x1  }
0x1a7: {  	[tilespmem:v62+s24+$0x0] =	vst.idx.msk $0xffff, v3  }
0x1a8: {  	v3 =	vld.idx.msk [tilespmem:v63+s24+$0x0], $0xffff;
	_ =	sdelay $0x2  }
0x1a9: {  	v2 =	vor.u32 $0xA, v2;
	_ =	sdelay $0x1  }
0x1aa: {  	v3 =	vmul.f32 v3, v4;
	_ =	sdelay $0x1  }
0x1ab: {  	[tilespmem:v63+s24+$0x0] =	vst.idx.msk $0xffff, v3  }
0x1ac: {  	s28 =	sadd.s32 $0x1, s28;
	[tilespmem:v2+s24+$0x0] =	vst.idx.msk $0xffff, v1  }
0x1ad: {  	[spmem:s16] =	stream.indirect.scatter.add.f32 [tilespmem:s24], [sflag:$0x4], $0x10, s22, s11, $0xb8;
	[tilespmem:$0x1D300] =	vst v63  }
0x1ae: {  	s2 =	simm.s32 $0x2880;
	p0 =	sne.s32 s28, s3  }
0x1af: {  	[spmem:s16] =	stream.indirect.scatter.add.f32 [tilespmem:s26], [sflag:$0x4], $0x10, s2, s11, $0xb8;
	[tilespmem:$0x1D300] =	vst v63  }
.Ltmp2:
0x1b0: {  	_ = 	snop;
	(pc) =	sbr.rel @p0 .LBB2_2-.Ltmp2, $4  }
0x1b1: {  	s10 =	simm.s32 $0x2900  }
0x1b2: {  	[spmem:s16] =	stream.indirect.scatter.add.f32 [tilespmem:s29], [sflag:$0x4], $0x10, s10, s11, $0xb8;
	[tilespmem:$0x1D300] =	vst v63  }
0x1b3: {  	s30 =	simm.s32 $0x2980  }
0x1b4: {  	[spmem:s16] =	stream.indirect.scatter.add.f32 [tilespmem:s31], [sflag:$0x4], $0x10, s30, s11, $0xb8;
	[tilespmem:$0x1D300] =	vst v63  }
0x1b5: {  	s0 =	simm.s32 $0x3  }
0x1b6: {  	_ =	swait.ge [sflag:s0], $0x2000  }
0x1b7: {  	[sflag:s0] =	ssyncset.done $0x0  }
0x1b8: {  	s2 =	simm.s32 $0x4;
	[sflag:s0] =	ssyncadd.s32 $0xFFFFE000  }
0x1b9: {  	_ =	swait.ge [sflag:s2], $0x2000  }
0x1ba: {  	[sflag:s2] =	ssyncset.done $0x0  }
0x1bb: {  	[sflag:s2] =	ssyncadd.s32 $0xFFFFE000  }
0x1bc: {  	[bflag:$0x0] =	sbarrier.arrive $0xFFFF  }
0x1bd: {  	s10 =	rddreg [dreg:$0x13]  }
0x1be: {  	[tilespmem:s7], [sflag:$0x5] =	stream.linear.gather [spmem:s10], $0x2000, $0x38;
	[tilespmem:$0x1D300] =	vst v63  }
0x1bf: {  	_ =	swait.ge [sflag:s8], $0x2000  }
0x1c0: {  	[sflag:s8] =	ssyncset.done $0x0  }
0x1c1: {  	s20 =	rddreg [dreg:$0x5];
	[sflag:s8] =	ssyncadd.s32 $0xFFFFE000  }
0x1c2: {  	[hbm4b:s20+s1] =	stream.linear.scatter [tilespmem:s7], [sflag:$0x5], $0x2000, $0x38;
	[tilespmem:$0x1D300] =	vst v63  }
0x1c3: {  	_ =	swait.ge [sflag:s8], $0x2000  }
0x1c4: {  	[sflag:s8] =	ssyncset.done $0x0  }
0x1c5: {  	s23 =	rddreg [dreg:$0x14];
	[sflag:s8] =	ssyncadd.s32 $0xFFFFE000  }
0x1c6: {  	[tilespmem:s7], [sflag:$0x5] =	stream.linear.gather [spmem:s23], $0x2000, $0x38;
	[tilespmem:$0x1D300] =	vst v63  }
0x1c7: {  	_ =	swait.ge [sflag:s8], $0x2000  }
0x1c8: {  	[sflag:s8] =	ssyncset.done $0x0  }
0x1c9: {  	s25 =	rddreg [dreg:$0x6];
	[sflag:s8] =	ssyncadd.s32 $0xFFFFE000  }
0x1ca: {  	[hbm4b:s25+s1] =	stream.linear.scatter [tilespmem:s7], [sflag:$0x5], $0x2000, $0x38;
	[tilespmem:$0x1D300] =	vst v63  }
0x1cb: {  	_ =	swait.ge [sflag:s8], $0x2000  }
0x1cc: {  	[sflag:s8] =	ssyncset.done $0x0  }
0x1cd: {  	s2 =	rddreg [dreg:$0x15];
	[sflag:s8] =	ssyncadd.s32 $0xFFFFE000  }
0x1ce: {  	[tilespmem:s7], [sflag:$0x5] =	stream.linear.gather [spmem:s2], $0x2000, $0x38;
	[tilespmem:$0x1D300] =	vst v63  }
0x1cf: {  	_ =	swait.ge [sflag:s8], $0x2000  }
0x1d0: {  	[sflag:s8] =	ssyncset.done $0x0  }
0x1d1: {  	s10 =	rddreg [dreg:$0x7];
	[sflag:s8] =	ssyncadd.s32 $0xFFFFE000  }
0x1d2: {  	[hbm4b:s10+s1] =	stream.linear.scatter [tilespmem:s7], [sflag:$0x5], $0x2000, $0x38;
	[tilespmem:$0x1D300] =	vst v63  }
0x1d3: {  	_ =	swait.ge [sflag:s8], $0x2000  }
0x1d4: {  	[sflag:s8] =	ssyncset.done $0x0  }
0x1d5: {  	s20 =	rddreg [dreg:$0x16];
	[sflag:s8] =	ssyncadd.s32 $0xFFFFE000  }
0x1d6: {  	[tilespmem:s7], [sflag:$0x5] =	stream.linear.gather [spmem:s20], $0x2000, $0x38;
	[tilespmem:$0x1D300] =	vst v63  }
0x1d7: {  	_ =	swait.ge [sflag:s8], $0x2000  }
0x1d8: {  	[sflag:s8] =	ssyncset.done $0x0  }
0x1d9: {  	s23 =	rddreg [dreg:$0x8];
	[sflag:s8] =	ssyncadd.s32 $0xFFFFE000  }
0x1da: {  	[hbm4b:s23+s1] =	stream.linear.scatter [tilespmem:s7], [sflag:$0x5], $0x2000, $0x38;
	[tilespmem:$0x1D300] =	vst v63  }
0x1db: {  	_ =	swait.ge [sflag:s8], $0x2000  }
0x1dc: {  	[sflag:s8] =	ssyncset.done $0x0  }
0x1dd: {  	s25 =	rddreg [dreg:$0x17];
	[sflag:s8] =	ssyncadd.s32 $0xFFFFE000  }
0x1de: {  	[tilespmem:s7], [sflag:$0x5] =	stream.linear.gather [spmem:s25], $0x2000, $0x38;
	[tilespmem:$0x1D300] =	vst v63  }
0x1df: {  	_ =	swait.ge [sflag:s8], $0x2000  }
0x1e0: {  	[sflag:s8] =	ssyncset.done $0x0  }
0x1e1: {  	s2 =	rddreg [dreg:$0x9];
	[sflag:s8] =	ssyncadd.s32 $0xFFFFE000  }
0x1e2: {  	[hbm4b:s2+s1] =	stream.linear.scatter [tilespmem:s7], [sflag:$0x5], $0x2000, $0x38;
	[tilespmem:$0x1D300] =	vst v63  }
0x1e3: {  	_ =	swait.ge [sflag:s8], $0x2000  }
0x1e4: {  	[sflag:s8] =	ssyncset.done $0x0  }
0x1e5: {  	s10 =	rddreg [dreg:$0x18];
	[sflag:s8] =	ssyncadd.s32 $0xFFFFE000  }
0x1e6: {  	[tilespmem:s7], [sflag:$0x5] =	stream.linear.gather [spmem:s10], $0x2000, $0x38;
	[tilespmem:$0x1D300] =	vst v63  }
0x1e7: {  	_ =	swait.ge [sflag:s8], $0x2000  }
0x1e8: {  	[sflag:s8] =	ssyncset.done $0x0  }
0x1e9: {  	s20 =	rddreg [dreg:$0xa];
	[sflag:s8] =	ssyncadd.s32 $0xFFFFE000  }
0x1ea: {  	[hbm4b:s20+s1] =	stream.linear.scatter [tilespmem:s7], [sflag:$0x5], $0x2000, $0x38;
	[tilespmem:$0x1D300] =	vst v63  }
0x1eb: {  	_ =	swait.ge [sflag:s8], $0x2000  }
0x1ec: {  	[sflag:s8] =	ssyncset.done $0x0  }
0x1ed: {  	s23 =	rddreg [dreg:$0x19];
	[sflag:s8] =	ssyncadd.s32 $0xFFFFE000  }
0x1ee: {  	[tilespmem:s7], [sflag:$0x5] =	stream.linear.gather [spmem:s23], $0x2000, $0x38;
	[tilespmem:$0x1D300] =	vst v63  }
0x1ef: {  	_ =	swait.ge [sflag:s8], $0x2000  }
0x1f0: {  	[sflag:s8] =	ssyncset.done $0x0  }
0x1f1: {  	s25 =	rddreg [dreg:$0xb];
	[sflag:s8] =	ssyncadd.s32 $0xFFFFE000  }
0x1f2: {  	[hbm4b:s25+s1] =	stream.linear.scatter [tilespmem:s7], [sflag:$0x5], $0x2000, $0x38;
	[tilespmem:$0x1D300] =	vst v63  }
0x1f3: {  	_ =	swait.ge [sflag:s8], $0x2000  }
0x1f4: {  	[sflag:s8] =	ssyncset.done $0x0  }
0x1f5: {  	s28 =	rddreg [dreg:$0x1a];
	[sflag:s8] =	ssyncadd.s32 $0xFFFFE000  }
0x1f6: {  	[tilespmem:s7], [sflag:$0x5] =	stream.linear.gather [spmem:s28], $0x2000, $0x38;
	[tilespmem:$0x1D300] =	vst v63  }
0x1f7: {  	_ =	swait.ge [sflag:s8], $0x2000  }
0x1f8: {  	[sflag:s8] =	ssyncset.done $0x0  }
0x1f9: {  	s2 =	rddreg [dreg:$0xc];
	[sflag:s8] =	ssyncadd.s32 $0xFFFFE000  }
0x1fa: {  	[hbm4b:s2+s1] =	stream.linear.scatter [tilespmem:s7], [sflag:$0x5], $0x2000, $0x38;
	[tilespmem:$0x1D300] =	vst v63  }
0x1fb: {  	_ =	swait.ge [sflag:s8], $0x2000  }
0x1fc: {  	[sflag:s8] =	ssyncset.done $0x0  }
0x1fd: {  	s30 =	rddreg [dreg:$0x1b];
	[sflag:s8] =	ssyncadd.s32 $0xFFFFE000  }
0x1fe: {  	[tilespmem:s7], [sflag:$0x5] =	stream.linear.gather [spmem:s30], $0x2000, $0x38;
	[tilespmem:$0x1D300] =	vst v63  }
0x1ff: {  	_ =	swait.ge [sflag:s8], $0x2000  }
0x200: {  	[sflag:s8] =	ssyncset.done $0x0  }
0x201: {  	s10 =	rddreg [dreg:$0xd];
	[sflag:s8] =	ssyncadd.s32 $0xFFFFE000  }
0x202: {  	[hbm4b:s10+s1] =	stream.linear.scatter [tilespmem:s7], [sflag:$0x5], $0x2000, $0x38;
	[tilespmem:$0x1D300] =	vst v63  }
0x203: {  	_ =	swait.ge [sflag:s8], $0x2000  }
0x204: {  	[sflag:s8] =	ssyncset.done $0x0  }
0x205: {  	s10 =	rddreg [dreg:$0x1c];
	[sflag:s8] =	ssyncadd.s32 $0xFFFFE000  }
0x206: {  	[tilespmem:s7], [sflag:$0x5] =	stream.linear.gather [spmem:s10], $0x2000, $0x38;
	[tilespmem:$0x1D300] =	vst v63  }
0x207: {  	_ =	swait.ge [sflag:s8], $0x2000  }
0x208: {  	[sflag:s8] =	ssyncset.done $0x0  }
0x209: {  	s20 =	rddreg [dreg:$0xe];
	[sflag:s8] =	ssyncadd.s32 $0xFFFFE000  }
0x20a: {  	[hbm4b:s20+s1] =	stream.linear.scatter [tilespmem:s7], [sflag:$0x5], $0x2000, $0x38;
	[tilespmem:$0x1D300] =	vst v63  }
0x20b: {  	_ =	swait.ge [sflag:s8], $0x2000  }
0x20c: {  	[sflag:s8] =	ssyncset.done $0x0  }
0x20d: {  	s20 =	rddreg [dreg:$0x1d];
	[sflag:s8] =	ssyncadd.s32 $0xFFFFE000  }
0x20e: {  	[tilespmem:s7], [sflag:$0x5] =	stream.linear.gather [spmem:s20], $0x2000, $0x38;
	[tilespmem:$0x1D300] =	vst v63  }
0x20f: {  	_ =	swait.ge [sflag:s8], $0x2000  }
0x210: {  	[sflag:s8] =	ssyncset.done $0x0  }
0x211: {  	s23 =	rddreg [dreg:$0xf];
	[sflag:s8] =	ssyncadd.s32 $0xFFFFE000  }
0x212: {  	[hbm4b:s23+s1] =	stream.linear.scatter [tilespmem:s7], [sflag:$0x5], $0x2000, $0x38;
	[tilespmem:$0x1D300] =	vst v63  }
0x213: {  	_ =	swait.ge [sflag:s8], $0x2000  }
0x214: {  	[sflag:s8] =	ssyncset.done $0x0  }
0x215: {  	s23 =	rddreg [dreg:$0x1e];
	[sflag:s8] =	ssyncadd.s32 $0xFFFFE000  }
0x216: {  	[tilespmem:s7], [sflag:$0x5] =	stream.linear.gather [spmem:s23], $0x2000, $0x38;
	[tilespmem:$0x1D300] =	vst v63  }
0x217: {  	_ =	swait.ge [sflag:s8], $0x2000  }
0x218: {  	[sflag:s8] =	ssyncset.done $0x0  }
0x219: {  	s25 =	rddreg [dreg:$0x10];
	[sflag:s8] =	ssyncadd.s32 $0xFFFFE000  }
0x21a: {  	[hbm4b:s25+s1] =	stream.linear.scatter [tilespmem:s7], [sflag:$0x5], $0x2000, $0x38;
	[tilespmem:$0x1D300] =	vst v63  }
0x21b: {  	_ =	swait.ge [sflag:s8], $0x2000  }
0x21c: {  	[sflag:s8] =	ssyncset.done $0x0  }
0x21d: {  	s25 =	rddreg [dreg:$0x1f];
	[sflag:s8] =	ssyncadd.s32 $0xFFFFE000  }
0x21e: {  	[tilespmem:s7], [sflag:$0x5] =	stream.linear.gather [spmem:s25], $0x700, $0x38;
	[tilespmem:$0x1D300] =	vst v63  }
0x21f: {  	_ =	swait.ge [sflag:s8], $0x700  }
0x220: {  	[sflag:s8] =	ssyncset.done $0x0  }
0x221: {  	s2 =	rddreg [dreg:$0x11];
	[sflag:s8] =	ssyncadd.s32 $0xFFFFF900  }
0x222: {  	[hbm4b:s2+s1] =	stream.linear.scatter [tilespmem:s7], [sflag:$0x5], $0x700, $0x38;
	[tilespmem:$0x1D300] =	vst v63  }
0x223: {  	_ =	swait.ge [sflag:s8], $0x700  }
0x224: {  	s2 =	sld [smem:$0x7FD]  }
0x225: {  	s0 =	sld [smem:$0x7FC];
	_ =	sdelay $0x1  }
0x226: {  	s2 =	sadd.s32 $0x1, s2  }
0x227: {  	p0 =	sne.s32 s2, s0  }
.Ltmp3:
0x228: {  	_ = 	snop;
	(pc) =	sbr.rel @p0 .LBB2_1-.Ltmp3, $3  }
0x229: {  	_ =	sdelay $0x1  }
0x22a: {  	[sflag:s8] =	ssyncset.done $0x0;
	[smem:$0x7FD] =	sst s2  }
0x22b: {  	[sflag:s8] =	ssyncadd.s32 $0xFFFFF900;
	s2 =	rddreg [dreg:$0x15]  }
0x22c: {  	_ =	sfence.sel $0x180000  }
0x22d: {  	[bflag:$0x0] =	sbarrier.arrive $0xFFFF  }
0x22e: {  	_ =	strace $0x90000047  }
0x22f: {  	s0 =	stileid.u32;
	[bflag:$0x2] =	sbarrier.arrive $0xFFFF  }
0x230: {  	p0 =	sne.s32 s0, $0x0;
	s0 =	rddreg [dreg:$0x4]  }
0x231: {  	s0 =	sadd.s32 @!p0 $0x100000, s0  }
0x232: {  	[sflag:s0] =	ssyncadd.tile.s32 @!p0 $0x1;
	_ =	shalt  }
.Lfunc_end2:
_tile_overlayer_lowered:
.L_overlay_start_2:
0x233: {  	(tag) =	ssettag $0x2  }
0x234: {  	s0 =	rddreg [dreg:$0x0];
	s2 =	stileid.u32  }
0x235: {  	s1 =	rddreg [dreg:$0x1];
	p0 =	sne.s32 s2, $0x0  }
0x236: {  	s3 =	rddreg [dreg:$0x2];
	[bflag:$0x3] =	sbarrier.arrive $0xFFFF;
	s2 =	simm.s32 @!p0 $0x1C05  }
0x237: {  	[timem:s3], [sflag:s2] =	dma.local @!p0 [hbm:s0], s1  }
0x238: {  	s0 =	simm.s32 @!p0 $0x5  }
0x239: {  	_ =	swait.ge @!p0 [sflag:s0], s1  }
0x23a: {  	s1 =	ssub.s32 @!p0 $0x0, s1;
	[sflag:s0] =	ssyncset.done @!p0 $0x0  }
0x23b: {  	[sflag:s0] =	ssyncadd.s32 @!p0 s1  }
0x23c: {  	[bflag:$0x3] =	sbarrier.arrive $0xFFFF  }
0x23d: {  	_ =	shalt  }

</sc_bundles>
